<compile_context>
chip_gen: v7x
topology: tpu7x:2x2x1
jax: 0.10.2.dev20260603
libtpu: 0.0.44.dev20260713+nightly
codegen_flags: <defaults>
</compile_context>

<pallas_src>
import functools

import jax
import jax.numpy as jnp
from jax import lax
from jax.experimental import pallas as pl
from jax.experimental.pallas import tpu as pltpu
from jax.experimental.pallas import tpu_sc as plsc

N_ROWS = 100000
N_COLS = 128
NC = 2
NS = 16
L = 16
GROUPS = N_COLS // L

B_TC = 256
K_TC = 16
ROUNDS_TC = 19
R_TC = K_TC * B_TC * ROUNDS_TC

R_SC = N_ROWS - R_TC
CHUNK = 99
NBUF = 4
ROWS_PER_CORE = R_SC // NC
CHUNKS_PER_W = ROWS_PER_CORE // (NS * CHUNK)

assert ROWS_PER_CORE % (NS * CHUNK) == 0
assert CHUNK % 9 == 0

_mesh = plsc.VectorSubcoreMesh(core_axis_name="c", subcore_axis_name="s")


@functools.partial(
    pl.kernel,
    out_type=jax.ShapeDtypeStruct((NC, N_COLS), jnp.float32),
    mesh=_mesh,
    scratch_types=[
        pltpu.VMEM((NBUF, CHUNK, N_COLS), jnp.float32),
        pltpu.VMEM((NS, N_COLS), jnp.float32),
        pltpu.VMEM((N_COLS,), jnp.float32),
        pltpu.VMEM_SHARED((NS, N_COLS), jnp.float32),
        pltpu.SemaphoreType.DMA,
        pltpu.SemaphoreType.DMA,
        pltpu.SemaphoreType.DMA,
        pltpu.SemaphoreType.DMA,
    ],
    compiler_params=pltpu.CompilerParams(use_tc_tiling_on_sc=False),
)
def _readout_sc(x_hbm, out_hbm, bufs, red_v, acc_v, shared, *sems):
    c = lax.axis_index("c")
    s = lax.axis_index("s")

    def src(j):
        row0 = R_TC + c * ROWS_PER_CORE + (j * NS + s) * CHUNK
        return x_hbm.at[pl.ds(row0, CHUNK), :]

    accs = tuple(jnp.zeros((L,), jnp.float32) for _ in range(GROUPS))

    descs = [None] * NBUF
    for j in range(min(NBUF, CHUNKS_PER_W)):
        descs[j] = pltpu.async_copy(src(j), bufs.at[j], sems[j])
    for j in range(CHUNKS_PER_W):
        b = j % NBUF
        descs[b].wait()

        def body(r, a, _b=b):
            return tuple(a[g] + bufs[_b, r, g * L:(g + 1) * L]
                         for g in range(GROUPS))

        accs = plsc.parallel_loop(0, CHUNK, unroll=9, carry=accs)(body)
        if j + NBUF < CHUNKS_PER_W:
            descs[b] = pltpu.async_copy(src(j + NBUF), bufs.at[b], sems[b])

    for g in range(GROUPS):
        acc_v[pl.ds(g * L, L)] = accs[g]
    pltpu.sync_copy(acc_v, shared.at[s])
    plsc.subcore_barrier()

    @pl.when(s == 0)
    def _():
        pltpu.sync_copy(shared, red_v)

        def body2(i, a):
            return tuple(a[g] + red_v[i, g * L:(g + 1) * L]
                         for g in range(GROUPS))

        faccs = lax.fori_loop(
            0, NS, body2,
            tuple(jnp.zeros((L,), jnp.float32) for _ in range(GROUPS)))
        for g in range(GROUPS):
            acc_v[pl.ds(g * L, L)] = faccs[g]
        pltpu.sync_copy(acc_v, out_hbm.at[c])


def _tc_body(x_hbm, o_ref, bufs, acc_ref, sems):
    def chunk(i):
        return x_hbm.at[pl.ds(i * B_TC, B_TC), :]

    acc_ref[...] = jnp.zeros_like(acc_ref)
    for j in range(K_TC):
        pltpu.async_copy(chunk(j), bufs.at[j], sems.at[j])

    def round_body(r, _):
        for j in range(K_TC):
            pltpu.make_async_copy(chunk(r * K_TC + j), bufs.at[j],
                                  sems.at[j]).wait()
            acc_ref[...] += jnp.sum(
                bufs[j].reshape(B_TC // 8, 8, N_COLS), axis=0)

            @pl.when(r < ROUNDS_TC - 1)
            def _():
                pltpu.async_copy(chunk((r + 1) * K_TC + j), bufs.at[j],
                                 sems.at[j])
        return 0

    lax.fori_loop(0, ROUNDS_TC, round_body, 0)
    o_ref[...] = jnp.sum(acc_ref[...], axis=0, keepdims=True)


_tc_call = pl.pallas_call(
    _tc_body,
    in_specs=[pl.BlockSpec(memory_space=pl.ANY)],
    out_shape=jax.ShapeDtypeStruct((1, N_COLS), jnp.float32),
    scratch_shapes=[
        pltpu.VMEM((K_TC, B_TC, N_COLS), jnp.float32),
        pltpu.VMEM((8, N_COLS), jnp.float32),
        pltpu.SemaphoreType.DMA((K_TC,)),
    ],
)


def kernel(x):
    sc_part = _readout_sc(x)
    tc_part = _tc_call(x)
    return tc_part + sc_part[0:1] + sc_part[1:2]

# --- scband reference (transcript-rebuilt; emitter-appended) ---
"""Pipeline reference for scband-read-out-amino-acid-65979287601513 (READ-ONLY COPY).

The authoritative reference and input builder live on the scoring server;
editing this copy changes nothing except your own understanding.
"""

import jax, jax.numpy as jnp
import numpy as np

def setup_inputs(seed: int = 0) -> dict:
    key = jax.random.key(seed)
    x = jax.random.normal(key, (100000, 128), dtype=jnp.float32)
    return {"x": x}

def reference(x):
    # PyG SumAggregation with index=None: all nodes belong to a single graph,
    # so the readout is a sum over the node dimension, keeping a batch dim of 1.
    return jnp.sum(x, axis=0, keepdims=True)

if __name__ == "__main__":
    import jax
    _d = setup_inputs()
    print(jax.jit(kernel)(*tuple(_d.values())))

</pallas_src>

<mosaic_0001>
#map = affine_map<(d0, d1) -> (0, 0)>
module attributes {stable_mosaic.version = 14 : i64} {
  func.func @_readout_sc(%arg0: i32, %arg1: i32, %arg2: memref<100000x128xf32, #tpu.memory_space<hbm>>, %arg3: memref<2x128xf32, #tpu.memory_space<hbm>>, %arg4: memref<4x99x128xf32, #tpu.memory_space<vmem>>, %arg5: memref<16x128xf32, #tpu.memory_space<vmem>>, %arg6: memref<128xf32, #tpu.memory_space<vmem>>, %arg7: memref<16x128xf32, #tpu.memory_space<vmem_shared>>, %arg8: memref<!tpu.dma_semaphore, #tpu.memory_space<semaphore_mem>>, %arg9: memref<!tpu.dma_semaphore, #tpu.memory_space<semaphore_mem>>, %arg10: memref<!tpu.dma_semaphore, #tpu.memory_space<semaphore_mem>>, %arg11: memref<!tpu.dma_semaphore, #tpu.memory_space<semaphore_mem>>) attributes {dimension_semantics = [#tpu.dimension_semantics<core_parallel>, #tpu.dimension_semantics<subcore_parallel>], iteration_bounds = array<i64: 2, 16>, scalar_prefetch = 0 : i64, scratch_operands = 8 : i64, tpu.core_type = #tpu.core_type<sc_vector_subcore>, window_params = [{transform_indices = #map}, {transform_indices = #map}]} {
    %broadcast_in_dim3A = arith.constant 0.000000e+00 : f32
    %broadcast_in_dim3A_0 = vector.broadcast %broadcast_in_dim3A : f32 to vector<16xf32>
    %broadcast_in_dim3A_1 = arith.constant 0.000000e+00 : f32
    %broadcast_in_dim3A_2 = vector.broadcast %broadcast_in_dim3A_1 : f32 to vector<16xf32>
    %broadcast_in_dim3A_3 = arith.constant 0.000000e+00 : f32
    %broadcast_in_dim3A_4 = vector.broadcast %broadcast_in_dim3A_3 : f32 to vector<16xf32>
    %broadcast_in_dim3A_5 = arith.constant 0.000000e+00 : f32
    %broadcast_in_dim3A_6 = vector.broadcast %broadcast_in_dim3A_5 : f32 to vector<16xf32>
    %broadcast_in_dim3A_7 = arith.constant 0.000000e+00 : f32
    %broadcast_in_dim3A_8 = vector.broadcast %broadcast_in_dim3A_7 : f32 to vector<16xf32>
    %broadcast_in_dim3A_9 = arith.constant 0.000000e+00 : f32
    %broadcast_in_dim3A_10 = vector.broadcast %broadcast_in_dim3A_9 : f32 to vector<16xf32>
    %broadcast_in_dim3A_11 = arith.constant 0.000000e+00 : f32
    %broadcast_in_dim3A_12 = vector.broadcast %broadcast_in_dim3A_11 : f32 to vector<16xf32>
    %broadcast_in_dim3A_13 = arith.constant 0.000000e+00 : f32
    %broadcast_in_dim3A_14 = vector.broadcast %broadcast_in_dim3A_13 : f32 to vector<16xf32>
    %mul3A = arith.constant 11088 : i32
    %mul3A_15 = arith.muli %arg0, %mul3A : i32
    %add3A = arith.constant 77824 : i32
    %add3A_16 = arith.addi %add3A, %mul3A_15 : i32
    %add3A_17 = arith.constant 0 : i32
    %add3A_18 = arith.addi %add3A_17, %arg1 : i32
    %mul3A_19 = arith.constant 99 : i32
    %mul3A_20 = arith.muli %add3A_18, %mul3A_19 : i32
    %add3A_21 = arith.addi %add3A_16, %mul3A_20 : i32
    %dma_start3A = arith.constant 0 : i32
    %dma_start3A_22 = arith.constant 0 : i32
    %dma_start3A_23 = arith.constant 0 : i32
    %dma_start3A_24 = tpu.memref_slice %arg4[%dma_start3A, %dma_start3A_22, %dma_start3A_23] : memref<4x99x128xf32, #tpu.memory_space<vmem>> -> memref<1x99x128xf32, #tpu.memory_space<vmem>>
    %dma_start3A_25 = tpu.memref_squeeze %dma_start3A_24 : memref<1x99x128xf32, #tpu.memory_space<vmem>> -> memref<99x128xf32, #tpu.memory_space<vmem>>
    %dma_start3A_26 = arith.constant 0 : i32
    %dma_start3A_27 = tpu.memref_slice %arg2[%add3A_21, %dma_start3A_26] : memref<100000x128xf32, #tpu.memory_space<hbm>> -> memref<99x128xf32, #tpu.memory_space<hbm>>
    %dma_start3A_28 = arith.constant 0 : i32
    %dma_start3A_29 = arith.constant 0 : i32
    %dma_start3A_30 = tpu.memref_slice %arg4[%dma_start3A, %dma_start3A_28, %dma_start3A_29] : memref<4x99x128xf32, #tpu.memory_space<vmem>> -> memref<1x99x128xf32, #tpu.memory_space<vmem>>
    %dma_start3A_31 = tpu.memref_squeeze %dma_start3A_30 : memref<1x99x128xf32, #tpu.memory_space<vmem>> -> memref<99x128xf32, #tpu.memory_space<vmem>>
    %dma_start3A_32 = arith.constant 0 : i32
    %dma_start3A_33 = tpu.memref_slice %arg2[%add3A_21, %dma_start3A_32] : memref<100000x128xf32, #tpu.memory_space<hbm>> -> memref<99x128xf32, #tpu.memory_space<hbm>>
    tpu.enqueue_dma source(%dma_start3A_33 : memref<99x128xf32, #tpu.memory_space<hbm>>) target(%dma_start3A_31 : memref<99x128xf32, #tpu.memory_space<vmem>>) target_semaphore(%arg8 : memref<!tpu.dma_semaphore, #tpu.memory_space<semaphore_mem>>)
    %mul3A_34 = arith.constant 11088 : i32
    %mul3A_35 = arith.muli %arg0, %mul3A_34 : i32
    %add3A_36 = arith.constant 77824 : i32
    %add3A_37 = arith.addi %add3A_36, %mul3A_35 : i32
    %add3A_38 = arith.constant 16 : i32
    %add3A_39 = arith.addi %add3A_38, %arg1 : i32
    %mul3A_40 = arith.constant 99 : i32
    %mul3A_41 = arith.muli %add3A_39, %mul3A_40 : i32
    %add3A_42 = arith.addi %add3A_37, %mul3A_41 : i32
    %dma_start3A_43 = arith.constant 1 : i32
    %dma_start3A_44 = arith.constant 0 : i32
    %dma_start3A_45 = arith.constant 0 : i32
    %dma_start3A_46 = tpu.memref_slice %arg4[%dma_start3A_43, %dma_start3A_44, %dma_start3A_45] : memref<4x99x128xf32, #tpu.memory_space<vmem>> -> memref<1x99x128xf32, #tpu.memory_space<vmem>>
    %dma_start3A_47 = tpu.memref_squeeze %dma_start3A_46 : memref<1x99x128xf32, #tpu.memory_space<vmem>> -> memref<99x128xf32, #tpu.memory_space<vmem>>
    %dma_start3A_48 = arith.constant 0 : i32
    %dma_start3A_49 = tpu.memref_slice %arg2[%add3A_42, %dma_start3A_48] : memref<100000x128xf32, #tpu.memory_space<hbm>> -> memref<99x128xf32, #tpu.memory_space<hbm>>
    %dma_start3A_50 = arith.constant 0 : i32
    %dma_start3A_51 = arith.constant 0 : i32
    %dma_start3A_52 = tpu.memref_slice %arg4[%dma_start3A_43, %dma_start3A_50, %dma_start3A_51] : memref<4x99x128xf32, #tpu.memory_space<vmem>> -> memref<1x99x128xf32, #tpu.memory_space<vmem>>
    %dma_start3A_53 = tpu.memref_squeeze %dma_start3A_52 : memref<1x99x128xf32, #tpu.memory_space<vmem>> -> memref<99x128xf32, #tpu.memory_space<vmem>>
    %dma_start3A_54 = arith.constant 0 : i32
    %dma_start3A_55 = tpu.memref_slice %arg2[%add3A_42, %dma_start3A_54] : memref<100000x128xf32, #tpu.memory_space<hbm>> -> memref<99x128xf32, #tpu.memory_space<hbm>>
    tpu.enqueue_dma source(%dma_start3A_55 : memref<99x128xf32, #tpu.memory_space<hbm>>) target(%dma_start3A_53 : memref<99x128xf32, #tpu.memory_space<vmem>>) target_semaphore(%arg9 : memref<!tpu.dma_semaphore, #tpu.memory_space<semaphore_mem>>)
    %mul3A_56 = arith.constant 11088 : i32
    %mul3A_57 = arith.muli %arg0, %mul3A_56 : i32
    %add3A_58 = arith.constant 77824 : i32
    %add3A_59 = arith.addi %add3A_58, %mul3A_57 : i32
    %add3A_60 = arith.constant 32 : i32
    %add3A_61 = arith.addi %add3A_60, %arg1 : i32
    %mul3A_62 = arith.constant 99 : i32
    %mul3A_63 = arith.muli %add3A_61, %mul3A_62 : i32
    %add3A_64 = arith.addi %add3A_59, %mul3A_63 : i32
    %dma_start3A_65 = arith.constant 2 : i32
    %dma_start3A_66 = arith.constant 0 : i32
    %dma_start3A_67 = arith.constant 0 : i32
    %dma_start3A_68 = tpu.memref_slice %arg4[%dma_start3A_65, %dma_start3A_66, %dma_start3A_67] : memref<4x99x128xf32, #tpu.memory_space<vmem>> -> memref<1x99x128xf32, #tpu.memory_space<vmem>>
    %dma_start3A_69 = tpu.memref_squeeze %dma_start3A_68 : memref<1x99x128xf32, #tpu.memory_space<vmem>> -> memref<99x128xf32, #tpu.memory_space<vmem>>
    %dma_start3A_70 = arith.constant 0 : i32
    %dma_start3A_71 = tpu.memref_slice %arg2[%add3A_64, %dma_start3A_70] : memref<100000x128xf32, #tpu.memory_space<hbm>> -> memref<99x128xf32, #tpu.memory_space<hbm>>
    %dma_start3A_72 = arith.constant 0 : i32
    %dma_start3A_73 = arith.constant 0 : i32
    %dma_start3A_74 = tpu.memref_slice %arg4[%dma_start3A_65, %dma_start3A_72, %dma_start3A_73] : memref<4x99x128xf32, #tpu.memory_space<vmem>> -> memref<1x99x128xf32, #tpu.memory_space<vmem>>
    %dma_start3A_75 = tpu.memref_squeeze %dma_start3A_74 : memref<1x99x128xf32, #tpu.memory_space<vmem>> -> memref<99x128xf32, #tpu.memory_space<vmem>>
    %dma_start3A_76 = arith.constant 0 : i32
    %dma_start3A_77 = tpu.memref_slice %arg2[%add3A_64, %dma_start3A_76] : memref<100000x128xf32, #tpu.memory_space<hbm>> -> memref<99x128xf32, #tpu.memory_space<hbm>>
    tpu.enqueue_dma source(%dma_start3A_77 : memref<99x128xf32, #tpu.memory_space<hbm>>) target(%dma_start3A_75 : memref<99x128xf32, #tpu.memory_space<vmem>>) target_semaphore(%arg10 : memref<!tpu.dma_semaphore, #tpu.memory_space<semaphore_mem>>)
    %mul3A_78 = arith.constant 11088 : i32
    %mul3A_79 = arith.muli %arg0, %mul3A_78 : i32
    %add3A_80 = arith.constant 77824 : i32
    %add3A_81 = arith.addi %add3A_80, %mul3A_79 : i32
    %add3A_82 = arith.constant 48 : i32
    %add3A_83 = arith.addi %add3A_82, %arg1 : i32
    %mul3A_84 = arith.constant 99 : i32
    %mul3A_85 = arith.muli %add3A_83, %mul3A_84 : i32
    %add3A_86 = arith.addi %add3A_81, %mul3A_85 : i32
    %dma_start3A_87 = arith.constant 3 : i32
    %dma_start3A_88 = arith.constant 0 : i32
    %dma_start3A_89 = arith.constant 0 : i32
    %dma_start3A_90 = tpu.memref_slice %arg4[%dma_start3A_87, %dma_start3A_88, %dma_start3A_89] : memref<4x99x128xf32, #tpu.memory_space<vmem>> -> memref<1x99x128xf32, #tpu.memory_space<vmem>>
    %dma_start3A_91 = tpu.memref_squeeze %dma_start3A_90 : memref<1x99x128xf32, #tpu.memory_space<vmem>> -> memref<99x128xf32, #tpu.memory_space<vmem>>
    %dma_start3A_92 = arith.constant 0 : i32
    %dma_start3A_93 = tpu.memref_slice %arg2[%add3A_86, %dma_start3A_92] : memref<100000x128xf32, #tpu.memory_space<hbm>> -> memref<99x128xf32, #tpu.memory_space<hbm>>
    %dma_start3A_94 = arith.constant 0 : i32
    %dma_start3A_95 = arith.constant 0 : i32
    %dma_start3A_96 = tpu.memref_slice %arg4[%dma_start3A_87, %dma_start3A_94, %dma_start3A_95] : memref<4x99x128xf32, #tpu.memory_space<vmem>> -> memref<1x99x128xf32, #tpu.memory_space<vmem>>
    %dma_start3A_97 = tpu.memref_squeeze %dma_start3A_96 : memref<1x99x128xf32, #tpu.memory_space<vmem>> -> memref<99x128xf32, #tpu.memory_space<vmem>>
    %dma_start3A_98 = arith.constant 0 : i32
    %dma_start3A_99 = tpu.memref_slice %arg2[%add3A_86, %dma_start3A_98] : memref<100000x128xf32, #tpu.memory_space<hbm>> -> memref<99x128xf32, #tpu.memory_space<hbm>>
    tpu.enqueue_dma source(%dma_start3A_99 : memref<99x128xf32, #tpu.memory_space<hbm>>) target(%dma_start3A_97 : memref<99x128xf32, #tpu.memory_space<vmem>>) target_semaphore(%arg11 : memref<!tpu.dma_semaphore, #tpu.memory_space<semaphore_mem>>)
    %dma_wait3A = arith.constant 0 : i32
    %dma_wait3A_100 = arith.constant 0 : i32
    %dma_wait3A_101 = arith.constant 0 : i32
    %dma_wait3A_102 = tpu.memref_slice %arg4[%dma_wait3A, %dma_wait3A_100, %dma_wait3A_101] : memref<4x99x128xf32, #tpu.memory_space<vmem>> -> memref<1x99x128xf32, #tpu.memory_space<vmem>>
    %dma_wait3A_103 = tpu.memref_squeeze %dma_wait3A_102 : memref<1x99x128xf32, #tpu.memory_space<vmem>> -> memref<99x128xf32, #tpu.memory_space<vmem>>
    %dma_wait3A_104 = arith.constant 0 : i32
    %dma_wait3A_105 = tpu.memref_slice %arg2[%add3A_21, %dma_wait3A_104] : memref<100000x128xf32, #tpu.memory_space<hbm>> -> memref<99x128xf32, #tpu.memory_space<hbm>>
    %dma_wait3A_106 = arith.constant 0 : i32
    %dma_wait3A_107 = arith.constant 0 : i32
    %dma_wait3A_108 = tpu.memref_slice %arg4[%dma_wait3A, %dma_wait3A_106, %dma_wait3A_107] : memref<4x99x128xf32, #tpu.memory_space<vmem>> -> memref<1x99x128xf32, #tpu.memory_space<vmem>>
    %dma_wait3A_109 = tpu.memref_squeeze %dma_wait3A_108 : memref<1x99x128xf32, #tpu.memory_space<vmem>> -> memref<99x128xf32, #tpu.memory_space<vmem>>
    %dma_wait3A_110 = arith.constant 0 : i32
    %dma_wait3A_111 = tpu.memref_slice %arg2[%add3A_21, %dma_wait3A_110] : memref<100000x128xf32, #tpu.memory_space<hbm>> -> memref<99x128xf32, #tpu.memory_space<hbm>>
    tpu.wait_dma2 semaphore(%arg8 : memref<!tpu.dma_semaphore, #tpu.memory_space<semaphore_mem>>) src(%dma_wait3A_111 : memref<99x128xf32, #tpu.memory_space<hbm>>) dst(%dma_wait3A_109 : memref<99x128xf32, #tpu.memory_space<vmem>>)
    %parallel_loop3A = arith.constant 0 : i32
    %parallel_loop3A_112 = arith.constant 99 : i32
    %parallel_loop3A_113 = arith.constant 1 : i32
    %parallel_loop3A_114:8 = scf.for %parallel_loop3A_316 = %parallel_loop3A to %parallel_loop3A_112 step %parallel_loop3A_113 iter_args(%parallel_loop3A_317 = %broadcast_in_dim3A_0, %parallel_loop3A_318 = %broadcast_in_dim3A_2, %parallel_loop3A_319 = %broadcast_in_dim3A_4, %parallel_loop3A_320 = %broadcast_in_dim3A_6, %parallel_loop3A_321 = %broadcast_in_dim3A_8, %parallel_loop3A_322 = %broadcast_in_dim3A_10, %parallel_loop3A_323 = %broadcast_in_dim3A_12, %parallel_loop3A_324 = %broadcast_in_dim3A_14) -> (vector<16xf32>, vector<16xf32>, vector<16xf32>, vector<16xf32>, vector<16xf32>, vector<16xf32>, vector<16xf32>, vector<16xf32>)  : i32 {
      %parallel_loop3A_325 = arith.constant 0 : i32
      %parallel_loop3A_326 = arith.index_cast %parallel_loop3A_325 : i32 to index
      %parallel_loop3A_327 = arith.index_cast %parallel_loop3A_316 : i32 to index
      %parallel_loop3A_328 = arith.constant 0 : index
      %parallel_loop3A_329 = tpu.vector_load %arg4[%parallel_loop3A_326, %parallel_loop3A_327, %parallel_loop3A_328] {strides = array<i32>} : memref<4x99x128xf32, #tpu.memory_space<vmem>>, vector<1x1x16xf32>,
      %parallel_loop3A_330 = vector.shape_cast %parallel_loop3A_329 : vector<1x1x16xf32> to vector<16xf32>
      %parallel_loop3A_331 = arith.addf %parallel_loop3A_317, %parallel_loop3A_330 : vector<16xf32>
      %parallel_loop3A_332 = arith.constant 0 : i32
      %parallel_loop3A_333 = arith.index_cast %parallel_loop3A_332 : i32 to index
      %parallel_loop3A_334 = arith.index_cast %parallel_loop3A_316 : i32 to index
      %parallel_loop3A_335 = arith.constant 16 : index
      %parallel_loop3A_336 = tpu.vector_load %arg4[%parallel_loop3A_333, %parallel_loop3A_334, %parallel_loop3A_335] {strides = array<i32>} : memref<4x99x128xf32, #tpu.memory_space<vmem>>, vector<1x1x16xf32>,
      %parallel_loop3A_337 = vector.shape_cast %parallel_loop3A_336 : vector<1x1x16xf32> to vector<16xf32>
      %parallel_loop3A_338 = arith.addf %parallel_loop3A_318, %parallel_loop3A_337 : vector<16xf32>
      %parallel_loop3A_339 = arith.constant 0 : i32
      %parallel_loop3A_340 = arith.index_cast %parallel_loop3A_339 : i32 to index
      %parallel_loop3A_341 = arith.index_cast %parallel_loop3A_316 : i32 to index
      %parallel_loop3A_342 = arith.constant 32 : index
      %parallel_loop3A_343 = tpu.vector_load %arg4[%parallel_loop3A_340, %parallel_loop3A_341, %parallel_loop3A_342] {strides = array<i32>} : memref<4x99x128xf32, #tpu.memory_space<vmem>>, vector<1x1x16xf32>,
      %parallel_loop3A_344 = vector.shape_cast %parallel_loop3A_343 : vector<1x1x16xf32> to vector<16xf32>
      %parallel_loop3A_345 = arith.addf %parallel_loop3A_319, %parallel_loop3A_344 : vector<16xf32>
      %parallel_loop3A_346 = arith.constant 0 : i32
      %parallel_loop3A_347 = arith.index_cast %parallel_loop3A_346 : i32 to index
      %parallel_loop3A_348 = arith.index_cast %parallel_loop3A_316 : i32 to index
      %parallel_loop3A_349 = arith.constant 48 : index
      %parallel_loop3A_350 = tpu.vector_load %arg4[%parallel_loop3A_347, %parallel_loop3A_348, %parallel_loop3A_349] {strides = array<i32>} : memref<4x99x128xf32, #tpu.memory_space<vmem>>, vector<1x1x16xf32>,
      %parallel_loop3A_351 = vector.shape_cast %parallel_loop3A_350 : vector<1x1x16xf32> to vector<16xf32>
      %parallel_loop3A_352 = arith.addf %parallel_loop3A_320, %parallel_loop3A_351 : vector<16xf32>
      %parallel_loop3A_353 = arith.constant 0 : i32
      %parallel_loop3A_354 = arith.index_cast %parallel_loop3A_353 : i32 to index
      %parallel_loop3A_355 = arith.index_cast %parallel_loop3A_316 : i32 to index
      %parallel_loop3A_356 = arith.constant 64 : index
      %parallel_loop3A_357 = tpu.vector_load %arg4[%parallel_loop3A_354, %parallel_loop3A_355, %parallel_loop3A_356] {strides = array<i32>} : memref<4x99x128xf32, #tpu.memory_space<vmem>>, vector<1x1x16xf32>,
      %parallel_loop3A_358 = vector.shape_cast %parallel_loop3A_357 : vector<1x1x16xf32> to vector<16xf32>
      %parallel_loop3A_359 = arith.addf %parallel_loop3A_321, %parallel_loop3A_358 : vector<16xf32>
      %parallel_loop3A_360 = arith.constant 0 : i32
      %parallel_loop3A_361 = arith.index_cast %parallel_loop3A_360 : i32 to index
      %parallel_loop3A_362 = arith.index_cast %parallel_loop3A_316 : i32 to index
      %parallel_loop3A_363 = arith.constant 80 : index
      %parallel_loop3A_364 = tpu.vector_load %arg4[%parallel_loop3A_361, %parallel_loop3A_362, %parallel_loop3A_363] {strides = array<i32>} : memref<4x99x128xf32, #tpu.memory_space<vmem>>, vector<1x1x16xf32>,
      %parallel_loop3A_365 = vector.shape_cast %parallel_loop3A_364 : vector<1x1x16xf32> to vector<16xf32>
      %parallel_loop3A_366 = arith.addf %parallel_loop3A_322, %parallel_loop3A_365 : vector<16xf32>
      %parallel_loop3A_367 = arith.constant 0 : i32
      %parallel_loop3A_368 = arith.index_cast %parallel_loop3A_367 : i32 to index
      %parallel_loop3A_369 = arith.index_cast %parallel_loop3A_316 : i32 to index
      %parallel_loop3A_370 = arith.constant 96 : index
      %parallel_loop3A_371 = tpu.vector_load %arg4[%parallel_loop3A_368, %parallel_loop3A_369, %parallel_loop3A_370] {strides = array<i32>} : memref<4x99x128xf32, #tpu.memory_space<vmem>>, vector<1x1x16xf32>,
      %parallel_loop3A_372 = vector.shape_cast %parallel_loop3A_371 : vector<1x1x16xf32> to vector<16xf32>
      %parallel_loop3A_373 = arith.addf %parallel_loop3A_323, %parallel_loop3A_372 : vector<16xf32>
      %parallel_loop3A_374 = arith.constant 0 : i32
      %parallel_loop3A_375 = arith.index_cast %parallel_loop3A_374 : i32 to index
      %parallel_loop3A_376 = arith.index_cast %parallel_loop3A_316 : i32 to index
      %parallel_loop3A_377 = arith.constant 112 : index
      %parallel_loop3A_378 = tpu.vector_load %arg4[%parallel_loop3A_375, %parallel_loop3A_376, %parallel_loop3A_377] {strides = array<i32>} : memref<4x99x128xf32, #tpu.memory_space<vmem>>, vector<1x1x16xf32>,
      %parallel_loop3A_379 = vector.shape_cast %parallel_loop3A_378 : vector<1x1x16xf32> to vector<16xf32>
      %parallel_loop3A_380 = arith.addf %parallel_loop3A_324, %parallel_loop3A_379 : vector<16xf32>
      scf.yield %parallel_loop3A_331, %parallel_loop3A_338, %parallel_loop3A_345, %parallel_loop3A_352, %parallel_loop3A_359, %parallel_loop3A_366, %parallel_loop3A_373, %parallel_loop3A_380 : vector<16xf32>, vector<16xf32>, vector<16xf32>, vector<16xf32>, vector<16xf32>, vector<16xf32>, vector<16xf32>, vector<16xf32>
    } {sc.loop_unroll_factor = 9 : i64, sc.parallel_access}
    %mul3A_115 = arith.constant 11088 : i32
    %mul3A_116 = arith.muli %arg0, %mul3A_115 : i32
    %add3A_117 = arith.constant 77824 : i32
    %add3A_118 = arith.addi %add3A_117, %mul3A_116 : i32
    %add3A_119 = arith.constant 64 : i32
    %add3A_120 = arith.addi %add3A_119, %arg1 : i32
    %mul3A_121 = arith.constant 99 : i32
    %mul3A_122 = arith.muli %add3A_120, %mul3A_121 : i32
    %add3A_123 = arith.addi %add3A_118, %mul3A_122 : i32
    %dma_start3A_124 = arith.constant 0 : i32
    %dma_start3A_125 = arith.constant 0 : i32
    %dma_start3A_126 = arith.constant 0 : i32
    %dma_start3A_127 = tpu.memref_slice %arg4[%dma_start3A_124, %dma_start3A_125, %dma_start3A_126] : memref<4x99x128xf32, #tpu.memory_space<vmem>> -> memref<1x99x128xf32, #tpu.memory_space<vmem>>
    %dma_start3A_128 = tpu.memref_squeeze %dma_start3A_127 : memref<1x99x128xf32, #tpu.memory_space<vmem>> -> memref<99x128xf32, #tpu.memory_space<vmem>>
    %dma_start3A_129 = arith.constant 0 : i32
    %dma_start3A_130 = tpu.memref_slice %arg2[%add3A_123, %dma_start3A_129] : memref<100000x128xf32, #tpu.memory_space<hbm>> -> memref<99x128xf32, #tpu.memory_space<hbm>>
    %dma_start3A_131 = arith.constant 0 : i32
    %dma_start3A_132 = arith.constant 0 : i32
    %dma_start3A_133 = tpu.memref_slice %arg4[%dma_start3A_124, %dma_start3A_131, %dma_start3A_132] : memref<4x99x128xf32, #tpu.memory_space<vmem>> -> memref<1x99x128xf32, #tpu.memory_space<vmem>>
    %dma_start3A_134 = tpu.memref_squeeze %dma_start3A_133 : memref<1x99x128xf32, #tpu.memory_space<vmem>> -> memref<99x128xf32, #tpu.memory_space<vmem>>
    %dma_start3A_135 = arith.constant 0 : i32
    %dma_start3A_136 = tpu.memref_slice %arg2[%add3A_123, %dma_start3A_135] : memref<100000x128xf32, #tpu.memory_space<hbm>> -> memref<99x128xf32, #tpu.memory_space<hbm>>
    tpu.enqueue_dma source(%dma_start3A_136 : memref<99x128xf32, #tpu.memory_space<hbm>>) target(%dma_start3A_134 : memref<99x128xf32, #tpu.memory_space<vmem>>) target_semaphore(%arg8 : memref<!tpu.dma_semaphore, #tpu.memory_space<semaphore_mem>>)
    %dma_wait3A_137 = arith.constant 1 : i32
    %dma_wait3A_138 = arith.constant 0 : i32
    %dma_wait3A_139 = arith.constant 0 : i32
    %dma_wait3A_140 = tpu.memref_slice %arg4[%dma_wait3A_137, %dma_wait3A_138, %dma_wait3A_139] : memref<4x99x128xf32, #tpu.memory_space<vmem>> -> memref<1x99x128xf32, #tpu.memory_space<vmem>>
    %dma_wait3A_141 = tpu.memref_squeeze %dma_wait3A_140 : memref<1x99x128xf32, #tpu.memory_space<vmem>> -> memref<99x128xf32, #tpu.memory_space<vmem>>
    %dma_wait3A_142 = arith.constant 0 : i32
    %dma_wait3A_143 = tpu.memref_slice %arg2[%add3A_42, %dma_wait3A_142] : memref<100000x128xf32, #tpu.memory_space<hbm>> -> memref<99x128xf32, #tpu.memory_space<hbm>>
    %dma_wait3A_144 = arith.constant 0 : i32
    %dma_wait3A_145 = arith.constant 0 : i32
    %dma_wait3A_146 = tpu.memref_slice %arg4[%dma_wait3A_137, %dma_wait3A_144, %dma_wait3A_145] : memref<4x99x128xf32, #tpu.memory_space<vmem>> -> memref<1x99x128xf32, #tpu.memory_space<vmem>>
    %dma_wait3A_147 = tpu.memref_squeeze %dma_wait3A_146 : memref<1x99x128xf32, #tpu.memory_space<vmem>> -> memref<99x128xf32, #tpu.memory_space<vmem>>
    %dma_wait3A_148 = arith.constant 0 : i32
    %dma_wait3A_149 = tpu.memref_slice %arg2[%add3A_42, %dma_wait3A_148] : memref<100000x128xf32, #tpu.memory_space<hbm>> -> memref<99x128xf32, #tpu.memory_space<hbm>>
    tpu.wait_dma2 semaphore(%arg9 : memref<!tpu.dma_semaphore, #tpu.memory_space<semaphore_mem>>) src(%dma_wait3A_149 : memref<99x128xf32, #tpu.memory_space<hbm>>) dst(%dma_wait3A_147 : memref<99x128xf32, #tpu.memory_space<vmem>>)
    %parallel_loop3A_150 = arith.constant 0 : i32
    %parallel_loop3A_151 = arith.constant 99 : i32
    %parallel_loop3A_152 = arith.constant 1 : i32
    %parallel_loop3A_153:8 = scf.for %parallel_loop3A_316 = %parallel_loop3A_150 to %parallel_loop3A_151 step %parallel_loop3A_152 iter_args(%parallel_loop3A_317 = %parallel_loop3A_114#0, %parallel_loop3A_318 = %parallel_loop3A_114#1, %parallel_loop3A_319 = %parallel_loop3A_114#2, %parallel_loop3A_320 = %parallel_loop3A_114#3, %parallel_loop3A_321 = %parallel_loop3A_114#4, %parallel_loop3A_322 = %parallel_loop3A_114#5, %parallel_loop3A_323 = %parallel_loop3A_114#6, %parallel_loop3A_324 = %parallel_loop3A_114#7) -> (vector<16xf32>, vector<16xf32>, vector<16xf32>, vector<16xf32>, vector<16xf32>, vector<16xf32>, vector<16xf32>, vector<16xf32>)  : i32 {
      %parallel_loop3A_325 = arith.constant 1 : i32
      %parallel_loop3A_326 = arith.index_cast %parallel_loop3A_325 : i32 to index
      %parallel_loop3A_327 = arith.index_cast %parallel_loop3A_316 : i32 to index
      %parallel_loop3A_328 = arith.constant 0 : index
      %parallel_loop3A_329 = tpu.vector_load %arg4[%parallel_loop3A_326, %parallel_loop3A_327, %parallel_loop3A_328] {strides = array<i32>} : memref<4x99x128xf32, #tpu.memory_space<vmem>>, vector<1x1x16xf32>,
      %parallel_loop3A_330 = vector.shape_cast %parallel_loop3A_329 : vector<1x1x16xf32> to vector<16xf32>
      %parallel_loop3A_331 = arith.addf %parallel_loop3A_317, %parallel_loop3A_330 : vector<16xf32>
      %parallel_loop3A_332 = arith.constant 1 : i32
      %parallel_loop3A_333 = arith.index_cast %parallel_loop3A_332 : i32 to index
      %parallel_loop3A_334 = arith.index_cast %parallel_loop3A_316 : i32 to index
      %parallel_loop3A_335 = arith.constant 16 : index
      %parallel_loop3A_336 = tpu.vector_load %arg4[%parallel_loop3A_333, %parallel_loop3A_334, %parallel_loop3A_335] {strides = array<i32>} : memref<4x99x128xf32, #tpu.memory_space<vmem>>, vector<1x1x16xf32>,
      %parallel_loop3A_337 = vector.shape_cast %parallel_loop3A_336 : vector<1x1x16xf32> to vector<16xf32>
      %parallel_loop3A_338 = arith.addf %parallel_loop3A_318, %parallel_loop3A_337 : vector<16xf32>
      %parallel_loop3A_339 = arith.constant 1 : i32
      %parallel_loop3A_340 = arith.index_cast %parallel_loop3A_339 : i32 to index
      %parallel_loop3A_341 = arith.index_cast %parallel_loop3A_316 : i32 to index
      %parallel_loop3A_342 = arith.constant 32 : index
      %parallel_loop3A_343 = tpu.vector_load %arg4[%parallel_loop3A_340, %parallel_loop3A_341, %parallel_loop3A_342] {strides = array<i32>} : memref<4x99x128xf32, #tpu.memory_space<vmem>>, vector<1x1x16xf32>,
      %parallel_loop3A_344 = vector.shape_cast %parallel_loop3A_343 : vector<1x1x16xf32> to vector<16xf32>
      %parallel_loop3A_345 = arith.addf %parallel_loop3A_319, %parallel_loop3A_344 : vector<16xf32>
      %parallel_loop3A_346 = arith.constant 1 : i32
      %parallel_loop3A_347 = arith.index_cast %parallel_loop3A_346 : i32 to index
      %parallel_loop3A_348 = arith.index_cast %parallel_loop3A_316 : i32 to index
      %parallel_loop3A_349 = arith.constant 48 : index
      %parallel_loop3A_350 = tpu.vector_load %arg4[%parallel_loop3A_347, %parallel_loop3A_348, %parallel_loop3A_349] {strides = array<i32>} : memref<4x99x128xf32, #tpu.memory_space<vmem>>, vector<1x1x16xf32>,
      %parallel_loop3A_351 = vector.shape_cast %parallel_loop3A_350 : vector<1x1x16xf32> to vector<16xf32>
      %parallel_loop3A_352 = arith.addf %parallel_loop3A_320, %parallel_loop3A_351 : vector<16xf32>
      %parallel_loop3A_353 = arith.constant 1 : i32
      %parallel_loop3A_354 = arith.index_cast %parallel_loop3A_353 : i32 to index
      %parallel_loop3A_355 = arith.index_cast %parallel_loop3A_316 : i32 to index
      %parallel_loop3A_356 = arith.constant 64 : index
      %parallel_loop3A_357 = tpu.vector_load %arg4[%parallel_loop3A_354, %parallel_loop3A_355, %parallel_loop3A_356] {strides = array<i32>} : memref<4x99x128xf32, #tpu.memory_space<vmem>>, vector<1x1x16xf32>,
      %parallel_loop3A_358 = vector.shape_cast %parallel_loop3A_357 : vector<1x1x16xf32> to vector<16xf32>
      %parallel_loop3A_359 = arith.addf %parallel_loop3A_321, %parallel_loop3A_358 : vector<16xf32>
      %parallel_loop3A_360 = arith.constant 1 : i32
      %parallel_loop3A_361 = arith.index_cast %parallel_loop3A_360 : i32 to index
      %parallel_loop3A_362 = arith.index_cast %parallel_loop3A_316 : i32 to index
      %parallel_loop3A_363 = arith.constant 80 : index
      %parallel_loop3A_364 = tpu.vector_load %arg4[%parallel_loop3A_361, %parallel_loop3A_362, %parallel_loop3A_363] {strides = array<i32>} : memref<4x99x128xf32, #tpu.memory_space<vmem>>, vector<1x1x16xf32>,
      %parallel_loop3A_365 = vector.shape_cast %parallel_loop3A_364 : vector<1x1x16xf32> to vector<16xf32>
      %parallel_loop3A_366 = arith.addf %parallel_loop3A_322, %parallel_loop3A_365 : vector<16xf32>
      %parallel_loop3A_367 = arith.constant 1 : i32
      %parallel_loop3A_368 = arith.index_cast %parallel_loop3A_367 : i32 to index
      %parallel_loop3A_369 = arith.index_cast %parallel_loop3A_316 : i32 to index
      %parallel_loop3A_370 = arith.constant 96 : index
      %parallel_loop3A_371 = tpu.vector_load %arg4[%parallel_loop3A_368, %parallel_loop3A_369, %parallel_loop3A_370] {strides = array<i32>} : memref<4x99x128xf32, #tpu.memory_space<vmem>>, vector<1x1x16xf32>,
      %parallel_loop3A_372 = vector.shape_cast %parallel_loop3A_371 : vector<1x1x16xf32> to vector<16xf32>
      %parallel_loop3A_373 = arith.addf %parallel_loop3A_323, %parallel_loop3A_372 : vector<16xf32>
      %parallel_loop3A_374 = arith.constant 1 : i32
      %parallel_loop3A_375 = arith.index_cast %parallel_loop3A_374 : i32 to index
      %parallel_loop3A_376 = arith.index_cast %parallel_loop3A_316 : i32 to index
      %parallel_loop3A_377 = arith.constant 112 : index
      %parallel_loop3A_378 = tpu.vector_load %arg4[%parallel_loop3A_375, %parallel_loop3A_376, %parallel_loop3A_377] {strides = array<i32>} : memref<4x99x128xf32, #tpu.memory_space<vmem>>, vector<1x1x16xf32>,
      %parallel_loop3A_379 = vector.shape_cast %parallel_loop3A_378 : vector<1x1x16xf32> to vector<16xf32>
      %parallel_loop3A_380 = arith.addf %parallel_loop3A_324, %parallel_loop3A_379 : vector<16xf32>
      scf.yield %parallel_loop3A_331, %parallel_loop3A_338, %parallel_loop3A_345, %parallel_loop3A_352, %parallel_loop3A_359, %parallel_loop3A_366, %parallel_loop3A_373, %parallel_loop3A_380 : vector<16xf32>, vector<16xf32>, vector<16xf32>, vector<16xf32>, vector<16xf32>, vector<16xf32>, vector<16xf32>, vector<16xf32>
    } {sc.loop_unroll_factor = 9 : i64, sc.parallel_access}
    %mul3A_154 = arith.constant 11088 : i32
    %mul3A_155 = arith.muli %arg0, %mul3A_154 : i32
    %add3A_156 = arith.constant 77824 : i32
    %add3A_157 = arith.addi %add3A_156, %mul3A_155 : i32
    %add3A_158 = arith.constant 80 : i32
    %add3A_159 = arith.addi %add3A_158, %arg1 : i32
    %mul3A_160 = arith.constant 99 : i32
    %mul3A_161 = arith.muli %add3A_159, %mul3A_160 : i32
    %add3A_162 = arith.addi %add3A_157, %mul3A_161 : i32
    %dma_start3A_163 = arith.constant 1 : i32
    %dma_start3A_164 = arith.constant 0 : i32
    %dma_start3A_165 = arith.constant 0 : i32
    %dma_start3A_166 = tpu.memref_slice %arg4[%dma_start3A_163, %dma_start3A_164, %dma_start3A_165] : memref<4x99x128xf32, #tpu.memory_space<vmem>> -> memref<1x99x128xf32, #tpu.memory_space<vmem>>
    %dma_start3A_167 = tpu.memref_squeeze %dma_start3A_166 : memref<1x99x128xf32, #tpu.memory_space<vmem>> -> memref<99x128xf32, #tpu.memory_space<vmem>>
    %dma_start3A_168 = arith.constant 0 : i32
    %dma_start3A_169 = tpu.memref_slice %arg2[%add3A_162, %dma_start3A_168] : memref<100000x128xf32, #tpu.memory_space<hbm>> -> memref<99x128xf32, #tpu.memory_space<hbm>>
    %dma_start3A_170 = arith.constant 0 : i32
    %dma_start3A_171 = arith.constant 0 : i32
    %dma_start3A_172 = tpu.memref_slice %arg4[%dma_start3A_163, %dma_start3A_170, %dma_start3A_171] : memref<4x99x128xf32, #tpu.memory_space<vmem>> -> memref<1x99x128xf32, #tpu.memory_space<vmem>>
    %dma_start3A_173 = tpu.memref_squeeze %dma_start3A_172 : memref<1x99x128xf32, #tpu.memory_space<vmem>> -> memref<99x128xf32, #tpu.memory_space<vmem>>
    %dma_start3A_174 = arith.constant 0 : i32
    %dma_start3A_175 = tpu.memref_slice %arg2[%add3A_162, %dma_start3A_174] : memref<100000x128xf32, #tpu.memory_space<hbm>> -> memref<99x128xf32, #tpu.memory_space<hbm>>
    tpu.enqueue_dma source(%dma_start3A_175 : memref<99x128xf32, #tpu.memory_space<hbm>>) target(%dma_start3A_173 : memref<99x128xf32, #tpu.memory_space<vmem>>) target_semaphore(%arg9 : memref<!tpu.dma_semaphore, #tpu.memory_space<semaphore_mem>>)
    %dma_wait3A_176 = arith.constant 2 : i32
    %dma_wait3A_177 = arith.constant 0 : i32
    %dma_wait3A_178 = arith.constant 0 : i32
    %dma_wait3A_179 = tpu.memref_slice %arg4[%dma_wait3A_176, %dma_wait3A_177, %dma_wait3A_178] : memref<4x99x128xf32, #tpu.memory_space<vmem>> -> memref<1x99x128xf32, #tpu.memory_space<vmem>>
    %dma_wait3A_180 = tpu.memref_squeeze %dma_wait3A_179 : memref<1x99x128xf32, #tpu.memory_space<vmem>> -> memref<99x128xf32, #tpu.memory_space<vmem>>
    %dma_wait3A_181 = arith.constant 0 : i32
    %dma_wait3A_182 = tpu.memref_slice %arg2[%add3A_64, %dma_wait3A_181] : memref<100000x128xf32, #tpu.memory_space<hbm>> -> memref<99x128xf32, #tpu.memory_space<hbm>>
    %dma_wait3A_183 = arith.constant 0 : i32
    %dma_wait3A_184 = arith.constant 0 : i32
    %dma_wait3A_185 = tpu.memref_slice %arg4[%dma_wait3A_176, %dma_wait3A_183, %dma_wait3A_184] : memref<4x99x128xf32, #tpu.memory_space<vmem>> -> memref<1x99x128xf32, #tpu.memory_space<vmem>>
    %dma_wait3A_186 = tpu.memref_squeeze %dma_wait3A_185 : memref<1x99x128xf32, #tpu.memory_space<vmem>> -> memref<99x128xf32, #tpu.memory_space<vmem>>
    %dma_wait3A_187 = arith.constant 0 : i32
    %dma_wait3A_188 = tpu.memref_slice %arg2[%add3A_64, %dma_wait3A_187] : memref<100000x128xf32, #tpu.memory_space<hbm>> -> memref<99x128xf32, #tpu.memory_space<hbm>>
    tpu.wait_dma2 semaphore(%arg10 : memref<!tpu.dma_semaphore, #tpu.memory_space<semaphore_mem>>) src(%dma_wait3A_188 : memref<99x128xf32, #tpu.memory_space<hbm>>) dst(%dma_wait3A_186 : memref<99x128xf32, #tpu.memory_space<vmem>>)
    %parallel_loop3A_189 = arith.constant 0 : i32
    %parallel_loop3A_190 = arith.constant 99 : i32
    %parallel_loop3A_191 = arith.constant 1 : i32
    %parallel_loop3A_192:8 = scf.for %parallel_loop3A_316 = %parallel_loop3A_189 to %parallel_loop3A_190 step %parallel_loop3A_191 iter_args(%parallel_loop3A_317 = %parallel_loop3A_153#0, %parallel_loop3A_318 = %parallel_loop3A_153#1, %parallel_loop3A_319 = %parallel_loop3A_153#2, %parallel_loop3A_320 = %parallel_loop3A_153#3, %parallel_loop3A_321 = %parallel_loop3A_153#4, %parallel_loop3A_322 = %parallel_loop3A_153#5, %parallel_loop3A_323 = %parallel_loop3A_153#6, %parallel_loop3A_324 = %parallel_loop3A_153#7) -> (vector<16xf32>, vector<16xf32>, vector<16xf32>, vector<16xf32>, vector<16xf32>, vector<16xf32>, vector<16xf32>, vector<16xf32>)  : i32 {
      %parallel_loop3A_325 = arith.constant 2 : i32
      %parallel_loop3A_326 = arith.index_cast %parallel_loop3A_325 : i32 to index
      %parallel_loop3A_327 = arith.index_cast %parallel_loop3A_316 : i32 to index
      %parallel_loop3A_328 = arith.constant 0 : index
      %parallel_loop3A_329 = tpu.vector_load %arg4[%parallel_loop3A_326, %parallel_loop3A_327, %parallel_loop3A_328] {strides = array<i32>} : memref<4x99x128xf32, #tpu.memory_space<vmem>>, vector<1x1x16xf32>,
      %parallel_loop3A_330 = vector.shape_cast %parallel_loop3A_329 : vector<1x1x16xf32> to vector<16xf32>
      %parallel_loop3A_331 = arith.addf %parallel_loop3A_317, %parallel_loop3A_330 : vector<16xf32>
      %parallel_loop3A_332 = arith.constant 2 : i32
      %parallel_loop3A_333 = arith.index_cast %parallel_loop3A_332 : i32 to index
      %parallel_loop3A_334 = arith.index_cast %parallel_loop3A_316 : i32 to index
      %parallel_loop3A_335 = arith.constant 16 : index
      %parallel_loop3A_336 = tpu.vector_load %arg4[%parallel_loop3A_333, %parallel_loop3A_334, %parallel_loop3A_335] {strides = array<i32>} : memref<4x99x128xf32, #tpu.memory_space<vmem>>, vector<1x1x16xf32>,
      %parallel_loop3A_337 = vector.shape_cast %parallel_loop3A_336 : vector<1x1x16xf32> to vector<16xf32>
      %parallel_loop3A_338 = arith.addf %parallel_loop3A_318, %parallel_loop3A_337 : vector<16xf32>
      %parallel_loop3A_339 = arith.constant 2 : i32
      %parallel_loop3A_340 = arith.index_cast %parallel_loop3A_339 : i32 to index
      %parallel_loop3A_341 = arith.index_cast %parallel_loop3A_316 : i32 to index
      %parallel_loop3A_342 = arith.constant 32 : index
      %parallel_loop3A_343 = tpu.vector_load %arg4[%parallel_loop3A_340, %parallel_loop3A_341, %parallel_loop3A_342] {strides = array<i32>} : memref<4x99x128xf32, #tpu.memory_space<vmem>>, vector<1x1x16xf32>,
      %parallel_loop3A_344 = vector.shape_cast %parallel_loop3A_343 : vector<1x1x16xf32> to vector<16xf32>
      %parallel_loop3A_345 = arith.addf %parallel_loop3A_319, %parallel_loop3A_344 : vector<16xf32>
      %parallel_loop3A_346 = arith.constant 2 : i32
      %parallel_loop3A_347 = arith.index_cast %parallel_loop3A_346 : i32 to index
      %parallel_loop3A_348 = arith.index_cast %parallel_loop3A_316 : i32 to index
      %parallel_loop3A_349 = arith.constant 48 : index
      %parallel_loop3A_350 = tpu.vector_load %arg4[%parallel_loop3A_347, %parallel_loop3A_348, %parallel_loop3A_349] {strides = array<i32>} : memref<4x99x128xf32, #tpu.memory_space<vmem>>, vector<1x1x16xf32>,
      %parallel_loop3A_351 = vector.shape_cast %parallel_loop3A_350 : vector<1x1x16xf32> to vector<16xf32>
      %parallel_loop3A_352 = arith.addf %parallel_loop3A_320, %parallel_loop3A_351 : vector<16xf32>
      %parallel_loop3A_353 = arith.constant 2 : i32
      %parallel_loop3A_354 = arith.index_cast %parallel_loop3A_353 : i32 to index
      %parallel_loop3A_355 = arith.index_cast %parallel_loop3A_316 : i32 to index
      %parallel_loop3A_356 = arith.constant 64 : index
      %parallel_loop3A_357 = tpu.vector_load %arg4[%parallel_loop3A_354, %parallel_loop3A_355, %parallel_loop3A_356] {strides = array<i32>} : memref<4x99x128xf32, #tpu.memory_space<vmem>>, vector<1x1x16xf32>,
      %parallel_loop3A_358 = vector.shape_cast %parallel_loop3A_357 : vector<1x1x16xf32> to vector<16xf32>
      %parallel_loop3A_359 = arith.addf %parallel_loop3A_321, %parallel_loop3A_358 : vector<16xf32>
      %parallel_loop3A_360 = arith.constant 2 : i32
      %parallel_loop3A_361 = arith.index_cast %parallel_loop3A_360 : i32 to index
      %parallel_loop3A_362 = arith.index_cast %parallel_loop3A_316 : i32 to index
      %parallel_loop3A_363 = arith.constant 80 : index
      %parallel_loop3A_364 = tpu.vector_load %arg4[%parallel_loop3A_361, %parallel_loop3A_362, %parallel_loop3A_363] {strides = array<i32>} : memref<4x99x128xf32, #tpu.memory_space<vmem>>, vector<1x1x16xf32>,
      %parallel_loop3A_365 = vector.shape_cast %parallel_loop3A_364 : vector<1x1x16xf32> to vector<16xf32>
      %parallel_loop3A_366 = arith.addf %parallel_loop3A_322, %parallel_loop3A_365 : vector<16xf32>
      %parallel_loop3A_367 = arith.constant 2 : i32
      %parallel_loop3A_368 = arith.index_cast %parallel_loop3A_367 : i32 to index
      %parallel_loop3A_369 = arith.index_cast %parallel_loop3A_316 : i32 to index
      %parallel_loop3A_370 = arith.constant 96 : index
      %parallel_loop3A_371 = tpu.vector_load %arg4[%parallel_loop3A_368, %parallel_loop3A_369, %parallel_loop3A_370] {strides = array<i32>} : memref<4x99x128xf32, #tpu.memory_space<vmem>>, vector<1x1x16xf32>,
      %parallel_loop3A_372 = vector.shape_cast %parallel_loop3A_371 : vector<1x1x16xf32> to vector<16xf32>
      %parallel_loop3A_373 = arith.addf %parallel_loop3A_323, %parallel_loop3A_372 : vector<16xf32>
      %parallel_loop3A_374 = arith.constant 2 : i32
      %parallel_loop3A_375 = arith.index_cast %parallel_loop3A_374 : i32 to index
      %parallel_loop3A_376 = arith.index_cast %parallel_loop3A_316 : i32 to index
      %parallel_loop3A_377 = arith.constant 112 : index
      %parallel_loop3A_378 = tpu.vector_load %arg4[%parallel_loop3A_375, %parallel_loop3A_376, %parallel_loop3A_377] {strides = array<i32>} : memref<4x99x128xf32, #tpu.memory_space<vmem>>, vector<1x1x16xf32>,
      %parallel_loop3A_379 = vector.shape_cast %parallel_loop3A_378 : vector<1x1x16xf32> to vector<16xf32>
      %parallel_loop3A_380 = arith.addf %parallel_loop3A_324, %parallel_loop3A_379 : vector<16xf32>
      scf.yield %parallel_loop3A_331, %parallel_loop3A_338, %parallel_loop3A_345, %parallel_loop3A_352, %parallel_loop3A_359, %parallel_loop3A_366, %parallel_loop3A_373, %parallel_loop3A_380 : vector<16xf32>, vector<16xf32>, vector<16xf32>, vector<16xf32>, vector<16xf32>, vector<16xf32>, vector<16xf32>, vector<16xf32>
    } {sc.loop_unroll_factor = 9 : i64, sc.parallel_access}
    %mul3A_193 = arith.constant 11088 : i32
    %mul3A_194 = arith.muli %arg0, %mul3A_193 : i32
    %add3A_195 = arith.constant 77824 : i32
    %add3A_196 = arith.addi %add3A_195, %mul3A_194 : i32
    %add3A_197 = arith.constant 96 : i32
    %add3A_198 = arith.addi %add3A_197, %arg1 : i32
    %mul3A_199 = arith.constant 99 : i32
    %mul3A_200 = arith.muli %add3A_198, %mul3A_199 : i32
    %add3A_201 = arith.addi %add3A_196, %mul3A_200 : i32
    %dma_start3A_202 = arith.constant 2 : i32
    %dma_start3A_203 = arith.constant 0 : i32
    %dma_start3A_204 = arith.constant 0 : i32
    %dma_start3A_205 = tpu.memref_slice %arg4[%dma_start3A_202, %dma_start3A_203, %dma_start3A_204] : memref<4x99x128xf32, #tpu.memory_space<vmem>> -> memref<1x99x128xf32, #tpu.memory_space<vmem>>
    %dma_start3A_206 = tpu.memref_squeeze %dma_start3A_205 : memref<1x99x128xf32, #tpu.memory_space<vmem>> -> memref<99x128xf32, #tpu.memory_space<vmem>>
    %dma_start3A_207 = arith.constant 0 : i32
    %dma_start3A_208 = tpu.memref_slice %arg2[%add3A_201, %dma_start3A_207] : memref<100000x128xf32, #tpu.memory_space<hbm>> -> memref<99x128xf32, #tpu.memory_space<hbm>>
    %dma_start3A_209 = arith.constant 0 : i32
    %dma_start3A_210 = arith.constant 0 : i32
    %dma_start3A_211 = tpu.memref_slice %arg4[%dma_start3A_202, %dma_start3A_209, %dma_start3A_210] : memref<4x99x128xf32, #tpu.memory_space<vmem>> -> memref<1x99x128xf32, #tpu.memory_space<vmem>>
    %dma_start3A_212 = tpu.memref_squeeze %dma_start3A_211 : memref<1x99x128xf32, #tpu.memory_space<vmem>> -> memref<99x128xf32, #tpu.memory_space<vmem>>
    %dma_start3A_213 = arith.constant 0 : i32
    %dma_start3A_214 = tpu.memref_slice %arg2[%add3A_201, %dma_start3A_213] : memref<100000x128xf32, #tpu.memory_space<hbm>> -> memref<99x128xf32, #tpu.memory_space<hbm>>
    tpu.enqueue_dma source(%dma_start3A_214 : memref<99x128xf32, #tpu.memory_space<hbm>>) target(%dma_start3A_212 : memref<99x128xf32, #tpu.memory_space<vmem>>) target_semaphore(%arg10 : memref<!tpu.dma_semaphore, #tpu.memory_space<semaphore_mem>>)
    %dma_wait3A_215 = arith.constant 3 : i32
    %dma_wait3A_216 = arith.constant 0 : i32
    %dma_wait3A_217 = arith.constant 0 : i32
    %dma_wait3A_218 = tpu.memref_slice %arg4[%dma_wait3A_215, %dma_wait3A_216, %dma_wait3A_217] : memref<4x99x128xf32, #tpu.memory_space<vmem>> -> memref<1x99x128xf32, #tpu.memory_space<vmem>>
    %dma_wait3A_219 = tpu.memref_squeeze %dma_wait3A_218 : memref<1x99x128xf32, #tpu.memory_space<vmem>> -> memref<99x128xf32, #tpu.memory_space<vmem>>
    %dma_wait3A_220 = arith.constant 0 : i32
    %dma_wait3A_221 = tpu.memref_slice %arg2[%add3A_86, %dma_wait3A_220] : memref<100000x128xf32, #tpu.memory_space<hbm>> -> memref<99x128xf32, #tpu.memory_space<hbm>>
    %dma_wait3A_222 = arith.constant 0 : i32
    %dma_wait3A_223 = arith.constant 0 : i32
    %dma_wait3A_224 = tpu.memref_slice %arg4[%dma_wait3A_215, %dma_wait3A_222, %dma_wait3A_223] : memref<4x99x128xf32, #tpu.memory_space<vmem>> -> memref<1x99x128xf32, #tpu.memory_space<vmem>>
    %dma_wait3A_225 = tpu.memref_squeeze %dma_wait3A_224 : memref<1x99x128xf32, #tpu.memory_space<vmem>> -> memref<99x128xf32, #tpu.memory_space<vmem>>
    %dma_wait3A_226 = arith.constant 0 : i32
    %dma_wait3A_227 = tpu.memref_slice %arg2[%add3A_86, %dma_wait3A_226] : memref<100000x128xf32, #tpu.memory_space<hbm>> -> memref<99x128xf32, #tpu.memory_space<hbm>>
    tpu.wait_dma2 semaphore(%arg11 : memref<!tpu.dma_semaphore, #tpu.memory_space<semaphore_mem>>) src(%dma_wait3A_227 : memref<99x128xf32, #tpu.memory_space<hbm>>) dst(%dma_wait3A_225 : memref<99x128xf32, #tpu.memory_space<vmem>>)
    %parallel_loop3A_228 = arith.constant 0 : i32
    %parallel_loop3A_229 = arith.constant 99 : i32
    %parallel_loop3A_230 = arith.constant 1 : i32
    %parallel_loop3A_231:8 = scf.for %parallel_loop3A_316 = %parallel_loop3A_228 to %parallel_loop3A_229 step %parallel_loop3A_230 iter_args(%parallel_loop3A_317 = %parallel_loop3A_192#0, %parallel_loop3A_318 = %parallel_loop3A_192#1, %parallel_loop3A_319 = %parallel_loop3A_192#2, %parallel_loop3A_320 = %parallel_loop3A_192#3, %parallel_loop3A_321 = %parallel_loop3A_192#4, %parallel_loop3A_322 = %parallel_loop3A_192#5, %parallel_loop3A_323 = %parallel_loop3A_192#6, %parallel_loop3A_324 = %parallel_loop3A_192#7) -> (vector<16xf32>, vector<16xf32>, vector<16xf32>, vector<16xf32>, vector<16xf32>, vector<16xf32>, vector<16xf32>, vector<16xf32>)  : i32 {
      %parallel_loop3A_325 = arith.constant 3 : i32
      %parallel_loop3A_326 = arith.index_cast %parallel_loop3A_325 : i32 to index
      %parallel_loop3A_327 = arith.index_cast %parallel_loop3A_316 : i32 to index
      %parallel_loop3A_328 = arith.constant 0 : index
      %parallel_loop3A_329 = tpu.vector_load %arg4[%parallel_loop3A_326, %parallel_loop3A_327, %parallel_loop3A_328] {strides = array<i32>} : memref<4x99x128xf32, #tpu.memory_space<vmem>>, vector<1x1x16xf32>,
      %parallel_loop3A_330 = vector.shape_cast %parallel_loop3A_329 : vector<1x1x16xf32> to vector<16xf32>
      %parallel_loop3A_331 = arith.addf %parallel_loop3A_317, %parallel_loop3A_330 : vector<16xf32>
      %parallel_loop3A_332 = arith.constant 3 : i32
      %parallel_loop3A_333 = arith.index_cast %parallel_loop3A_332 : i32 to index
      %parallel_loop3A_334 = arith.index_cast %parallel_loop3A_316 : i32 to index
      %parallel_loop3A_335 = arith.constant 16 : index
      %parallel_loop3A_336 = tpu.vector_load %arg4[%parallel_loop3A_333, %parallel_loop3A_334, %parallel_loop3A_335] {strides = array<i32>} : memref<4x99x128xf32, #tpu.memory_space<vmem>>, vector<1x1x16xf32>,
      %parallel_loop3A_337 = vector.shape_cast %parallel_loop3A_336 : vector<1x1x16xf32> to vector<16xf32>
      %parallel_loop3A_338 = arith.addf %parallel_loop3A_318, %parallel_loop3A_337 : vector<16xf32>
      %parallel_loop3A_339 = arith.constant 3 : i32
      %parallel_loop3A_340 = arith.index_cast %parallel_loop3A_339 : i32 to index
      %parallel_loop3A_341 = arith.index_cast %parallel_loop3A_316 : i32 to index
      %parallel_loop3A_342 = arith.constant 32 : index
      %parallel_loop3A_343 = tpu.vector_load %arg4[%parallel_loop3A_340, %parallel_loop3A_341, %parallel_loop3A_342] {strides = array<i32>} : memref<4x99x128xf32, #tpu.memory_space<vmem>>, vector<1x1x16xf32>,
      %parallel_loop3A_344 = vector.shape_cast %parallel_loop3A_343 : vector<1x1x16xf32> to vector<16xf32>
      %parallel_loop3A_345 = arith.addf %parallel_loop3A_319, %parallel_loop3A_344 : vector<16xf32>
      %parallel_loop3A_346 = arith.constant 3 : i32
      %parallel_loop3A_347 = arith.index_cast %parallel_loop3A_346 : i32 to index
      %parallel_loop3A_348 = arith.index_cast %parallel_loop3A_316 : i32 to index
      %parallel_loop3A_349 = arith.constant 48 : index
      %parallel_loop3A_350 = tpu.vector_load %arg4[%parallel_loop3A_347, %parallel_loop3A_348, %parallel_loop3A_349] {strides = array<i32>} : memref<4x99x128xf32, #tpu.memory_space<vmem>>, vector<1x1x16xf32>,
      %parallel_loop3A_351 = vector.shape_cast %parallel_loop3A_350 : vector<1x1x16xf32> to vector<16xf32>
      %parallel_loop3A_352 = arith.addf %parallel_loop3A_320, %parallel_loop3A_351 : vector<16xf32>
      %parallel_loop3A_353 = arith.constant 3 : i32
      %parallel_loop3A_354 = arith.index_cast %parallel_loop3A_353 : i32 to index
      %parallel_loop3A_355 = arith.index_cast %parallel_loop3A_316 : i32 to index
      %parallel_loop3A_356 = arith.constant 64 : index
      %parallel_loop3A_357 = tpu.vector_load %arg4[%parallel_loop3A_354, %parallel_loop3A_355, %parallel_loop3A_356] {strides = array<i32>} : memref<4x99x128xf32, #tpu.memory_space<vmem>>, vector<1x1x16xf32>,
      %parallel_loop3A_358 = vector.shape_cast %parallel_loop3A_357 : vector<1x1x16xf32> to vector<16xf32>
      %parallel_loop3A_359 = arith.addf %parallel_loop3A_321, %parallel_loop3A_358 : vector<16xf32>
      %parallel_loop3A_360 = arith.constant 3 : i32
      %parallel_loop3A_361 = arith.index_cast %parallel_loop3A_360 : i32 to index
      %parallel_loop3A_362 = arith.index_cast %parallel_loop3A_316 : i32 to index
      %parallel_loop3A_363 = arith.constant 80 : index
      %parallel_loop3A_364 = tpu.vector_load %arg4[%parallel_loop3A_361, %parallel_loop3A_362, %parallel_loop3A_363] {strides = array<i32>} : memref<4x99x128xf32, #tpu.memory_space<vmem>>, vector<1x1x16xf32>,
      %parallel_loop3A_365 = vector.shape_cast %parallel_loop3A_364 : vector<1x1x16xf32> to vector<16xf32>
      %parallel_loop3A_366 = arith.addf %parallel_loop3A_322, %parallel_loop3A_365 : vector<16xf32>
      %parallel_loop3A_367 = arith.constant 3 : i32
      %parallel_loop3A_368 = arith.index_cast %parallel_loop3A_367 : i32 to index
      %parallel_loop3A_369 = arith.index_cast %parallel_loop3A_316 : i32 to index
      %parallel_loop3A_370 = arith.constant 96 : index
      %parallel_loop3A_371 = tpu.vector_load %arg4[%parallel_loop3A_368, %parallel_loop3A_369, %parallel_loop3A_370] {strides = array<i32>} : memref<4x99x128xf32, #tpu.memory_space<vmem>>, vector<1x1x16xf32>,
      %parallel_loop3A_372 = vector.shape_cast %parallel_loop3A_371 : vector<1x1x16xf32> to vector<16xf32>
      %parallel_loop3A_373 = arith.addf %parallel_loop3A_323, %parallel_loop3A_372 : vector<16xf32>
      %parallel_loop3A_374 = arith.constant 3 : i32
      %parallel_loop3A_375 = arith.index_cast %parallel_loop3A_374 : i32 to index
      %parallel_loop3A_376 = arith.index_cast %parallel_loop3A_316 : i32 to index
      %parallel_loop3A_377 = arith.constant 112 : index
      %parallel_loop3A_378 = tpu.vector_load %arg4[%parallel_loop3A_375, %parallel_loop3A_376, %parallel_loop3A_377] {strides = array<i32>} : memref<4x99x128xf32, #tpu.memory_space<vmem>>, vector<1x1x16xf32>,
      %parallel_loop3A_379 = vector.shape_cast %parallel_loop3A_378 : vector<1x1x16xf32> to vector<16xf32>
      %parallel_loop3A_380 = arith.addf %parallel_loop3A_324, %parallel_loop3A_379 : vector<16xf32>
      scf.yield %parallel_loop3A_331, %parallel_loop3A_338, %parallel_loop3A_345, %parallel_loop3A_352, %parallel_loop3A_359, %parallel_loop3A_366, %parallel_loop3A_373, %parallel_loop3A_380 : vector<16xf32>, vector<16xf32>, vector<16xf32>, vector<16xf32>, vector<16xf32>, vector<16xf32>, vector<16xf32>, vector<16xf32>
    } {sc.loop_unroll_factor = 9 : i64, sc.parallel_access}
    %dma_wait3A_232 = arith.constant 0 : i32
    %dma_wait3A_233 = arith.constant 0 : i32
    %dma_wait3A_234 = arith.constant 0 : i32
    %dma_wait3A_235 = tpu.memref_slice %arg4[%dma_wait3A_232, %dma_wait3A_233, %dma_wait3A_234] : memref<4x99x128xf32, #tpu.memory_space<vmem>> -> memref<1x99x128xf32, #tpu.memory_space<vmem>>
    %dma_wait3A_236 = tpu.memref_squeeze %dma_wait3A_235 : memref<1x99x128xf32, #tpu.memory_space<vmem>> -> memref<99x128xf32, #tpu.memory_space<vmem>>
    %dma_wait3A_237 = arith.constant 0 : i32
    %dma_wait3A_238 = tpu.memref_slice %arg2[%add3A_123, %dma_wait3A_237] : memref<100000x128xf32, #tpu.memory_space<hbm>> -> memref<99x128xf32, #tpu.memory_space<hbm>>
    %dma_wait3A_239 = arith.constant 0 : i32
    %dma_wait3A_240 = arith.constant 0 : i32
    %dma_wait3A_241 = tpu.memref_slice %arg4[%dma_wait3A_232, %dma_wait3A_239, %dma_wait3A_240] : memref<4x99x128xf32, #tpu.memory_space<vmem>> -> memref<1x99x128xf32, #tpu.memory_space<vmem>>
    %dma_wait3A_242 = tpu.memref_squeeze %dma_wait3A_241 : memref<1x99x128xf32, #tpu.memory_space<vmem>> -> memref<99x128xf32, #tpu.memory_space<vmem>>
    %dma_wait3A_243 = arith.constant 0 : i32
    %dma_wait3A_244 = tpu.memref_slice %arg2[%add3A_123, %dma_wait3A_243] : memref<100000x128xf32, #tpu.memory_space<hbm>> -> memref<99x128xf32, #tpu.memory_space<hbm>>
    tpu.wait_dma2 semaphore(%arg8 : memref<!tpu.dma_semaphore, #tpu.memory_space<semaphore_mem>>) src(%dma_wait3A_244 : memref<99x128xf32, #tpu.memory_space<hbm>>) dst(%dma_wait3A_242 : memref<99x128xf32, #tpu.memory_space<vmem>>)
    %parallel_loop3A_245 = arith.constant 0 : i32
    %parallel_loop3A_246 = arith.constant 99 : i32
    %parallel_loop3A_247 = arith.constant 1 : i32
    %parallel_loop3A_248:8 = scf.for %parallel_loop3A_316 = %parallel_loop3A_245 to %parallel_loop3A_246 step %parallel_loop3A_247 iter_args(%parallel_loop3A_317 = %parallel_loop3A_231#0, %parallel_loop3A_318 = %parallel_loop3A_231#1, %parallel_loop3A_319 = %parallel_loop3A_231#2, %parallel_loop3A_320 = %parallel_loop3A_231#3, %parallel_loop3A_321 = %parallel_loop3A_231#4, %parallel_loop3A_322 = %parallel_loop3A_231#5, %parallel_loop3A_323 = %parallel_loop3A_231#6, %parallel_loop3A_324 = %parallel_loop3A_231#7) -> (vector<16xf32>, vector<16xf32>, vector<16xf32>, vector<16xf32>, vector<16xf32>, vector<16xf32>, vector<16xf32>, vector<16xf32>)  : i32 {
      %parallel_loop3A_325 = arith.constant 0 : i32
      %parallel_loop3A_326 = arith.index_cast %parallel_loop3A_325 : i32 to index
      %parallel_loop3A_327 = arith.index_cast %parallel_loop3A_316 : i32 to index
      %parallel_loop3A_328 = arith.constant 0 : index
      %parallel_loop3A_329 = tpu.vector_load %arg4[%parallel_loop3A_326, %parallel_loop3A_327, %parallel_loop3A_328] {strides = array<i32>} : memref<4x99x128xf32, #tpu.memory_space<vmem>>, vector<1x1x16xf32>,
      %parallel_loop3A_330 = vector.shape_cast %parallel_loop3A_329 : vector<1x1x16xf32> to vector<16xf32>
      %parallel_loop3A_331 = arith.addf %parallel_loop3A_317, %parallel_loop3A_330 : vector<16xf32>
      %parallel_loop3A_332 = arith.constant 0 : i32
      %parallel_loop3A_333 = arith.index_cast %parallel_loop3A_332 : i32 to index
      %parallel_loop3A_334 = arith.index_cast %parallel_loop3A_316 : i32 to index
      %parallel_loop3A_335 = arith.constant 16 : index
      %parallel_loop3A_336 = tpu.vector_load %arg4[%parallel_loop3A_333, %parallel_loop3A_334, %parallel_loop3A_335] {strides = array<i32>} : memref<4x99x128xf32, #tpu.memory_space<vmem>>, vector<1x1x16xf32>,
      %parallel_loop3A_337 = vector.shape_cast %parallel_loop3A_336 : vector<1x1x16xf32> to vector<16xf32>
      %parallel_loop3A_338 = arith.addf %parallel_loop3A_318, %parallel_loop3A_337 : vector<16xf32>
      %parallel_loop3A_339 = arith.constant 0 : i32
      %parallel_loop3A_340 = arith.index_cast %parallel_loop3A_339 : i32 to index
      %parallel_loop3A_341 = arith.index_cast %parallel_loop3A_316 : i32 to index
      %parallel_loop3A_342 = arith.constant 32 : index
      %parallel_loop3A_343 = tpu.vector_load %arg4[%parallel_loop3A_340, %parallel_loop3A_341, %parallel_loop3A_342] {strides = array<i32>} : memref<4x99x128xf32, #tpu.memory_space<vmem>>, vector<1x1x16xf32>,
      %parallel_loop3A_344 = vector.shape_cast %parallel_loop3A_343 : vector<1x1x16xf32> to vector<16xf32>
      %parallel_loop3A_345 = arith.addf %parallel_loop3A_319, %parallel_loop3A_344 : vector<16xf32>
      %parallel_loop3A_346 = arith.constant 0 : i32
      %parallel_loop3A_347 = arith.index_cast %parallel_loop3A_346 : i32 to index
      %parallel_loop3A_348 = arith.index_cast %parallel_loop3A_316 : i32 to index
      %parallel_loop3A_349 = arith.constant 48 : index
      %parallel_loop3A_350 = tpu.vector_load %arg4[%parallel_loop3A_347, %parallel_loop3A_348, %parallel_loop3A_349] {strides = array<i32>} : memref<4x99x128xf32, #tpu.memory_space<vmem>>, vector<1x1x16xf32>,
      %parallel_loop3A_351 = vector.shape_cast %parallel_loop3A_350 : vector<1x1x16xf32> to vector<16xf32>
      %parallel_loop3A_352 = arith.addf %parallel_loop3A_320, %parallel_loop3A_351 : vector<16xf32>
      %parallel_loop3A_353 = arith.constant 0 : i32
      %parallel_loop3A_354 = arith.index_cast %parallel_loop3A_353 : i32 to index
      %parallel_loop3A_355 = arith.index_cast %parallel_loop3A_316 : i32 to index
      %parallel_loop3A_356 = arith.constant 64 : index
      %parallel_loop3A_357 = tpu.vector_load %arg4[%parallel_loop3A_354, %parallel_loop3A_355, %parallel_loop3A_356] {strides = array<i32>} : memref<4x99x128xf32, #tpu.memory_space<vmem>>, vector<1x1x16xf32>,
      %parallel_loop3A_358 = vector.shape_cast %parallel_loop3A_357 : vector<1x1x16xf32> to vector<16xf32>
      %parallel_loop3A_359 = arith.addf %parallel_loop3A_321, %parallel_loop3A_358 : vector<16xf32>
      %parallel_loop3A_360 = arith.constant 0 : i32
      %parallel_loop3A_361 = arith.index_cast %parallel_loop3A_360 : i32 to index
      %parallel_loop3A_362 = arith.index_cast %parallel_loop3A_316 : i32 to index
      %parallel_loop3A_363 = arith.constant 80 : index
      %parallel_loop3A_364 = tpu.vector_load %arg4[%parallel_loop3A_361, %parallel_loop3A_362, %parallel_loop3A_363] {strides = array<i32>} : memref<4x99x128xf32, #tpu.memory_space<vmem>>, vector<1x1x16xf32>,
      %parallel_loop3A_365 = vector.shape_cast %parallel_loop3A_364 : vector<1x1x16xf32> to vector<16xf32>
      %parallel_loop3A_366 = arith.addf %parallel_loop3A_322, %parallel_loop3A_365 : vector<16xf32>
      %parallel_loop3A_367 = arith.constant 0 : i32
      %parallel_loop3A_368 = arith.index_cast %parallel_loop3A_367 : i32 to index
      %parallel_loop3A_369 = arith.index_cast %parallel_loop3A_316 : i32 to index
      %parallel_loop3A_370 = arith.constant 96 : index
      %parallel_loop3A_371 = tpu.vector_load %arg4[%parallel_loop3A_368, %parallel_loop3A_369, %parallel_loop3A_370] {strides = array<i32>} : memref<4x99x128xf32, #tpu.memory_space<vmem>>, vector<1x1x16xf32>,
      %parallel_loop3A_372 = vector.shape_cast %parallel_loop3A_371 : vector<1x1x16xf32> to vector<16xf32>
      %parallel_loop3A_373 = arith.addf %parallel_loop3A_323, %parallel_loop3A_372 : vector<16xf32>
      %parallel_loop3A_374 = arith.constant 0 : i32
      %parallel_loop3A_375 = arith.index_cast %parallel_loop3A_374 : i32 to index
      %parallel_loop3A_376 = arith.index_cast %parallel_loop3A_316 : i32 to index
      %parallel_loop3A_377 = arith.constant 112 : index
      %parallel_loop3A_378 = tpu.vector_load %arg4[%parallel_loop3A_375, %parallel_loop3A_376, %parallel_loop3A_377] {strides = array<i32>} : memref<4x99x128xf32, #tpu.memory_space<vmem>>, vector<1x1x16xf32>,
      %parallel_loop3A_379 = vector.shape_cast %parallel_loop3A_378 : vector<1x1x16xf32> to vector<16xf32>
      %parallel_loop3A_380 = arith.addf %parallel_loop3A_324, %parallel_loop3A_379 : vector<16xf32>
      scf.yield %parallel_loop3A_331, %parallel_loop3A_338, %parallel_loop3A_345, %parallel_loop3A_352, %parallel_loop3A_359, %parallel_loop3A_366, %parallel_loop3A_373, %parallel_loop3A_380 : vector<16xf32>, vector<16xf32>, vector<16xf32>, vector<16xf32>, vector<16xf32>, vector<16xf32>, vector<16xf32>, vector<16xf32>
    } {sc.loop_unroll_factor = 9 : i64, sc.parallel_access}
    %dma_wait3A_249 = arith.constant 1 : i32
    %dma_wait3A_250 = arith.constant 0 : i32
    %dma_wait3A_251 = arith.constant 0 : i32
    %dma_wait3A_252 = tpu.memref_slice %arg4[%dma_wait3A_249, %dma_wait3A_250, %dma_wait3A_251] : memref<4x99x128xf32, #tpu.memory_space<vmem>> -> memref<1x99x128xf32, #tpu.memory_space<vmem>>
    %dma_wait3A_253 = tpu.memref_squeeze %dma_wait3A_252 : memref<1x99x128xf32, #tpu.memory_space<vmem>> -> memref<99x128xf32, #tpu.memory_space<vmem>>
    %dma_wait3A_254 = arith.constant 0 : i32
    %dma_wait3A_255 = tpu.memref_slice %arg2[%add3A_162, %dma_wait3A_254] : memref<100000x128xf32, #tpu.memory_space<hbm>> -> memref<99x128xf32, #tpu.memory_space<hbm>>
    %dma_wait3A_256 = arith.constant 0 : i32
    %dma_wait3A_257 = arith.constant 0 : i32
    %dma_wait3A_258 = tpu.memref_slice %arg4[%dma_wait3A_249, %dma_wait3A_256, %dma_wait3A_257] : memref<4x99x128xf32, #tpu.memory_space<vmem>> -> memref<1x99x128xf32, #tpu.memory_space<vmem>>
    %dma_wait3A_259 = tpu.memref_squeeze %dma_wait3A_258 : memref<1x99x128xf32, #tpu.memory_space<vmem>> -> memref<99x128xf32, #tpu.memory_space<vmem>>
    %dma_wait3A_260 = arith.constant 0 : i32
    %dma_wait3A_261 = tpu.memref_slice %arg2[%add3A_162, %dma_wait3A_260] : memref<100000x128xf32, #tpu.memory_space<hbm>> -> memref<99x128xf32, #tpu.memory_space<hbm>>
    tpu.wait_dma2 semaphore(%arg9 : memref<!tpu.dma_semaphore, #tpu.memory_space<semaphore_mem>>) src(%dma_wait3A_261 : memref<99x128xf32, #tpu.memory_space<hbm>>) dst(%dma_wait3A_259 : memref<99x128xf32, #tpu.memory_space<vmem>>)
    %parallel_loop3A_262 = arith.constant 0 : i32
    %parallel_loop3A_263 = arith.constant 99 : i32
    %parallel_loop3A_264 = arith.constant 1 : i32
    %parallel_loop3A_265:8 = scf.for %parallel_loop3A_316 = %parallel_loop3A_262 to %parallel_loop3A_263 step %parallel_loop3A_264 iter_args(%parallel_loop3A_317 = %parallel_loop3A_248#0, %parallel_loop3A_318 = %parallel_loop3A_248#1, %parallel_loop3A_319 = %parallel_loop3A_248#2, %parallel_loop3A_320 = %parallel_loop3A_248#3, %parallel_loop3A_321 = %parallel_loop3A_248#4, %parallel_loop3A_322 = %parallel_loop3A_248#5, %parallel_loop3A_323 = %parallel_loop3A_248#6, %parallel_loop3A_324 = %parallel_loop3A_248#7) -> (vector<16xf32>, vector<16xf32>, vector<16xf32>, vector<16xf32>, vector<16xf32>, vector<16xf32>, vector<16xf32>, vector<16xf32>)  : i32 {
      %parallel_loop3A_325 = arith.constant 1 : i32
      %parallel_loop3A_326 = arith.index_cast %parallel_loop3A_325 : i32 to index
      %parallel_loop3A_327 = arith.index_cast %parallel_loop3A_316 : i32 to index
      %parallel_loop3A_328 = arith.constant 0 : index
      %parallel_loop3A_329 = tpu.vector_load %arg4[%parallel_loop3A_326, %parallel_loop3A_327, %parallel_loop3A_328] {strides = array<i32>} : memref<4x99x128xf32, #tpu.memory_space<vmem>>, vector<1x1x16xf32>,
      %parallel_loop3A_330 = vector.shape_cast %parallel_loop3A_329 : vector<1x1x16xf32> to vector<16xf32>
      %parallel_loop3A_331 = arith.addf %parallel_loop3A_317, %parallel_loop3A_330 : vector<16xf32>
      %parallel_loop3A_332 = arith.constant 1 : i32
      %parallel_loop3A_333 = arith.index_cast %parallel_loop3A_332 : i32 to index
      %parallel_loop3A_334 = arith.index_cast %parallel_loop3A_316 : i32 to index
      %parallel_loop3A_335 = arith.constant 16 : index
      %parallel_loop3A_336 = tpu.vector_load %arg4[%parallel_loop3A_333, %parallel_loop3A_334, %parallel_loop3A_335] {strides = array<i32>} : memref<4x99x128xf32, #tpu.memory_space<vmem>>, vector<1x1x16xf32>,
      %parallel_loop3A_337 = vector.shape_cast %parallel_loop3A_336 : vector<1x1x16xf32> to vector<16xf32>
      %parallel_loop3A_338 = arith.addf %parallel_loop3A_318, %parallel_loop3A_337 : vector<16xf32>
      %parallel_loop3A_339 = arith.constant 1 : i32
      %parallel_loop3A_340 = arith.index_cast %parallel_loop3A_339 : i32 to index
      %parallel_loop3A_341 = arith.index_cast %parallel_loop3A_316 : i32 to index
      %parallel_loop3A_342 = arith.constant 32 : index
      %parallel_loop3A_343 = tpu.vector_load %arg4[%parallel_loop3A_340, %parallel_loop3A_341, %parallel_loop3A_342] {strides = array<i32>} : memref<4x99x128xf32, #tpu.memory_space<vmem>>, vector<1x1x16xf32>,
      %parallel_loop3A_344 = vector.shape_cast %parallel_loop3A_343 : vector<1x1x16xf32> to vector<16xf32>
      %parallel_loop3A_345 = arith.addf %parallel_loop3A_319, %parallel_loop3A_344 : vector<16xf32>
      %parallel_loop3A_346 = arith.constant 1 : i32
      %parallel_loop3A_347 = arith.index_cast %parallel_loop3A_346 : i32 to index
      %parallel_loop3A_348 = arith.index_cast %parallel_loop3A_316 : i32 to index
      %parallel_loop3A_349 = arith.constant 48 : index
      %parallel_loop3A_350 = tpu.vector_load %arg4[%parallel_loop3A_347, %parallel_loop3A_348, %parallel_loop3A_349] {strides = array<i32>} : memref<4x99x128xf32, #tpu.memory_space<vmem>>, vector<1x1x16xf32>,
      %parallel_loop3A_351 = vector.shape_cast %parallel_loop3A_350 : vector<1x1x16xf32> to vector<16xf32>
      %parallel_loop3A_352 = arith.addf %parallel_loop3A_320, %parallel_loop3A_351 : vector<16xf32>
      %parallel_loop3A_353 = arith.constant 1 : i32
      %parallel_loop3A_354 = arith.index_cast %parallel_loop3A_353 : i32 to index
      %parallel_loop3A_355 = arith.index_cast %parallel_loop3A_316 : i32 to index
      %parallel_loop3A_356 = arith.constant 64 : index
      %parallel_loop3A_357 = tpu.vector_load %arg4[%parallel_loop3A_354, %parallel_loop3A_355, %parallel_loop3A_356] {strides = array<i32>} : memref<4x99x128xf32, #tpu.memory_space<vmem>>, vector<1x1x16xf32>,
      %parallel_loop3A_358 = vector.shape_cast %parallel_loop3A_357 : vector<1x1x16xf32> to vector<16xf32>
      %parallel_loop3A_359 = arith.addf %parallel_loop3A_321, %parallel_loop3A_358 : vector<16xf32>
      %parallel_loop3A_360 = arith.constant 1 : i32
      %parallel_loop3A_361 = arith.index_cast %parallel_loop3A_360 : i32 to index
      %parallel_loop3A_362 = arith.index_cast %parallel_loop3A_316 : i32 to index
      %parallel_loop3A_363 = arith.constant 80 : index
      %parallel_loop3A_364 = tpu.vector_load %arg4[%parallel_loop3A_361, %parallel_loop3A_362, %parallel_loop3A_363] {strides = array<i32>} : memref<4x99x128xf32, #tpu.memory_space<vmem>>, vector<1x1x16xf32>,
      %parallel_loop3A_365 = vector.shape_cast %parallel_loop3A_364 : vector<1x1x16xf32> to vector<16xf32>
      %parallel_loop3A_366 = arith.addf %parallel_loop3A_322, %parallel_loop3A_365 : vector<16xf32>
      %parallel_loop3A_367 = arith.constant 1 : i32
      %parallel_loop3A_368 = arith.index_cast %parallel_loop3A_367 : i32 to index
      %parallel_loop3A_369 = arith.index_cast %parallel_loop3A_316 : i32 to index
      %parallel_loop3A_370 = arith.constant 96 : index
      %parallel_loop3A_371 = tpu.vector_load %arg4[%parallel_loop3A_368, %parallel_loop3A_369, %parallel_loop3A_370] {strides = array<i32>} : memref<4x99x128xf32, #tpu.memory_space<vmem>>, vector<1x1x16xf32>,
      %parallel_loop3A_372 = vector.shape_cast %parallel_loop3A_371 : vector<1x1x16xf32> to vector<16xf32>
      %parallel_loop3A_373 = arith.addf %parallel_loop3A_323, %parallel_loop3A_372 : vector<16xf32>
      %parallel_loop3A_374 = arith.constant 1 : i32
      %parallel_loop3A_375 = arith.index_cast %parallel_loop3A_374 : i32 to index
      %parallel_loop3A_376 = arith.index_cast %parallel_loop3A_316 : i32 to index
      %parallel_loop3A_377 = arith.constant 112 : index
      %parallel_loop3A_378 = tpu.vector_load %arg4[%parallel_loop3A_375, %parallel_loop3A_376, %parallel_loop3A_377] {strides = array<i32>} : memref<4x99x128xf32, #tpu.memory_space<vmem>>, vector<1x1x16xf32>,
      %parallel_loop3A_379 = vector.shape_cast %parallel_loop3A_378 : vector<1x1x16xf32> to vector<16xf32>
      %parallel_loop3A_380 = arith.addf %parallel_loop3A_324, %parallel_loop3A_379 : vector<16xf32>
      scf.yield %parallel_loop3A_331, %parallel_loop3A_338, %parallel_loop3A_345, %parallel_loop3A_352, %parallel_loop3A_359, %parallel_loop3A_366, %parallel_loop3A_373, %parallel_loop3A_380 : vector<16xf32>, vector<16xf32>, vector<16xf32>, vector<16xf32>, vector<16xf32>, vector<16xf32>, vector<16xf32>, vector<16xf32>
    } {sc.loop_unroll_factor = 9 : i64, sc.parallel_access}
    %dma_wait3A_266 = arith.constant 2 : i32
    %dma_wait3A_267 = arith.constant 0 : i32
    %dma_wait3A_268 = arith.constant 0 : i32
    %dma_wait3A_269 = tpu.memref_slice %arg4[%dma_wait3A_266, %dma_wait3A_267, %dma_wait3A_268] : memref<4x99x128xf32, #tpu.memory_space<vmem>> -> memref<1x99x128xf32, #tpu.memory_space<vmem>>
    %dma_wait3A_270 = tpu.memref_squeeze %dma_wait3A_269 : memref<1x99x128xf32, #tpu.memory_space<vmem>> -> memref<99x128xf32, #tpu.memory_space<vmem>>
    %dma_wait3A_271 = arith.constant 0 : i32
    %dma_wait3A_272 = tpu.memref_slice %arg2[%add3A_201, %dma_wait3A_271] : memref<100000x128xf32, #tpu.memory_space<hbm>> -> memref<99x128xf32, #tpu.memory_space<hbm>>
    %dma_wait3A_273 = arith.constant 0 : i32
    %dma_wait3A_274 = arith.constant 0 : i32
    %dma_wait3A_275 = tpu.memref_slice %arg4[%dma_wait3A_266, %dma_wait3A_273, %dma_wait3A_274] : memref<4x99x128xf32, #tpu.memory_space<vmem>> -> memref<1x99x128xf32, #tpu.memory_space<vmem>>
    %dma_wait3A_276 = tpu.memref_squeeze %dma_wait3A_275 : memref<1x99x128xf32, #tpu.memory_space<vmem>> -> memref<99x128xf32, #tpu.memory_space<vmem>>
    %dma_wait3A_277 = arith.constant 0 : i32
    %dma_wait3A_278 = tpu.memref_slice %arg2[%add3A_201, %dma_wait3A_277] : memref<100000x128xf32, #tpu.memory_space<hbm>> -> memref<99x128xf32, #tpu.memory_space<hbm>>
    tpu.wait_dma2 semaphore(%arg10 : memref<!tpu.dma_semaphore, #tpu.memory_space<semaphore_mem>>) src(%dma_wait3A_278 : memref<99x128xf32, #tpu.memory_space<hbm>>) dst(%dma_wait3A_276 : memref<99x128xf32, #tpu.memory_space<vmem>>)
    %parallel_loop3A_279 = arith.constant 0 : i32
    %parallel_loop3A_280 = arith.constant 99 : i32
    %parallel_loop3A_281 = arith.constant 1 : i32
    %parallel_loop3A_282:8 = scf.for %parallel_loop3A_316 = %parallel_loop3A_279 to %parallel_loop3A_280 step %parallel_loop3A_281 iter_args(%parallel_loop3A_317 = %parallel_loop3A_265#0, %parallel_loop3A_318 = %parallel_loop3A_265#1, %parallel_loop3A_319 = %parallel_loop3A_265#2, %parallel_loop3A_320 = %parallel_loop3A_265#3, %parallel_loop3A_321 = %parallel_loop3A_265#4, %parallel_loop3A_322 = %parallel_loop3A_265#5, %parallel_loop3A_323 = %parallel_loop3A_265#6, %parallel_loop3A_324 = %parallel_loop3A_265#7) -> (vector<16xf32>, vector<16xf32>, vector<16xf32>, vector<16xf32>, vector<16xf32>, vector<16xf32>, vector<16xf32>, vector<16xf32>)  : i32 {
      %parallel_loop3A_325 = arith.constant 2 : i32
      %parallel_loop3A_326 = arith.index_cast %parallel_loop3A_325 : i32 to index
      %parallel_loop3A_327 = arith.index_cast %parallel_loop3A_316 : i32 to index
      %parallel_loop3A_328 = arith.constant 0 : index
      %parallel_loop3A_329 = tpu.vector_load %arg4[%parallel_loop3A_326, %parallel_loop3A_327, %parallel_loop3A_328] {strides = array<i32>} : memref<4x99x128xf32, #tpu.memory_space<vmem>>, vector<1x1x16xf32>,
      %parallel_loop3A_330 = vector.shape_cast %parallel_loop3A_329 : vector<1x1x16xf32> to vector<16xf32>
      %parallel_loop3A_331 = arith.addf %parallel_loop3A_317, %parallel_loop3A_330 : vector<16xf32>
      %parallel_loop3A_332 = arith.constant 2 : i32
      %parallel_loop3A_333 = arith.index_cast %parallel_loop3A_332 : i32 to index
      %parallel_loop3A_334 = arith.index_cast %parallel_loop3A_316 : i32 to index
      %parallel_loop3A_335 = arith.constant 16 : index
      %parallel_loop3A_336 = tpu.vector_load %arg4[%parallel_loop3A_333, %parallel_loop3A_334, %parallel_loop3A_335] {strides = array<i32>} : memref<4x99x128xf32, #tpu.memory_space<vmem>>, vector<1x1x16xf32>,
      %parallel_loop3A_337 = vector.shape_cast %parallel_loop3A_336 : vector<1x1x16xf32> to vector<16xf32>
      %parallel_loop3A_338 = arith.addf %parallel_loop3A_318, %parallel_loop3A_337 : vector<16xf32>
      %parallel_loop3A_339 = arith.constant 2 : i32
      %parallel_loop3A_340 = arith.index_cast %parallel_loop3A_339 : i32 to index
      %parallel_loop3A_341 = arith.index_cast %parallel_loop3A_316 : i32 to index
      %parallel_loop3A_342 = arith.constant 32 : index
      %parallel_loop3A_343 = tpu.vector_load %arg4[%parallel_loop3A_340, %parallel_loop3A_341, %parallel_loop3A_342] {strides = array<i32>} : memref<4x99x128xf32, #tpu.memory_space<vmem>>, vector<1x1x16xf32>,
      %parallel_loop3A_344 = vector.shape_cast %parallel_loop3A_343 : vector<1x1x16xf32> to vector<16xf32>
      %parallel_loop3A_345 = arith.addf %parallel_loop3A_319, %parallel_loop3A_344 : vector<16xf32>
      %parallel_loop3A_346 = arith.constant 2 : i32
      %parallel_loop3A_347 = arith.index_cast %parallel_loop3A_346 : i32 to index
      %parallel_loop3A_348 = arith.index_cast %parallel_loop3A_316 : i32 to index
      %parallel_loop3A_349 = arith.constant 48 : index
      %parallel_loop3A_350 = tpu.vector_load %arg4[%parallel_loop3A_347, %parallel_loop3A_348, %parallel_loop3A_349] {strides = array<i32>} : memref<4x99x128xf32, #tpu.memory_space<vmem>>, vector<1x1x16xf32>,
      %parallel_loop3A_351 = vector.shape_cast %parallel_loop3A_350 : vector<1x1x16xf32> to vector<16xf32>
      %parallel_loop3A_352 = arith.addf %parallel_loop3A_320, %parallel_loop3A_351 : vector<16xf32>
      %parallel_loop3A_353 = arith.constant 2 : i32
      %parallel_loop3A_354 = arith.index_cast %parallel_loop3A_353 : i32 to index
      %parallel_loop3A_355 = arith.index_cast %parallel_loop3A_316 : i32 to index
      %parallel_loop3A_356 = arith.constant 64 : index
      %parallel_loop3A_357 = tpu.vector_load %arg4[%parallel_loop3A_354, %parallel_loop3A_355, %parallel_loop3A_356] {strides = array<i32>} : memref<4x99x128xf32, #tpu.memory_space<vmem>>, vector<1x1x16xf32>,
      %parallel_loop3A_358 = vector.shape_cast %parallel_loop3A_357 : vector<1x1x16xf32> to vector<16xf32>
      %parallel_loop3A_359 = arith.addf %parallel_loop3A_321, %parallel_loop3A_358 : vector<16xf32>
      %parallel_loop3A_360 = arith.constant 2 : i32
      %parallel_loop3A_361 = arith.index_cast %parallel_loop3A_360 : i32 to index
      %parallel_loop3A_362 = arith.index_cast %parallel_loop3A_316 : i32 to index
      %parallel_loop3A_363 = arith.constant 80 : index
      %parallel_loop3A_364 = tpu.vector_load %arg4[%parallel_loop3A_361, %parallel_loop3A_362, %parallel_loop3A_363] {strides = array<i32>} : memref<4x99x128xf32, #tpu.memory_space<vmem>>, vector<1x1x16xf32>,
      %parallel_loop3A_365 = vector.shape_cast %parallel_loop3A_364 : vector<1x1x16xf32> to vector<16xf32>
      %parallel_loop3A_366 = arith.addf %parallel_loop3A_322, %parallel_loop3A_365 : vector<16xf32>
      %parallel_loop3A_367 = arith.constant 2 : i32
      %parallel_loop3A_368 = arith.index_cast %parallel_loop3A_367 : i32 to index
      %parallel_loop3A_369 = arith.index_cast %parallel_loop3A_316 : i32 to index
      %parallel_loop3A_370 = arith.constant 96 : index
      %parallel_loop3A_371 = tpu.vector_load %arg4[%parallel_loop3A_368, %parallel_loop3A_369, %parallel_loop3A_370] {strides = array<i32>} : memref<4x99x128xf32, #tpu.memory_space<vmem>>, vector<1x1x16xf32>,
      %parallel_loop3A_372 = vector.shape_cast %parallel_loop3A_371 : vector<1x1x16xf32> to vector<16xf32>
      %parallel_loop3A_373 = arith.addf %parallel_loop3A_323, %parallel_loop3A_372 : vector<16xf32>
      %parallel_loop3A_374 = arith.constant 2 : i32
      %parallel_loop3A_375 = arith.index_cast %parallel_loop3A_374 : i32 to index
      %parallel_loop3A_376 = arith.index_cast %parallel_loop3A_316 : i32 to index
      %parallel_loop3A_377 = arith.constant 112 : index
      %parallel_loop3A_378 = tpu.vector_load %arg4[%parallel_loop3A_375, %parallel_loop3A_376, %parallel_loop3A_377] {strides = array<i32>} : memref<4x99x128xf32, #tpu.memory_space<vmem>>, vector<1x1x16xf32>,
      %parallel_loop3A_379 = vector.shape_cast %parallel_loop3A_378 : vector<1x1x16xf32> to vector<16xf32>
      %parallel_loop3A_380 = arith.addf %parallel_loop3A_324, %parallel_loop3A_379 : vector<16xf32>
      scf.yield %parallel_loop3A_331, %parallel_loop3A_338, %parallel_loop3A_345, %parallel_loop3A_352, %parallel_loop3A_359, %parallel_loop3A_366, %parallel_loop3A_373, %parallel_loop3A_380 : vector<16xf32>, vector<16xf32>, vector<16xf32>, vector<16xf32>, vector<16xf32>, vector<16xf32>, vector<16xf32>, vector<16xf32>
    } {sc.loop_unroll_factor = 9 : i64, sc.parallel_access}
    %swap3A = arith.constant 0 : index
    %swap3A_283 = tpu.vector_load %arg6[%swap3A] {strides = array<i32>} : memref<128xf32, #tpu.memory_space<vmem>>, vector<16xf32>,
    %swap3A_284 = vector.shape_cast %swap3A_283 : vector<16xf32> to vector<16xf32>
    %swap3A_285 = vector.shape_cast %parallel_loop3A_282#0 : vector<16xf32> to vector<16xf32>
    tpu.vector_store %arg6[%swap3A], %swap3A_285 {strides = array<i32>} : memref<128xf32, #tpu.memory_space<vmem>>, vector<16xf32>,
    %swap3A_286 = arith.constant 16 : index
    %swap3A_287 = tpu.vector_load %arg6[%swap3A_286] {strides = array<i32>} : memref<128xf32, #tpu.memory_space<vmem>>, vector<16xf32>,
    %swap3A_288 = vector.shape_cast %swap3A_287 : vector<16xf32> to vector<16xf32>
    %swap3A_289 = vector.shape_cast %parallel_loop3A_282#1 : vector<16xf32> to vector<16xf32>
    tpu.vector_store %arg6[%swap3A_286], %swap3A_289 {strides = array<i32>} : memref<128xf32, #tpu.memory_space<vmem>>, vector<16xf32>,
    %swap3A_290 = arith.constant 32 : index
    %swap3A_291 = tpu.vector_load %arg6[%swap3A_290] {strides = array<i32>} : memref<128xf32, #tpu.memory_space<vmem>>, vector<16xf32>,
    %swap3A_292 = vector.shape_cast %swap3A_291 : vector<16xf32> to vector<16xf32>
    %swap3A_293 = vector.shape_cast %parallel_loop3A_282#2 : vector<16xf32> to vector<16xf32>
    tpu.vector_store %arg6[%swap3A_290], %swap3A_293 {strides = array<i32>} : memref<128xf32, #tpu.memory_space<vmem>>, vector<16xf32>,
    %swap3A_294 = arith.constant 48 : index
    %swap3A_295 = tpu.vector_load %arg6[%swap3A_294] {strides = array<i32>} : memref<128xf32, #tpu.memory_space<vmem>>, vector<16xf32>,
    %swap3A_296 = vector.shape_cast %swap3A_295 : vector<16xf32> to vector<16xf32>
    %swap3A_297 = vector.shape_cast %parallel_loop3A_282#3 : vector<16xf32> to vector<16xf32>
    tpu.vector_store %arg6[%swap3A_294], %swap3A_297 {strides = array<i32>} : memref<128xf32, #tpu.memory_space<vmem>>, vector<16xf32>,
    %swap3A_298 = arith.constant 64 : index
    %swap3A_299 = tpu.vector_load %arg6[%swap3A_298] {strides = array<i32>} : memref<128xf32, #tpu.memory_space<vmem>>, vector<16xf32>,
    %swap3A_300 = vector.shape_cast %swap3A_299 : vector<16xf32> to vector<16xf32>
    %swap3A_301 = vector.shape_cast %parallel_loop3A_282#4 : vector<16xf32> to vector<16xf32>
    tpu.vector_store %arg6[%swap3A_298], %swap3A_301 {strides = array<i32>} : memref<128xf32, #tpu.memory_space<vmem>>, vector<16xf32>,
    %swap3A_302 = arith.constant 80 : index
    %swap3A_303 = tpu.vector_load %arg6[%swap3A_302] {strides = array<i32>} : memref<128xf32, #tpu.memory_space<vmem>>, vector<16xf32>,
    %swap3A_304 = vector.shape_cast %swap3A_303 : vector<16xf32> to vector<16xf32>
    %swap3A_305 = vector.shape_cast %parallel_loop3A_282#5 : vector<16xf32> to vector<16xf32>
    tpu.vector_store %arg6[%swap3A_302], %swap3A_305 {strides = array<i32>} : memref<128xf32, #tpu.memory_space<vmem>>, vector<16xf32>,
    %swap3A_306 = arith.constant 96 : index
    %swap3A_307 = tpu.vector_load %arg6[%swap3A_306] {strides = array<i32>} : memref<128xf32, #tpu.memory_space<vmem>>, vector<16xf32>,
    %swap3A_308 = vector.shape_cast %swap3A_307 : vector<16xf32> to vector<16xf32>
    %swap3A_309 = vector.shape_cast %parallel_loop3A_282#6 : vector<16xf32> to vector<16xf32>
    tpu.vector_store %arg6[%swap3A_306], %swap3A_309 {strides = array<i32>} : memref<128xf32, #tpu.memory_space<vmem>>, vector<16xf32>,
    %swap3A_310 = arith.constant 112 : index
    %swap3A_311 = tpu.vector_load %arg6[%swap3A_310] {strides = array<i32>} : memref<128xf32, #tpu.memory_space<vmem>>, vector<16xf32>,
    %swap3A_312 = vector.shape_cast %swap3A_311 : vector<16xf32> to vector<16xf32>
    %swap3A_313 = vector.shape_cast %parallel_loop3A_282#7 : vector<16xf32> to vector<16xf32>
    tpu.vector_store %arg6[%swap3A_310], %swap3A_313 {strides = array<i32>} : memref<128xf32, #tpu.memory_space<vmem>>, vector<16xf32>,
    "tpu.region"() ({
      %run_scoped3A = tpu.sem_alloc : memref<!tpu.dma_semaphore, #tpu.memory_space<semaphore_mem>>
      %dma_start3A_316 = arith.constant 0 : i32
      %dma_start3A_317 = tpu.memref_slice %arg7[%arg1, %dma_start3A_316] : memref<16x128xf32, #tpu.memory_space<vmem_shared>> -> memref<1x128xf32, #tpu.memory_space<vmem_shared>>
      %dma_start3A_318 = tpu.memref_squeeze %dma_start3A_317 : memref<1x128xf32, #tpu.memory_space<vmem_shared>> -> memref<128xf32, #tpu.memory_space<vmem_shared>>
      %dma_start3A_319 = arith.constant 0 : i32
      %dma_start3A_320 = tpu.memref_slice %arg7[%arg1, %dma_start3A_319] : memref<16x128xf32, #tpu.memory_space<vmem_shared>> -> memref<1x128xf32, #tpu.memory_space<vmem_shared>>
      %dma_start3A_321 = tpu.memref_squeeze %dma_start3A_320 : memref<1x128xf32, #tpu.memory_space<vmem_shared>> -> memref<128xf32, #tpu.memory_space<vmem_shared>>
      tpu.enqueue_dma source(%arg6 : memref<128xf32, #tpu.memory_space<vmem>>) target(%dma_start3A_321 : memref<128xf32, #tpu.memory_space<vmem_shared>>) target_semaphore(%run_scoped3A : memref<!tpu.dma_semaphore, #tpu.memory_space<semaphore_mem>>)
      %dma_wait3A_322 = arith.constant 0 : i32
      %dma_wait3A_323 = tpu.memref_slice %arg7[%arg1, %dma_wait3A_322] : memref<16x128xf32, #tpu.memory_space<vmem_shared>> -> memref<1x128xf32, #tpu.memory_space<vmem_shared>>
      %dma_wait3A_324 = tpu.memref_squeeze %dma_wait3A_323 : memref<1x128xf32, #tpu.memory_space<vmem_shared>> -> memref<128xf32, #tpu.memory_space<vmem_shared>>
      %dma_wait3A_325 = arith.constant 0 : i32
      %dma_wait3A_326 = tpu.memref_slice %arg7[%arg1, %dma_wait3A_325] : memref<16x128xf32, #tpu.memory_space<vmem_shared>> -> memref<1x128xf32, #tpu.memory_space<vmem_shared>>
      %dma_wait3A_327 = tpu.memref_squeeze %dma_wait3A_326 : memref<1x128xf32, #tpu.memory_space<vmem_shared>> -> memref<128xf32, #tpu.memory_space<vmem_shared>>
      tpu.wait_dma2 semaphore(%run_scoped3A : memref<!tpu.dma_semaphore, #tpu.memory_space<semaphore_mem>>) src(%arg6 : memref<128xf32, #tpu.memory_space<vmem>>) dst(%dma_wait3A_327 : memref<128xf32, #tpu.memory_space<vmem_shared>>)
      tpu.yield
    }) : () -> ()
    %barrier3A = arith.constant 0 : index
    tpu.barrier barrier_id(%barrier3A)
    %eq3A = arith.constant 0 : i32
    %eq3A_314 = arith.cmpi eq, %arg1, %eq3A : i32
    %convert_element_type3A = arith.extui %eq3A_314 : i1 to i32
    %cond3A = arith.constant 0 : i32
    %cond3A_315 = arith.cmpi ne, %convert_element_type3A, %cond3A : i32
    scf.if %cond3A_315 {
      "tpu.region"() ({
        %run_scoped3A = tpu.sem_alloc : memref<!tpu.dma_semaphore, #tpu.memory_space<semaphore_mem>>
        tpu.enqueue_dma source(%arg7 : memref<16x128xf32, #tpu.memory_space<vmem_shared>>) target(%arg5 : memref<16x128xf32, #tpu.memory_space<vmem>>) target_semaphore(%run_scoped3A : memref<!tpu.dma_semaphore, #tpu.memory_space<semaphore_mem>>)
        tpu.wait_dma2 semaphore(%run_scoped3A : memref<!tpu.dma_semaphore, #tpu.memory_space<semaphore_mem>>) src(%arg7 : memref<16x128xf32, #tpu.memory_space<vmem_shared>>) dst(%arg5 : memref<16x128xf32, #tpu.memory_space<vmem>>)
        tpu.yield
      }) : () -> ()
      %broadcast_in_dim3A_316 = arith.constant 0.000000e+00 : f32
      %broadcast_in_dim3A_317 = vector.broadcast %broadcast_in_dim3A_316 : f32 to vector<16xf32>
      %broadcast_in_dim3A_318 = arith.constant 0.000000e+00 : f32
      %broadcast_in_dim3A_319 = vector.broadcast %broadcast_in_dim3A_318 : f32 to vector<16xf32>
      %broadcast_in_dim3A_320 = arith.constant 0.000000e+00 : f32
      %broadcast_in_dim3A_321 = vector.broadcast %broadcast_in_dim3A_320 : f32 to vector<16xf32>
      %broadcast_in_dim3A_322 = arith.constant 0.000000e+00 : f32
      %broadcast_in_dim3A_323 = vector.broadcast %broadcast_in_dim3A_322 : f32 to vector<16xf32>
      %broadcast_in_dim3A_324 = arith.constant 0.000000e+00 : f32
      %broadcast_in_dim3A_325 = vector.broadcast %broadcast_in_dim3A_324 : f32 to vector<16xf32>
      %broadcast_in_dim3A_326 = arith.constant 0.000000e+00 : f32
      %broadcast_in_dim3A_327 = vector.broadcast %broadcast_in_dim3A_326 : f32 to vector<16xf32>
      %broadcast_in_dim3A_328 = arith.constant 0.000000e+00 : f32
      %broadcast_in_dim3A_329 = vector.broadcast %broadcast_in_dim3A_328 : f32 to vector<16xf32>
      %broadcast_in_dim3A_330 = arith.constant 0.000000e+00 : f32
      %broadcast_in_dim3A_331 = vector.broadcast %broadcast_in_dim3A_330 : f32 to vector<16xf32>
      %scan3A = arith.constant 0 : i32
      %scan3A_332 = arith.constant 16 : i32
      %scan3A_333 = arith.addi %scan3A, %scan3A_332 : i32
      %scan3A_334 = arith.constant 1 : i32
      %scan3A_335:8 = scf.for %scan3A_369 = %scan3A to %scan3A_333 step %scan3A_334 iter_args(%scan3A_370 = %broadcast_in_dim3A_317, %scan3A_371 = %broadcast_in_dim3A_319, %scan3A_372 = %broadcast_in_dim3A_321, %scan3A_373 = %broadcast_in_dim3A_323, %scan3A_374 = %broadcast_in_dim3A_325, %scan3A_375 = %broadcast_in_dim3A_327, %scan3A_376 = %broadcast_in_dim3A_329, %scan3A_377 = %broadcast_in_dim3A_331) -> (vector<16xf32>, vector<16xf32>, vector<16xf32>, vector<16xf32>, vector<16xf32>, vector<16xf32>, vector<16xf32>, vector<16xf32>)  : i32 {
        %get3A = arith.index_cast %scan3A_369 : i32 to index
        %get3A_378 = arith.constant 0 : index
        %get3A_379 = tpu.vector_load %arg5[%get3A, %get3A_378] {strides = array<i32>} : memref<16x128xf32, #tpu.memory_space<vmem>>, vector<1x16xf32>,
        %get3A_380 = vector.shape_cast %get3A_379 : vector<1x16xf32> to vector<16xf32>
        %add3A_381 = arith.addf %scan3A_370, %get3A_380 : vector<16xf32>
        %get3A_382 = arith.index_cast %scan3A_369 : i32 to index
        %get3A_383 = arith.constant 16 : index
        %get3A_384 = tpu.vector_load %arg5[%get3A_382, %get3A_383] {strides = array<i32>} : memref<16x128xf32, #tpu.memory_space<vmem>>, vector<1x16xf32>,
        %get3A_385 = vector.shape_cast %get3A_384 : vector<1x16xf32> to vector<16xf32>
        %add3A_386 = arith.addf %scan3A_371, %get3A_385 : vector<16xf32>
        %get3A_387 = arith.index_cast %scan3A_369 : i32 to index
        %get3A_388 = arith.constant 32 : index
        %get3A_389 = tpu.vector_load %arg5[%get3A_387, %get3A_388] {strides = array<i32>} : memref<16x128xf32, #tpu.memory_space<vmem>>, vector<1x16xf32>,
        %get3A_390 = vector.shape_cast %get3A_389 : vector<1x16xf32> to vector<16xf32>
        %add3A_391 = arith.addf %scan3A_372, %get3A_390 : vector<16xf32>
        %get3A_392 = arith.index_cast %scan3A_369 : i32 to index
        %get3A_393 = arith.constant 48 : index
        %get3A_394 = tpu.vector_load %arg5[%get3A_392, %get3A_393] {strides = array<i32>} : memref<16x128xf32, #tpu.memory_space<vmem>>, vector<1x16xf32>,
        %get3A_395 = vector.shape_cast %get3A_394 : vector<1x16xf32> to vector<16xf32>
        %add3A_396 = arith.addf %scan3A_373, %get3A_395 : vector<16xf32>
        %get3A_397 = arith.index_cast %scan3A_369 : i32 to index
        %get3A_398 = arith.constant 64 : index
        %get3A_399 = tpu.vector_load %arg5[%get3A_397, %get3A_398] {strides = array<i32>} : memref<16x128xf32, #tpu.memory_space<vmem>>, vector<1x16xf32>,
        %get3A_400 = vector.shape_cast %get3A_399 : vector<1x16xf32> to vector<16xf32>
        %add3A_401 = arith.addf %scan3A_374, %get3A_400 : vector<16xf32>
        %get3A_402 = arith.index_cast %scan3A_369 : i32 to index
        %get3A_403 = arith.constant 80 : index
        %get3A_404 = tpu.vector_load %arg5[%get3A_402, %get3A_403] {strides = array<i32>} : memref<16x128xf32, #tpu.memory_space<vmem>>, vector<1x16xf32>,
        %get3A_405 = vector.shape_cast %get3A_404 : vector<1x16xf32> to vector<16xf32>
        %add3A_406 = arith.addf %scan3A_375, %get3A_405 : vector<16xf32>
        %get3A_407 = arith.index_cast %scan3A_369 : i32 to index
        %get3A_408 = arith.constant 96 : index
        %get3A_409 = tpu.vector_load %arg5[%get3A_407, %get3A_408] {strides = array<i32>} : memref<16x128xf32, #tpu.memory_space<vmem>>, vector<1x16xf32>,
        %get3A_410 = vector.shape_cast %get3A_409 : vector<1x16xf32> to vector<16xf32>
        %add3A_411 = arith.addf %scan3A_376, %get3A_410 : vector<16xf32>
        %get3A_412 = arith.index_cast %scan3A_369 : i32 to index
        %get3A_413 = arith.constant 112 : index
        %get3A_414 = tpu.vector_load %arg5[%get3A_412, %get3A_413] {strides = array<i32>} : memref<16x128xf32, #tpu.memory_space<vmem>>, vector<1x16xf32>,
        %get3A_415 = vector.shape_cast %get3A_414 : vector<1x16xf32> to vector<16xf32>
        %add3A_416 = arith.addf %scan3A_377, %get3A_415 : vector<16xf32>
        scf.yield %add3A_381, %add3A_386, %add3A_391, %add3A_396, %add3A_401, %add3A_406, %add3A_411, %add3A_416 : vector<16xf32>, vector<16xf32>, vector<16xf32>, vector<16xf32>, vector<16xf32>, vector<16xf32>, vector<16xf32>, vector<16xf32>
      }
      %scan3A_336 = arith.constant 16 : i32
      %swap3A_337 = arith.constant 0 : index
      %swap3A_338 = tpu.vector_load %arg6[%swap3A_337] {strides = array<i32>} : memref<128xf32, #tpu.memory_space<vmem>>, vector<16xf32>,
      %swap3A_339 = vector.shape_cast %swap3A_338 : vector<16xf32> to vector<16xf32>
      %swap3A_340 = vector.shape_cast %scan3A_335#0 : vector<16xf32> to vector<16xf32>
      tpu.vector_store %arg6[%swap3A_337], %swap3A_340 {strides = array<i32>} : memref<128xf32, #tpu.memory_space<vmem>>, vector<16xf32>,
      %swap3A_341 = arith.constant 16 : index
      %swap3A_342 = tpu.vector_load %arg6[%swap3A_341] {strides = array<i32>} : memref<128xf32, #tpu.memory_space<vmem>>, vector<16xf32>,
      %swap3A_343 = vector.shape_cast %swap3A_342 : vector<16xf32> to vector<16xf32>
      %swap3A_344 = vector.shape_cast %scan3A_335#1 : vector<16xf32> to vector<16xf32>
      tpu.vector_store %arg6[%swap3A_341], %swap3A_344 {strides = array<i32>} : memref<128xf32, #tpu.memory_space<vmem>>, vector<16xf32>,
      %swap3A_345 = arith.constant 32 : index
      %swap3A_346 = tpu.vector_load %arg6[%swap3A_345] {strides = array<i32>} : memref<128xf32, #tpu.memory_space<vmem>>, vector<16xf32>,
      %swap3A_347 = vector.shape_cast %swap3A_346 : vector<16xf32> to vector<16xf32>
      %swap3A_348 = vector.shape_cast %scan3A_335#2 : vector<16xf32> to vector<16xf32>
      tpu.vector_store %arg6[%swap3A_345], %swap3A_348 {strides = array<i32>} : memref<128xf32, #tpu.memory_space<vmem>>, vector<16xf32>,
      %swap3A_349 = arith.constant 48 : index
      %swap3A_350 = tpu.vector_load %arg6[%swap3A_349] {strides = array<i32>} : memref<128xf32, #tpu.memory_space<vmem>>, vector<16xf32>,
      %swap3A_351 = vector.shape_cast %swap3A_350 : vector<16xf32> to vector<16xf32>
      %swap3A_352 = vector.shape_cast %scan3A_335#3 : vector<16xf32> to vector<16xf32>
      tpu.vector_store %arg6[%swap3A_349], %swap3A_352 {strides = array<i32>} : memref<128xf32, #tpu.memory_space<vmem>>, vector<16xf32>,
      %swap3A_353 = arith.constant 64 : index
      %swap3A_354 = tpu.vector_load %arg6[%swap3A_353] {strides = array<i32>} : memref<128xf32, #tpu.memory_space<vmem>>, vector<16xf32>,
      %swap3A_355 = vector.shape_cast %swap3A_354 : vector<16xf32> to vector<16xf32>
      %swap3A_356 = vector.shape_cast %scan3A_335#4 : vector<16xf32> to vector<16xf32>
      tpu.vector_store %arg6[%swap3A_353], %swap3A_356 {strides = array<i32>} : memref<128xf32, #tpu.memory_space<vmem>>, vector<16xf32>,
      %swap3A_357 = arith.constant 80 : index
      %swap3A_358 = tpu.vector_load %arg6[%swap3A_357] {strides = array<i32>} : memref<128xf32, #tpu.memory_space<vmem>>, vector<16xf32>,
      %swap3A_359 = vector.shape_cast %swap3A_358 : vector<16xf32> to vector<16xf32>
      %swap3A_360 = vector.shape_cast %scan3A_335#5 : vector<16xf32> to vector<16xf32>
      tpu.vector_store %arg6[%swap3A_357], %swap3A_360 {strides = array<i32>} : memref<128xf32, #tpu.memory_space<vmem>>, vector<16xf32>,
      %swap3A_361 = arith.constant 96 : index
      %swap3A_362 = tpu.vector_load %arg6[%swap3A_361] {strides = array<i32>} : memref<128xf32, #tpu.memory_space<vmem>>, vector<16xf32>,
      %swap3A_363 = vector.shape_cast %swap3A_362 : vector<16xf32> to vector<16xf32>
      %swap3A_364 = vector.shape_cast %scan3A_335#6 : vector<16xf32> to vector<16xf32>
      tpu.vector_store %arg6[%swap3A_361], %swap3A_364 {strides = array<i32>} : memref<128xf32, #tpu.memory_space<vmem>>, vector<16xf32>,
      %swap3A_365 = arith.constant 112 : index
      %swap3A_366 = tpu.vector_load %arg6[%swap3A_365] {strides = array<i32>} : memref<128xf32, #tpu.memory_space<vmem>>, vector<16xf32>,
      %swap3A_367 = vector.shape_cast %swap3A_366 : vector<16xf32> to vector<16xf32>
      %swap3A_368 = vector.shape_cast %scan3A_335#7 : vector<16xf32> to vector<16xf32>
      tpu.vector_store %arg6[%swap3A_365], %swap3A_368 {strides = array<i32>} : memref<128xf32, #tpu.memory_space<vmem>>, vector<16xf32>,
      "tpu.region"() ({
        %run_scoped3A = tpu.sem_alloc : memref<!tpu.dma_semaphore, #tpu.memory_space<semaphore_mem>>
        %dma_start3A_369 = arith.constant 0 : i32
        %dma_start3A_370 = tpu.memref_slice %arg3[%arg0, %dma_start3A_369] : memref<2x128xf32, #tpu.memory_space<hbm>> -> memref<1x128xf32, #tpu.memory_space<hbm>>
        %dma_start3A_371 = tpu.memref_squeeze %dma_start3A_370 : memref<1x128xf32, #tpu.memory_space<hbm>> -> memref<128xf32, #tpu.memory_space<hbm>>
        %dma_start3A_372 = arith.constant 0 : i32
        %dma_start3A_373 = tpu.memref_slice %arg3[%arg0, %dma_start3A_372] : memref<2x128xf32, #tpu.memory_space<hbm>> -> memref<1x128xf32, #tpu.memory_space<hbm>>
        %dma_start3A_374 = tpu.memref_squeeze %dma_start3A_373 : memref<1x128xf32, #tpu.memory_space<hbm>> -> memref<128xf32, #tpu.memory_space<hbm>>
        tpu.enqueue_dma source(%arg6 : memref<128xf32, #tpu.memory_space<vmem>>) target(%dma_start3A_374 : memref<128xf32, #tpu.memory_space<hbm>>) target_semaphore(%run_scoped3A : memref<!tpu.dma_semaphore, #tpu.memory_space<semaphore_mem>>)
        %dma_wait3A_375 = arith.constant 0 : i32
        %dma_wait3A_376 = tpu.memref_slice %arg3[%arg0, %dma_wait3A_375] : memref<2x128xf32, #tpu.memory_space<hbm>> -> memref<1x128xf32, #tpu.memory_space<hbm>>
        %dma_wait3A_377 = tpu.memref_squeeze %dma_wait3A_376 : memref<1x128xf32, #tpu.memory_space<hbm>> -> memref<128xf32, #tpu.memory_space<hbm>>
        %dma_wait3A_378 = arith.constant 0 : i32
        %dma_wait3A_379 = tpu.memref_slice %arg3[%arg0, %dma_wait3A_378] : memref<2x128xf32, #tpu.memory_space<hbm>> -> memref<1x128xf32, #tpu.memory_space<hbm>>
        %dma_wait3A_380 = tpu.memref_squeeze %dma_wait3A_379 : memref<1x128xf32, #tpu.memory_space<hbm>> -> memref<128xf32, #tpu.memory_space<hbm>>
        tpu.wait_dma2 semaphore(%run_scoped3A : memref<!tpu.dma_semaphore, #tpu.memory_space<semaphore_mem>>) src(%arg6 : memref<128xf32, #tpu.memory_space<vmem>>) dst(%dma_wait3A_380 : memref<128xf32, #tpu.memory_space<hbm>>)
        tpu.yield
      }) : () -> ()
    } else {
    }
    return
  }
}

module attributes {stable_mosaic.version = 14 : i64} {
  func.func @_tc_body(%arg0: memref<100000x128xf32, #tpu.memory_space<any>>, %arg1: memref<1x128xf32, #tpu.memory_space<vmem>>, %arg2: memref<16x256x128xf32, #tpu.memory_space<vmem>>, %arg3: memref<8x128xf32, #tpu.memory_space<vmem>>, %arg4: memref<16x!tpu.dma_semaphore, #tpu.memory_space<semaphore_mem>>) attributes {dimension_semantics = [], scalar_prefetch = 0 : i64, scratch_operands = 3 : i64, tpu.core_type = #tpu.core_type<tc>} {
    %broadcast_in_dim3A = arith.constant 0.000000e+00 : f32
    %broadcast_in_dim3A_0 = vector.broadcast %broadcast_in_dim3A : f32 to vector<8x128xf32>
    %swap3A = arith.constant 0 : index
    %swap3A_1 = arith.constant 0 : index
    %swap3A_2 = vector.load %arg3[%swap3A, %swap3A_1] : memref<8x128xf32, #tpu.memory_space<vmem>>, vector<8x128xf32>
    tpu.vector_store %arg3[%swap3A, %swap3A_1], %broadcast_in_dim3A_0 {strides = array<i32>} : memref<8x128xf32, #tpu.memory_space<vmem>>, vector<8x128xf32>,
    %dma_start3A = arith.constant 0 : i32
    %dma_start3A_3 = arith.constant 0 : i32
    %dma_start3A_4 = tpu.memref_slice %arg4[%dma_start3A_3] : memref<16x!tpu.dma_semaphore, #tpu.memory_space<semaphore_mem>> -> memref<1x!tpu.dma_semaphore, #tpu.memory_space<semaphore_mem>>
    %dma_start3A_5 = tpu.memref_squeeze %dma_start3A_4 : memref<1x!tpu.dma_semaphore, #tpu.memory_space<semaphore_mem>> -> memref<!tpu.dma_semaphore, #tpu.memory_space<semaphore_mem>>
    %dma_start3A_6 = arith.constant 0 : i32
    %dma_start3A_7 = arith.constant 0 : i32
    %dma_start3A_8 = tpu.memref_slice %arg2[%dma_start3A, %dma_start3A_6, %dma_start3A_7] : memref<16x256x128xf32, #tpu.memory_space<vmem>> -> memref<1x256x128xf32, #tpu.memory_space<vmem>>
    %dma_start3A_9 = tpu.memref_squeeze %dma_start3A_8 : memref<1x256x128xf32, #tpu.memory_space<vmem>> -> memref<256x128xf32, #tpu.memory_space<vmem>>
    %dma_start3A_10 = arith.constant 0 : i32
    %dma_start3A_11 = arith.constant 0 : i32
    %dma_start3A_12 = tpu.memref_slice %arg0[%dma_start3A_10, %dma_start3A_11] : memref<100000x128xf32, #tpu.memory_space<any>> -> memref<256x128xf32, #tpu.memory_space<any>>
    tpu.enqueue_dma source(%dma_start3A_12 : memref<256x128xf32, #tpu.memory_space<any>>) target(%dma_start3A_9 : memref<256x128xf32, #tpu.memory_space<vmem>>) target_semaphore(%dma_start3A_5 : memref<!tpu.dma_semaphore, #tpu.memory_space<semaphore_mem>>)
    %dma_start3A_13 = arith.constant 1 : i32
    %dma_start3A_14 = arith.constant 1 : i32
    %dma_start3A_15 = tpu.memref_slice %arg4[%dma_start3A_14] : memref<16x!tpu.dma_semaphore, #tpu.memory_space<semaphore_mem>> -> memref<1x!tpu.dma_semaphore, #tpu.memory_space<semaphore_mem>>
    %dma_start3A_16 = tpu.memref_squeeze %dma_start3A_15 : memref<1x!tpu.dma_semaphore, #tpu.memory_space<semaphore_mem>> -> memref<!tpu.dma_semaphore, #tpu.memory_space<semaphore_mem>>
    %dma_start3A_17 = arith.constant 0 : i32
    %dma_start3A_18 = arith.constant 0 : i32
    %dma_start3A_19 = tpu.memref_slice %arg2[%dma_start3A_13, %dma_start3A_17, %dma_start3A_18] : memref<16x256x128xf32, #tpu.memory_space<vmem>> -> memref<1x256x128xf32, #tpu.memory_space<vmem>>
    %dma_start3A_20 = tpu.memref_squeeze %dma_start3A_19 : memref<1x256x128xf32, #tpu.memory_space<vmem>> -> memref<256x128xf32, #tpu.memory_space<vmem>>
    %dma_start3A_21 = arith.constant 256 : i32
    %dma_start3A_22 = arith.constant 0 : i32
    %dma_start3A_23 = tpu.memref_slice %arg0[%dma_start3A_21, %dma_start3A_22] : memref<100000x128xf32, #tpu.memory_space<any>> -> memref<256x128xf32, #tpu.memory_space<any>>
    tpu.enqueue_dma source(%dma_start3A_23 : memref<256x128xf32, #tpu.memory_space<any>>) target(%dma_start3A_20 : memref<256x128xf32, #tpu.memory_space<vmem>>) target_semaphore(%dma_start3A_16 : memref<!tpu.dma_semaphore, #tpu.memory_space<semaphore_mem>>)
    %dma_start3A_24 = arith.constant 2 : i32
    %dma_start3A_25 = arith.constant 2 : i32
    %dma_start3A_26 = tpu.memref_slice %arg4[%dma_start3A_25] : memref<16x!tpu.dma_semaphore, #tpu.memory_space<semaphore_mem>> -> memref<1x!tpu.dma_semaphore, #tpu.memory_space<semaphore_mem>>
    %dma_start3A_27 = tpu.memref_squeeze %dma_start3A_26 : memref<1x!tpu.dma_semaphore, #tpu.memory_space<semaphore_mem>> -> memref<!tpu.dma_semaphore, #tpu.memory_space<semaphore_mem>>
    %dma_start3A_28 = arith.constant 0 : i32
    %dma_start3A_29 = arith.constant 0 : i32
    %dma_start3A_30 = tpu.memref_slice %arg2[%dma_start3A_24, %dma_start3A_28, %dma_start3A_29] : memref<16x256x128xf32, #tpu.memory_space<vmem>> -> memref<1x256x128xf32, #tpu.memory_space<vmem>>
    %dma_start3A_31 = tpu.memref_squeeze %dma_start3A_30 : memref<1x256x128xf32, #tpu.memory_space<vmem>> -> memref<256x128xf32, #tpu.memory_space<vmem>>
    %dma_start3A_32 = arith.constant 512 : i32
    %dma_start3A_33 = arith.constant 0 : i32
    %dma_start3A_34 = tpu.memref_slice %arg0[%dma_start3A_32, %dma_start3A_33] : memref<100000x128xf32, #tpu.memory_space<any>> -> memref<256x128xf32, #tpu.memory_space<any>>
    tpu.enqueue_dma source(%dma_start3A_34 : memref<256x128xf32, #tpu.memory_space<any>>) target(%dma_start3A_31 : memref<256x128xf32, #tpu.memory_space<vmem>>) target_semaphore(%dma_start3A_27 : memref<!tpu.dma_semaphore, #tpu.memory_space<semaphore_mem>>)
    %dma_start3A_35 = arith.constant 3 : i32
    %dma_start3A_36 = arith.constant 3 : i32
    %dma_start3A_37 = tpu.memref_slice %arg4[%dma_start3A_36] : memref<16x!tpu.dma_semaphore, #tpu.memory_space<semaphore_mem>> -> memref<1x!tpu.dma_semaphore, #tpu.memory_space<semaphore_mem>>
    %dma_start3A_38 = tpu.memref_squeeze %dma_start3A_37 : memref<1x!tpu.dma_semaphore, #tpu.memory_space<semaphore_mem>> -> memref<!tpu.dma_semaphore, #tpu.memory_space<semaphore_mem>>
    %dma_start3A_39 = arith.constant 0 : i32
    %dma_start3A_40 = arith.constant 0 : i32
    %dma_start3A_41 = tpu.memref_slice %arg2[%dma_start3A_35, %dma_start3A_39, %dma_start3A_40] : memref<16x256x128xf32, #tpu.memory_space<vmem>> -> memref<1x256x128xf32, #tpu.memory_space<vmem>>
    %dma_start3A_42 = tpu.memref_squeeze %dma_start3A_41 : memref<1x256x128xf32, #tpu.memory_space<vmem>> -> memref<256x128xf32, #tpu.memory_space<vmem>>
    %dma_start3A_43 = arith.constant 768 : i32
    %dma_start3A_44 = arith.constant 0 : i32
    %dma_start3A_45 = tpu.memref_slice %arg0[%dma_start3A_43, %dma_start3A_44] : memref<100000x128xf32, #tpu.memory_space<any>> -> memref<256x128xf32, #tpu.memory_space<any>>
    tpu.enqueue_dma source(%dma_start3A_45 : memref<256x128xf32, #tpu.memory_space<any>>) target(%dma_start3A_42 : memref<256x128xf32, #tpu.memory_space<vmem>>) target_semaphore(%dma_start3A_38 : memref<!tpu.dma_semaphore, #tpu.memory_space<semaphore_mem>>)
    %dma_start3A_46 = arith.constant 4 : i32
    %dma_start3A_47 = arith.constant 4 : i32
    %dma_start3A_48 = tpu.memref_slice %arg4[%dma_start3A_47] : memref<16x!tpu.dma_semaphore, #tpu.memory_space<semaphore_mem>> -> memref<1x!tpu.dma_semaphore, #tpu.memory_space<semaphore_mem>>
    %dma_start3A_49 = tpu.memref_squeeze %dma_start3A_48 : memref<1x!tpu.dma_semaphore, #tpu.memory_space<semaphore_mem>> -> memref<!tpu.dma_semaphore, #tpu.memory_space<semaphore_mem>>
    %dma_start3A_50 = arith.constant 0 : i32
    %dma_start3A_51 = arith.constant 0 : i32
    %dma_start3A_52 = tpu.memref_slice %arg2[%dma_start3A_46, %dma_start3A_50, %dma_start3A_51] : memref<16x256x128xf32, #tpu.memory_space<vmem>> -> memref<1x256x128xf32, #tpu.memory_space<vmem>>
    %dma_start3A_53 = tpu.memref_squeeze %dma_start3A_52 : memref<1x256x128xf32, #tpu.memory_space<vmem>> -> memref<256x128xf32, #tpu.memory_space<vmem>>
    %dma_start3A_54 = arith.constant 1024 : i32
    %dma_start3A_55 = arith.constant 0 : i32
    %dma_start3A_56 = tpu.memref_slice %arg0[%dma_start3A_54, %dma_start3A_55] : memref<100000x128xf32, #tpu.memory_space<any>> -> memref<256x128xf32, #tpu.memory_space<any>>
    tpu.enqueue_dma source(%dma_start3A_56 : memref<256x128xf32, #tpu.memory_space<any>>) target(%dma_start3A_53 : memref<256x128xf32, #tpu.memory_space<vmem>>) target_semaphore(%dma_start3A_49 : memref<!tpu.dma_semaphore, #tpu.memory_space<semaphore_mem>>)
    %dma_start3A_57 = arith.constant 5 : i32
    %dma_start3A_58 = arith.constant 5 : i32
    %dma_start3A_59 = tpu.memref_slice %arg4[%dma_start3A_58] : memref<16x!tpu.dma_semaphore, #tpu.memory_space<semaphore_mem>> -> memref<1x!tpu.dma_semaphore, #tpu.memory_space<semaphore_mem>>
    %dma_start3A_60 = tpu.memref_squeeze %dma_start3A_59 : memref<1x!tpu.dma_semaphore, #tpu.memory_space<semaphore_mem>> -> memref<!tpu.dma_semaphore, #tpu.memory_space<semaphore_mem>>
    %dma_start3A_61 = arith.constant 0 : i32
    %dma_start3A_62 = arith.constant 0 : i32
    %dma_start3A_63 = tpu.memref_slice %arg2[%dma_start3A_57, %dma_start3A_61, %dma_start3A_62] : memref<16x256x128xf32, #tpu.memory_space<vmem>> -> memref<1x256x128xf32, #tpu.memory_space<vmem>>
    %dma_start3A_64 = tpu.memref_squeeze %dma_start3A_63 : memref<1x256x128xf32, #tpu.memory_space<vmem>> -> memref<256x128xf32, #tpu.memory_space<vmem>>
    %dma_start3A_65 = arith.constant 1280 : i32
    %dma_start3A_66 = arith.constant 0 : i32
    %dma_start3A_67 = tpu.memref_slice %arg0[%dma_start3A_65, %dma_start3A_66] : memref<100000x128xf32, #tpu.memory_space<any>> -> memref<256x128xf32, #tpu.memory_space<any>>
    tpu.enqueue_dma source(%dma_start3A_67 : memref<256x128xf32, #tpu.memory_space<any>>) target(%dma_start3A_64 : memref<256x128xf32, #tpu.memory_space<vmem>>) target_semaphore(%dma_start3A_60 : memref<!tpu.dma_semaphore, #tpu.memory_space<semaphore_mem>>)
    %dma_start3A_68 = arith.constant 6 : i32
    %dma_start3A_69 = arith.constant 6 : i32
    %dma_start3A_70 = tpu.memref_slice %arg4[%dma_start3A_69] : memref<16x!tpu.dma_semaphore, #tpu.memory_space<semaphore_mem>> -> memref<1x!tpu.dma_semaphore, #tpu.memory_space<semaphore_mem>>
    %dma_start3A_71 = tpu.memref_squeeze %dma_start3A_70 : memref<1x!tpu.dma_semaphore, #tpu.memory_space<semaphore_mem>> -> memref<!tpu.dma_semaphore, #tpu.memory_space<semaphore_mem>>
    %dma_start3A_72 = arith.constant 0 : i32
    %dma_start3A_73 = arith.constant 0 : i32
    %dma_start3A_74 = tpu.memref_slice %arg2[%dma_start3A_68, %dma_start3A_72, %dma_start3A_73] : memref<16x256x128xf32, #tpu.memory_space<vmem>> -> memref<1x256x128xf32, #tpu.memory_space<vmem>>
    %dma_start3A_75 = tpu.memref_squeeze %dma_start3A_74 : memref<1x256x128xf32, #tpu.memory_space<vmem>> -> memref<256x128xf32, #tpu.memory_space<vmem>>
    %dma_start3A_76 = arith.constant 1536 : i32
    %dma_start3A_77 = arith.constant 0 : i32
    %dma_start3A_78 = tpu.memref_slice %arg0[%dma_start3A_76, %dma_start3A_77] : memref<100000x128xf32, #tpu.memory_space<any>> -> memref<256x128xf32, #tpu.memory_space<any>>
    tpu.enqueue_dma source(%dma_start3A_78 : memref<256x128xf32, #tpu.memory_space<any>>) target(%dma_start3A_75 : memref<256x128xf32, #tpu.memory_space<vmem>>) target_semaphore(%dma_start3A_71 : memref<!tpu.dma_semaphore, #tpu.memory_space<semaphore_mem>>)
    %dma_start3A_79 = arith.constant 7 : i32
    %dma_start3A_80 = arith.constant 7 : i32
    %dma_start3A_81 = tpu.memref_slice %arg4[%dma_start3A_80] : memref<16x!tpu.dma_semaphore, #tpu.memory_space<semaphore_mem>> -> memref<1x!tpu.dma_semaphore, #tpu.memory_space<semaphore_mem>>
    %dma_start3A_82 = tpu.memref_squeeze %dma_start3A_81 : memref<1x!tpu.dma_semaphore, #tpu.memory_space<semaphore_mem>> -> memref<!tpu.dma_semaphore, #tpu.memory_space<semaphore_mem>>
    %dma_start3A_83 = arith.constant 0 : i32
    %dma_start3A_84 = arith.constant 0 : i32
    %dma_start3A_85 = tpu.memref_slice %arg2[%dma_start3A_79, %dma_start3A_83, %dma_start3A_84] : memref<16x256x128xf32, #tpu.memory_space<vmem>> -> memref<1x256x128xf32, #tpu.memory_space<vmem>>
    %dma_start3A_86 = tpu.memref_squeeze %dma_start3A_85 : memref<1x256x128xf32, #tpu.memory_space<vmem>> -> memref<256x128xf32, #tpu.memory_space<vmem>>
    %dma_start3A_87 = arith.constant 1792 : i32
    %dma_start3A_88 = arith.constant 0 : i32
    %dma_start3A_89 = tpu.memref_slice %arg0[%dma_start3A_87, %dma_start3A_88] : memref<100000x128xf32, #tpu.memory_space<any>> -> memref<256x128xf32, #tpu.memory_space<any>>
    tpu.enqueue_dma source(%dma_start3A_89 : memref<256x128xf32, #tpu.memory_space<any>>) target(%dma_start3A_86 : memref<256x128xf32, #tpu.memory_space<vmem>>) target_semaphore(%dma_start3A_82 : memref<!tpu.dma_semaphore, #tpu.memory_space<semaphore_mem>>)
    %dma_start3A_90 = arith.constant 8 : i32
    %dma_start3A_91 = arith.constant 8 : i32
    %dma_start3A_92 = tpu.memref_slice %arg4[%dma_start3A_91] : memref<16x!tpu.dma_semaphore, #tpu.memory_space<semaphore_mem>> -> memref<1x!tpu.dma_semaphore, #tpu.memory_space<semaphore_mem>>
    %dma_start3A_93 = tpu.memref_squeeze %dma_start3A_92 : memref<1x!tpu.dma_semaphore, #tpu.memory_space<semaphore_mem>> -> memref<!tpu.dma_semaphore, #tpu.memory_space<semaphore_mem>>
    %dma_start3A_94 = arith.constant 0 : i32
    %dma_start3A_95 = arith.constant 0 : i32
    %dma_start3A_96 = tpu.memref_slice %arg2[%dma_start3A_90, %dma_start3A_94, %dma_start3A_95] : memref<16x256x128xf32, #tpu.memory_space<vmem>> -> memref<1x256x128xf32, #tpu.memory_space<vmem>>
    %dma_start3A_97 = tpu.memref_squeeze %dma_start3A_96 : memref<1x256x128xf32, #tpu.memory_space<vmem>> -> memref<256x128xf32, #tpu.memory_space<vmem>>
    %dma_start3A_98 = arith.constant 2048 : i32
    %dma_start3A_99 = arith.constant 0 : i32
    %dma_start3A_100 = tpu.memref_slice %arg0[%dma_start3A_98, %dma_start3A_99] : memref<100000x128xf32, #tpu.memory_space<any>> -> memref<256x128xf32, #tpu.memory_space<any>>
    tpu.enqueue_dma source(%dma_start3A_100 : memref<256x128xf32, #tpu.memory_space<any>>) target(%dma_start3A_97 : memref<256x128xf32, #tpu.memory_space<vmem>>) target_semaphore(%dma_start3A_93 : memref<!tpu.dma_semaphore, #tpu.memory_space<semaphore_mem>>)
    %dma_start3A_101 = arith.constant 9 : i32
    %dma_start3A_102 = arith.constant 9 : i32
    %dma_start3A_103 = tpu.memref_slice %arg4[%dma_start3A_102] : memref<16x!tpu.dma_semaphore, #tpu.memory_space<semaphore_mem>> -> memref<1x!tpu.dma_semaphore, #tpu.memory_space<semaphore_mem>>
    %dma_start3A_104 = tpu.memref_squeeze %dma_start3A_103 : memref<1x!tpu.dma_semaphore, #tpu.memory_space<semaphore_mem>> -> memref<!tpu.dma_semaphore, #tpu.memory_space<semaphore_mem>>
    %dma_start3A_105 = arith.constant 0 : i32
    %dma_start3A_106 = arith.constant 0 : i32
    %dma_start3A_107 = tpu.memref_slice %arg2[%dma_start3A_101, %dma_start3A_105, %dma_start3A_106] : memref<16x256x128xf32, #tpu.memory_space<vmem>> -> memref<1x256x128xf32, #tpu.memory_space<vmem>>
    %dma_start3A_108 = tpu.memref_squeeze %dma_start3A_107 : memref<1x256x128xf32, #tpu.memory_space<vmem>> -> memref<256x128xf32, #tpu.memory_space<vmem>>
    %dma_start3A_109 = arith.constant 2304 : i32
    %dma_start3A_110 = arith.constant 0 : i32
    %dma_start3A_111 = tpu.memref_slice %arg0[%dma_start3A_109, %dma_start3A_110] : memref<100000x128xf32, #tpu.memory_space<any>> -> memref<256x128xf32, #tpu.memory_space<any>>
    tpu.enqueue_dma source(%dma_start3A_111 : memref<256x128xf32, #tpu.memory_space<any>>) target(%dma_start3A_108 : memref<256x128xf32, #tpu.memory_space<vmem>>) target_semaphore(%dma_start3A_104 : memref<!tpu.dma_semaphore, #tpu.memory_space<semaphore_mem>>)
    %dma_start3A_112 = arith.constant 10 : i32
    %dma_start3A_113 = arith.constant 10 : i32
    %dma_start3A_114 = tpu.memref_slice %arg4[%dma_start3A_113] : memref<16x!tpu.dma_semaphore, #tpu.memory_space<semaphore_mem>> -> memref<1x!tpu.dma_semaphore, #tpu.memory_space<semaphore_mem>>
    %dma_start3A_115 = tpu.memref_squeeze %dma_start3A_114 : memref<1x!tpu.dma_semaphore, #tpu.memory_space<semaphore_mem>> -> memref<!tpu.dma_semaphore, #tpu.memory_space<semaphore_mem>>
    %dma_start3A_116 = arith.constant 0 : i32
    %dma_start3A_117 = arith.constant 0 : i32
    %dma_start3A_118 = tpu.memref_slice %arg2[%dma_start3A_112, %dma_start3A_116, %dma_start3A_117] : memref<16x256x128xf32, #tpu.memory_space<vmem>> -> memref<1x256x128xf32, #tpu.memory_space<vmem>>
    %dma_start3A_119 = tpu.memref_squeeze %dma_start3A_118 : memref<1x256x128xf32, #tpu.memory_space<vmem>> -> memref<256x128xf32, #tpu.memory_space<vmem>>
    %dma_start3A_120 = arith.constant 2560 : i32
    %dma_start3A_121 = arith.constant 0 : i32
    %dma_start3A_122 = tpu.memref_slice %arg0[%dma_start3A_120, %dma_start3A_121] : memref<100000x128xf32, #tpu.memory_space<any>> -> memref<256x128xf32, #tpu.memory_space<any>>
    tpu.enqueue_dma source(%dma_start3A_122 : memref<256x128xf32, #tpu.memory_space<any>>) target(%dma_start3A_119 : memref<256x128xf32, #tpu.memory_space<vmem>>) target_semaphore(%dma_start3A_115 : memref<!tpu.dma_semaphore, #tpu.memory_space<semaphore_mem>>)
    %dma_start3A_123 = arith.constant 11 : i32
    %dma_start3A_124 = arith.constant 11 : i32
    %dma_start3A_125 = tpu.memref_slice %arg4[%dma_start3A_124] : memref<16x!tpu.dma_semaphore, #tpu.memory_space<semaphore_mem>> -> memref<1x!tpu.dma_semaphore, #tpu.memory_space<semaphore_mem>>
    %dma_start3A_126 = tpu.memref_squeeze %dma_start3A_125 : memref<1x!tpu.dma_semaphore, #tpu.memory_space<semaphore_mem>> -> memref<!tpu.dma_semaphore, #tpu.memory_space<semaphore_mem>>
    %dma_start3A_127 = arith.constant 0 : i32
    %dma_start3A_128 = arith.constant 0 : i32
    %dma_start3A_129 = tpu.memref_slice %arg2[%dma_start3A_123, %dma_start3A_127, %dma_start3A_128] : memref<16x256x128xf32, #tpu.memory_space<vmem>> -> memref<1x256x128xf32, #tpu.memory_space<vmem>>
    %dma_start3A_130 = tpu.memref_squeeze %dma_start3A_129 : memref<1x256x128xf32, #tpu.memory_space<vmem>> -> memref<256x128xf32, #tpu.memory_space<vmem>>
    %dma_start3A_131 = arith.constant 2816 : i32
    %dma_start3A_132 = arith.constant 0 : i32
    %dma_start3A_133 = tpu.memref_slice %arg0[%dma_start3A_131, %dma_start3A_132] : memref<100000x128xf32, #tpu.memory_space<any>> -> memref<256x128xf32, #tpu.memory_space<any>>
    tpu.enqueue_dma source(%dma_start3A_133 : memref<256x128xf32, #tpu.memory_space<any>>) target(%dma_start3A_130 : memref<256x128xf32, #tpu.memory_space<vmem>>) target_semaphore(%dma_start3A_126 : memref<!tpu.dma_semaphore, #tpu.memory_space<semaphore_mem>>)
    %dma_start3A_134 = arith.constant 12 : i32
    %dma_start3A_135 = arith.constant 12 : i32
    %dma_start3A_136 = tpu.memref_slice %arg4[%dma_start3A_135] : memref<16x!tpu.dma_semaphore, #tpu.memory_space<semaphore_mem>> -> memref<1x!tpu.dma_semaphore, #tpu.memory_space<semaphore_mem>>
    %dma_start3A_137 = tpu.memref_squeeze %dma_start3A_136 : memref<1x!tpu.dma_semaphore, #tpu.memory_space<semaphore_mem>> -> memref<!tpu.dma_semaphore, #tpu.memory_space<semaphore_mem>>
    %dma_start3A_138 = arith.constant 0 : i32
    %dma_start3A_139 = arith.constant 0 : i32
    %dma_start3A_140 = tpu.memref_slice %arg2[%dma_start3A_134, %dma_start3A_138, %dma_start3A_139] : memref<16x256x128xf32, #tpu.memory_space<vmem>> -> memref<1x256x128xf32, #tpu.memory_space<vmem>>
    %dma_start3A_141 = tpu.memref_squeeze %dma_start3A_140 : memref<1x256x128xf32, #tpu.memory_space<vmem>> -> memref<256x128xf32, #tpu.memory_space<vmem>>
    %dma_start3A_142 = arith.constant 3072 : i32
    %dma_start3A_143 = arith.constant 0 : i32
    %dma_start3A_144 = tpu.memref_slice %arg0[%dma_start3A_142, %dma_start3A_143] : memref<100000x128xf32, #tpu.memory_space<any>> -> memref<256x128xf32, #tpu.memory_space<any>>
    tpu.enqueue_dma source(%dma_start3A_144 : memref<256x128xf32, #tpu.memory_space<any>>) target(%dma_start3A_141 : memref<256x128xf32, #tpu.memory_space<vmem>>) target_semaphore(%dma_start3A_137 : memref<!tpu.dma_semaphore, #tpu.memory_space<semaphore_mem>>)
    %dma_start3A_145 = arith.constant 13 : i32
    %dma_start3A_146 = arith.constant 13 : i32
    %dma_start3A_147 = tpu.memref_slice %arg4[%dma_start3A_146] : memref<16x!tpu.dma_semaphore, #tpu.memory_space<semaphore_mem>> -> memref<1x!tpu.dma_semaphore, #tpu.memory_space<semaphore_mem>>
    %dma_start3A_148 = tpu.memref_squeeze %dma_start3A_147 : memref<1x!tpu.dma_semaphore, #tpu.memory_space<semaphore_mem>> -> memref<!tpu.dma_semaphore, #tpu.memory_space<semaphore_mem>>
    %dma_start3A_149 = arith.constant 0 : i32
    %dma_start3A_150 = arith.constant 0 : i32
    %dma_start3A_151 = tpu.memref_slice %arg2[%dma_start3A_145, %dma_start3A_149, %dma_start3A_150] : memref<16x256x128xf32, #tpu.memory_space<vmem>> -> memref<1x256x128xf32, #tpu.memory_space<vmem>>
    %dma_start3A_152 = tpu.memref_squeeze %dma_start3A_151 : memref<1x256x128xf32, #tpu.memory_space<vmem>> -> memref<256x128xf32, #tpu.memory_space<vmem>>
    %dma_start3A_153 = arith.constant 3328 : i32
    %dma_start3A_154 = arith.constant 0 : i32
    %dma_start3A_155 = tpu.memref_slice %arg0[%dma_start3A_153, %dma_start3A_154] : memref<100000x128xf32, #tpu.memory_space<any>> -> memref<256x128xf32, #tpu.memory_space<any>>
    tpu.enqueue_dma source(%dma_start3A_155 : memref<256x128xf32, #tpu.memory_space<any>>) target(%dma_start3A_152 : memref<256x128xf32, #tpu.memory_space<vmem>>) target_semaphore(%dma_start3A_148 : memref<!tpu.dma_semaphore, #tpu.memory_space<semaphore_mem>>)
    %dma_start3A_156 = arith.constant 14 : i32
    %dma_start3A_157 = arith.constant 14 : i32
    %dma_start3A_158 = tpu.memref_slice %arg4[%dma_start3A_157] : memref<16x!tpu.dma_semaphore, #tpu.memory_space<semaphore_mem>> -> memref<1x!tpu.dma_semaphore, #tpu.memory_space<semaphore_mem>>
    %dma_start3A_159 = tpu.memref_squeeze %dma_start3A_158 : memref<1x!tpu.dma_semaphore, #tpu.memory_space<semaphore_mem>> -> memref<!tpu.dma_semaphore, #tpu.memory_space<semaphore_mem>>
    %dma_start3A_160 = arith.constant 0 : i32
    %dma_start3A_161 = arith.constant 0 : i32
    %dma_start3A_162 = tpu.memref_slice %arg2[%dma_start3A_156, %dma_start3A_160, %dma_start3A_161] : memref<16x256x128xf32, #tpu.memory_space<vmem>> -> memref<1x256x128xf32, #tpu.memory_space<vmem>>
    %dma_start3A_163 = tpu.memref_squeeze %dma_start3A_162 : memref<1x256x128xf32, #tpu.memory_space<vmem>> -> memref<256x128xf32, #tpu.memory_space<vmem>>
    %dma_start3A_164 = arith.constant 3584 : i32
    %dma_start3A_165 = arith.constant 0 : i32
    %dma_start3A_166 = tpu.memref_slice %arg0[%dma_start3A_164, %dma_start3A_165] : memref<100000x128xf32, #tpu.memory_space<any>> -> memref<256x128xf32, #tpu.memory_space<any>>
    tpu.enqueue_dma source(%dma_start3A_166 : memref<256x128xf32, #tpu.memory_space<any>>) target(%dma_start3A_163 : memref<256x128xf32, #tpu.memory_space<vmem>>) target_semaphore(%dma_start3A_159 : memref<!tpu.dma_semaphore, #tpu.memory_space<semaphore_mem>>)
    %dma_start3A_167 = arith.constant 15 : i32
    %dma_start3A_168 = arith.constant 15 : i32
    %dma_start3A_169 = tpu.memref_slice %arg4[%dma_start3A_168] : memref<16x!tpu.dma_semaphore, #tpu.memory_space<semaphore_mem>> -> memref<1x!tpu.dma_semaphore, #tpu.memory_space<semaphore_mem>>
    %dma_start3A_170 = tpu.memref_squeeze %dma_start3A_169 : memref<1x!tpu.dma_semaphore, #tpu.memory_space<semaphore_mem>> -> memref<!tpu.dma_semaphore, #tpu.memory_space<semaphore_mem>>
    %dma_start3A_171 = arith.constant 0 : i32
    %dma_start3A_172 = arith.constant 0 : i32
    %dma_start3A_173 = tpu.memref_slice %arg2[%dma_start3A_167, %dma_start3A_171, %dma_start3A_172] : memref<16x256x128xf32, #tpu.memory_space<vmem>> -> memref<1x256x128xf32, #tpu.memory_space<vmem>>
    %dma_start3A_174 = tpu.memref_squeeze %dma_start3A_173 : memref<1x256x128xf32, #tpu.memory_space<vmem>> -> memref<256x128xf32, #tpu.memory_space<vmem>>
    %dma_start3A_175 = arith.constant 3840 : i32
    %dma_start3A_176 = arith.constant 0 : i32
    %dma_start3A_177 = tpu.memref_slice %arg0[%dma_start3A_175, %dma_start3A_176] : memref<100000x128xf32, #tpu.memory_space<any>> -> memref<256x128xf32, #tpu.memory_space<any>>
    tpu.enqueue_dma source(%dma_start3A_177 : memref<256x128xf32, #tpu.memory_space<any>>) target(%dma_start3A_174 : memref<256x128xf32, #tpu.memory_space<vmem>>) target_semaphore(%dma_start3A_170 : memref<!tpu.dma_semaphore, #tpu.memory_space<semaphore_mem>>)
    %scan3A = arith.constant 0 : i32
    %scan3A_178 = arith.constant 19 : i32
    %scan3A_179 = arith.addi %scan3A, %scan3A_178 : i32
    %scan3A_180 = arith.constant 1 : i32
    scf.for %scan3A_189 = %scan3A to %scan3A_179 step %scan3A_180  : i32 {
      %mul3A = arith.constant 16 : i32
      %mul3A_190 = arith.muli %scan3A_189, %mul3A : i32
      %add3A = arith.constant 0 : i32
      %add3A_191 = arith.addi %mul3A_190, %add3A : i32
      %mul3A_192 = arith.constant 256 : i32
      %mul3A_193 = arith.muli %add3A_191, %mul3A_192 : i32
      %dma_wait3A = arith.constant 0 : i32
      %dma_wait3A_194 = arith.constant 0 : i32
      %dma_wait3A_195 = tpu.memref_slice %arg4[%dma_wait3A_194] : memref<16x!tpu.dma_semaphore, #tpu.memory_space<semaphore_mem>> -> memref<1x!tpu.dma_semaphore, #tpu.memory_space<semaphore_mem>>
      %dma_wait3A_196 = tpu.memref_squeeze %dma_wait3A_195 : memref<1x!tpu.dma_semaphore, #tpu.memory_space<semaphore_mem>> -> memref<!tpu.dma_semaphore, #tpu.memory_space<semaphore_mem>>
      %dma_wait3A_197 = arith.constant 0 : i32
      %dma_wait3A_198 = arith.constant 0 : i32
      %dma_wait3A_199 = tpu.memref_slice %arg2[%dma_wait3A, %dma_wait3A_197, %dma_wait3A_198] : memref<16x256x128xf32, #tpu.memory_space<vmem>> -> memref<1x256x128xf32, #tpu.memory_space<vmem>>
      %dma_wait3A_200 = tpu.memref_squeeze %dma_wait3A_199 : memref<1x256x128xf32, #tpu.memory_space<vmem>> -> memref<256x128xf32, #tpu.memory_space<vmem>>
      %dma_wait3A_201 = arith.constant 0 : i32
      %dma_wait3A_202 = tpu.memref_slice %arg0[%mul3A_193, %dma_wait3A_201] : memref<100000x128xf32, #tpu.memory_space<any>> -> memref<256x128xf32, #tpu.memory_space<any>>
      tpu.wait_dma2 semaphore(%dma_wait3A_196 : memref<!tpu.dma_semaphore, #tpu.memory_space<semaphore_mem>>) src(%dma_wait3A_202 : memref<256x128xf32, #tpu.memory_space<any>>) dst(%dma_wait3A_200 : memref<256x128xf32, #tpu.memory_space<vmem>>)
      %get3A_203 = arith.constant 0 : index
      %get3A_204 = arith.constant 0 : index
      %get3A_205 = vector.load %arg3[%get3A_203, %get3A_204] : memref<8x128xf32, #tpu.memory_space<vmem>>, vector<8x128xf32>
      %get3A_206 = arith.constant 0 : index
      %get3A_207 = arith.constant 0 : index
      %get3A_208 = arith.constant 0 : index
      %get3A_209 = vector.load %arg2[%get3A_206, %get3A_207, %get3A_208] : memref<16x256x128xf32, #tpu.memory_space<vmem>>, vector<1x256x128xf32>
      %get3A_210 = vector.shape_cast %get3A_209 : vector<1x256x128xf32> to vector<256x128xf32>
      %reshape3A = vector.shape_cast %get3A_210 : vector<256x128xf32> to vector<32x8x128xf32>
      %reduce_sum3A_211 = arith.constant dense<0.000000e+00> : vector<8x128xf32>
      %reduce_sum3A_212 = vector.multi_reduction <add>, %reshape3A, %reduce_sum3A_211 [0] : vector<32x8x128xf32> to vector<8x128xf32>
      %add3A_213 = arith.addf %get3A_205, %reduce_sum3A_212 : vector<8x128xf32>
      %swap3A_214 = arith.constant 0 : index
      %swap3A_215 = arith.constant 0 : index
      %swap3A_216 = vector.load %arg3[%swap3A_214, %swap3A_215] : memref<8x128xf32, #tpu.memory_space<vmem>>, vector<8x128xf32>
      tpu.vector_store %arg3[%swap3A_214, %swap3A_215], %add3A_213 {strides = array<i32>} : memref<8x128xf32, #tpu.memory_space<vmem>>, vector<8x128xf32>,
      %lt3A = arith.constant 18 : i32
      %lt3A_217 = arith.cmpi slt, %scan3A_189, %lt3A : i32
      %convert_element_type3A = arith.extui %lt3A_217 : i1 to i32
      %cond3A = arith.constant 0 : i32
      %cond3A_218 = arith.cmpi ne, %convert_element_type3A, %cond3A : i32
      scf.if %cond3A_218 {
        %add3A_759 = arith.constant 1 : i32
        %add3A_760 = arith.addi %scan3A_189, %add3A_759 : i32
        %mul3A_761 = arith.constant 16 : i32
        %mul3A_762 = arith.muli %add3A_760, %mul3A_761 : i32
        %add3A_763 = arith.constant 0 : i32
        %add3A_764 = arith.addi %mul3A_762, %add3A_763 : i32
        %mul3A_765 = arith.constant 256 : i32
        %mul3A_766 = arith.muli %add3A_764, %mul3A_765 : i32
        %dma_start3A_767 = arith.constant 0 : i32
        %dma_start3A_768 = arith.constant 0 : i32
        %dma_start3A_769 = tpu.memref_slice %arg4[%dma_start3A_768] : memref<16x!tpu.dma_semaphore, #tpu.memory_space<semaphore_mem>> -> memref<1x!tpu.dma_semaphore, #tpu.memory_space<semaphore_mem>>
        %dma_start3A_770 = tpu.memref_squeeze %dma_start3A_769 : memref<1x!tpu.dma_semaphore, #tpu.memory_space<semaphore_mem>> -> memref<!tpu.dma_semaphore, #tpu.memory_space<semaphore_mem>>
        %dma_start3A_771 = arith.constant 0 : i32
        %dma_start3A_772 = arith.constant 0 : i32
        %dma_start3A_773 = tpu.memref_slice %arg2[%dma_start3A_767, %dma_start3A_771, %dma_start3A_772] : memref<16x256x128xf32, #tpu.memory_space<vmem>> -> memref<1x256x128xf32, #tpu.memory_space<vmem>>
        %dma_start3A_774 = tpu.memref_squeeze %dma_start3A_773 : memref<1x256x128xf32, #tpu.memory_space<vmem>> -> memref<256x128xf32, #tpu.memory_space<vmem>>
        %dma_start3A_775 = arith.constant 0 : i32
        %dma_start3A_776 = tpu.memref_slice %arg0[%mul3A_766, %dma_start3A_775] : memref<100000x128xf32, #tpu.memory_space<any>> -> memref<256x128xf32, #tpu.memory_space<any>>
        tpu.enqueue_dma source(%dma_start3A_776 : memref<256x128xf32, #tpu.memory_space<any>>) target(%dma_start3A_774 : memref<256x128xf32, #tpu.memory_space<vmem>>) target_semaphore(%dma_start3A_770 : memref<!tpu.dma_semaphore, #tpu.memory_space<semaphore_mem>>)
      } else {
      }
      %mul3A_219 = arith.constant 16 : i32
      %mul3A_220 = arith.muli %scan3A_189, %mul3A_219 : i32
      %add3A_221 = arith.constant 1 : i32
      %add3A_222 = arith.addi %mul3A_220, %add3A_221 : i32
      %mul3A_223 = arith.constant 256 : i32
      %mul3A_224 = arith.muli %add3A_222, %mul3A_223 : i32
      %dma_wait3A_225 = arith.constant 1 : i32
      %dma_wait3A_226 = arith.constant 1 : i32
      %dma_wait3A_227 = tpu.memref_slice %arg4[%dma_wait3A_226] : memref<16x!tpu.dma_semaphore, #tpu.memory_space<semaphore_mem>> -> memref<1x!tpu.dma_semaphore, #tpu.memory_space<semaphore_mem>>
      %dma_wait3A_228 = tpu.memref_squeeze %dma_wait3A_227 : memref<1x!tpu.dma_semaphore, #tpu.memory_space<semaphore_mem>> -> memref<!tpu.dma_semaphore, #tpu.memory_space<semaphore_mem>>
      %dma_wait3A_229 = arith.constant 0 : i32
      %dma_wait3A_230 = arith.constant 0 : i32
      %dma_wait3A_231 = tpu.memref_slice %arg2[%dma_wait3A_225, %dma_wait3A_229, %dma_wait3A_230] : memref<16x256x128xf32, #tpu.memory_space<vmem>> -> memref<1x256x128xf32, #tpu.memory_space<vmem>>
      %dma_wait3A_232 = tpu.memref_squeeze %dma_wait3A_231 : memref<1x256x128xf32, #tpu.memory_space<vmem>> -> memref<256x128xf32, #tpu.memory_space<vmem>>
      %dma_wait3A_233 = arith.constant 0 : i32
      %dma_wait3A_234 = tpu.memref_slice %arg0[%mul3A_224, %dma_wait3A_233] : memref<100000x128xf32, #tpu.memory_space<any>> -> memref<256x128xf32, #tpu.memory_space<any>>
      tpu.wait_dma2 semaphore(%dma_wait3A_228 : memref<!tpu.dma_semaphore, #tpu.memory_space<semaphore_mem>>) src(%dma_wait3A_234 : memref<256x128xf32, #tpu.memory_space<any>>) dst(%dma_wait3A_232 : memref<256x128xf32, #tpu.memory_space<vmem>>)
      %get3A_235 = arith.constant 0 : index
      %get3A_236 = arith.constant 0 : index
      %get3A_237 = vector.load %arg3[%get3A_235, %get3A_236] : memref<8x128xf32, #tpu.memory_space<vmem>>, vector<8x128xf32>
      %get3A_238 = arith.constant 1 : index
      %get3A_239 = arith.constant 0 : index
      %get3A_240 = arith.constant 0 : index
      %get3A_241 = vector.load %arg2[%get3A_238, %get3A_239, %get3A_240] : memref<16x256x128xf32, #tpu.memory_space<vmem>>, vector<1x256x128xf32>
      %get3A_242 = vector.shape_cast %get3A_241 : vector<1x256x128xf32> to vector<256x128xf32>
      %reshape3A_243 = vector.shape_cast %get3A_242 : vector<256x128xf32> to vector<32x8x128xf32>
      %reduce_sum3A_244 = arith.constant dense<0.000000e+00> : vector<8x128xf32>
      %reduce_sum3A_245 = vector.multi_reduction <add>, %reshape3A_243, %reduce_sum3A_244 [0] : vector<32x8x128xf32> to vector<8x128xf32>
      %add3A_246 = arith.addf %get3A_237, %reduce_sum3A_245 : vector<8x128xf32>
      %swap3A_247 = arith.constant 0 : index
      %swap3A_248 = arith.constant 0 : index
      %swap3A_249 = vector.load %arg3[%swap3A_247, %swap3A_248] : memref<8x128xf32, #tpu.memory_space<vmem>>, vector<8x128xf32>
      tpu.vector_store %arg3[%swap3A_247, %swap3A_248], %add3A_246 {strides = array<i32>} : memref<8x128xf32, #tpu.memory_space<vmem>>, vector<8x128xf32>,
      %lt3A_250 = arith.constant 18 : i32
      %lt3A_251 = arith.cmpi slt, %scan3A_189, %lt3A_250 : i32
      %convert_element_type3A_252 = arith.extui %lt3A_251 : i1 to i32
      %cond3A_253 = arith.constant 0 : i32
      %cond3A_254 = arith.cmpi ne, %convert_element_type3A_252, %cond3A_253 : i32
      scf.if %cond3A_254 {
        %add3A_759 = arith.constant 1 : i32
        %add3A_760 = arith.addi %scan3A_189, %add3A_759 : i32
        %mul3A_761 = arith.constant 16 : i32
        %mul3A_762 = arith.muli %add3A_760, %mul3A_761 : i32
        %add3A_763 = arith.constant 1 : i32
        %add3A_764 = arith.addi %mul3A_762, %add3A_763 : i32
        %mul3A_765 = arith.constant 256 : i32
        %mul3A_766 = arith.muli %add3A_764, %mul3A_765 : i32
        %dma_start3A_767 = arith.constant 1 : i32
        %dma_start3A_768 = arith.constant 1 : i32
        %dma_start3A_769 = tpu.memref_slice %arg4[%dma_start3A_768] : memref<16x!tpu.dma_semaphore, #tpu.memory_space<semaphore_mem>> -> memref<1x!tpu.dma_semaphore, #tpu.memory_space<semaphore_mem>>
        %dma_start3A_770 = tpu.memref_squeeze %dma_start3A_769 : memref<1x!tpu.dma_semaphore, #tpu.memory_space<semaphore_mem>> -> memref<!tpu.dma_semaphore, #tpu.memory_space<semaphore_mem>>
        %dma_start3A_771 = arith.constant 0 : i32
        %dma_start3A_772 = arith.constant 0 : i32
        %dma_start3A_773 = tpu.memref_slice %arg2[%dma_start3A_767, %dma_start3A_771, %dma_start3A_772] : memref<16x256x128xf32, #tpu.memory_space<vmem>> -> memref<1x256x128xf32, #tpu.memory_space<vmem>>
        %dma_start3A_774 = tpu.memref_squeeze %dma_start3A_773 : memref<1x256x128xf32, #tpu.memory_space<vmem>> -> memref<256x128xf32, #tpu.memory_space<vmem>>
        %dma_start3A_775 = arith.constant 0 : i32
        %dma_start3A_776 = tpu.memref_slice %arg0[%mul3A_766, %dma_start3A_775] : memref<100000x128xf32, #tpu.memory_space<any>> -> memref<256x128xf32, #tpu.memory_space<any>>
        tpu.enqueue_dma source(%dma_start3A_776 : memref<256x128xf32, #tpu.memory_space<any>>) target(%dma_start3A_774 : memref<256x128xf32, #tpu.memory_space<vmem>>) target_semaphore(%dma_start3A_770 : memref<!tpu.dma_semaphore, #tpu.memory_space<semaphore_mem>>)
      } else {
      }
      %mul3A_255 = arith.constant 16 : i32
      %mul3A_256 = arith.muli %scan3A_189, %mul3A_255 : i32
      %add3A_257 = arith.constant 2 : i32
      %add3A_258 = arith.addi %mul3A_256, %add3A_257 : i32
      %mul3A_259 = arith.constant 256 : i32
      %mul3A_260 = arith.muli %add3A_258, %mul3A_259 : i32
      %dma_wait3A_261 = arith.constant 2 : i32
      %dma_wait3A_262 = arith.constant 2 : i32
      %dma_wait3A_263 = tpu.memref_slice %arg4[%dma_wait3A_262] : memref<16x!tpu.dma_semaphore, #tpu.memory_space<semaphore_mem>> -> memref<1x!tpu.dma_semaphore, #tpu.memory_space<semaphore_mem>>
      %dma_wait3A_264 = tpu.memref_squeeze %dma_wait3A_263 : memref<1x!tpu.dma_semaphore, #tpu.memory_space<semaphore_mem>> -> memref<!tpu.dma_semaphore, #tpu.memory_space<semaphore_mem>>
      %dma_wait3A_265 = arith.constant 0 : i32
      %dma_wait3A_266 = arith.constant 0 : i32
      %dma_wait3A_267 = tpu.memref_slice %arg2[%dma_wait3A_261, %dma_wait3A_265, %dma_wait3A_266] : memref<16x256x128xf32, #tpu.memory_space<vmem>> -> memref<1x256x128xf32, #tpu.memory_space<vmem>>
      %dma_wait3A_268 = tpu.memref_squeeze %dma_wait3A_267 : memref<1x256x128xf32, #tpu.memory_space<vmem>> -> memref<256x128xf32, #tpu.memory_space<vmem>>
      %dma_wait3A_269 = arith.constant 0 : i32
      %dma_wait3A_270 = tpu.memref_slice %arg0[%mul3A_260, %dma_wait3A_269] : memref<100000x128xf32, #tpu.memory_space<any>> -> memref<256x128xf32, #tpu.memory_space<any>>
      tpu.wait_dma2 semaphore(%dma_wait3A_264 : memref<!tpu.dma_semaphore, #tpu.memory_space<semaphore_mem>>) src(%dma_wait3A_270 : memref<256x128xf32, #tpu.memory_space<any>>) dst(%dma_wait3A_268 : memref<256x128xf32, #tpu.memory_space<vmem>>)
      %get3A_271 = arith.constant 0 : index
      %get3A_272 = arith.constant 0 : index
      %get3A_273 = vector.load %arg3[%get3A_271, %get3A_272] : memref<8x128xf32, #tpu.memory_space<vmem>>, vector<8x128xf32>
      %get3A_274 = arith.constant 2 : index
      %get3A_275 = arith.constant 0 : index
      %get3A_276 = arith.constant 0 : index
      %get3A_277 = vector.load %arg2[%get3A_274, %get3A_275, %get3A_276] : memref<16x256x128xf32, #tpu.memory_space<vmem>>, vector<1x256x128xf32>
      %get3A_278 = vector.shape_cast %get3A_277 : vector<1x256x128xf32> to vector<256x128xf32>
      %reshape3A_279 = vector.shape_cast %get3A_278 : vector<256x128xf32> to vector<32x8x128xf32>
      %reduce_sum3A_280 = arith.constant dense<0.000000e+00> : vector<8x128xf32>
      %reduce_sum3A_281 = vector.multi_reduction <add>, %reshape3A_279, %reduce_sum3A_280 [0] : vector<32x8x128xf32> to vector<8x128xf32>
      %add3A_282 = arith.addf %get3A_273, %reduce_sum3A_281 : vector<8x128xf32>
      %swap3A_283 = arith.constant 0 : index
      %swap3A_284 = arith.constant 0 : index
      %swap3A_285 = vector.load %arg3[%swap3A_283, %swap3A_284] : memref<8x128xf32, #tpu.memory_space<vmem>>, vector<8x128xf32>
      tpu.vector_store %arg3[%swap3A_283, %swap3A_284], %add3A_282 {strides = array<i32>} : memref<8x128xf32, #tpu.memory_space<vmem>>, vector<8x128xf32>,
      %lt3A_286 = arith.constant 18 : i32
      %lt3A_287 = arith.cmpi slt, %scan3A_189, %lt3A_286 : i32
      %convert_element_type3A_288 = arith.extui %lt3A_287 : i1 to i32
      %cond3A_289 = arith.constant 0 : i32
      %cond3A_290 = arith.cmpi ne, %convert_element_type3A_288, %cond3A_289 : i32
      scf.if %cond3A_290 {
        %add3A_759 = arith.constant 1 : i32
        %add3A_760 = arith.addi %scan3A_189, %add3A_759 : i32
        %mul3A_761 = arith.constant 16 : i32
        %mul3A_762 = arith.muli %add3A_760, %mul3A_761 : i32
        %add3A_763 = arith.constant 2 : i32
        %add3A_764 = arith.addi %mul3A_762, %add3A_763 : i32
        %mul3A_765 = arith.constant 256 : i32
        %mul3A_766 = arith.muli %add3A_764, %mul3A_765 : i32
        %dma_start3A_767 = arith.constant 2 : i32
        %dma_start3A_768 = arith.constant 2 : i32
        %dma_start3A_769 = tpu.memref_slice %arg4[%dma_start3A_768] : memref<16x!tpu.dma_semaphore, #tpu.memory_space<semaphore_mem>> -> memref<1x!tpu.dma_semaphore, #tpu.memory_space<semaphore_mem>>
        %dma_start3A_770 = tpu.memref_squeeze %dma_start3A_769 : memref<1x!tpu.dma_semaphore, #tpu.memory_space<semaphore_mem>> -> memref<!tpu.dma_semaphore, #tpu.memory_space<semaphore_mem>>
        %dma_start3A_771 = arith.constant 0 : i32
        %dma_start3A_772 = arith.constant 0 : i32
        %dma_start3A_773 = tpu.memref_slice %arg2[%dma_start3A_767, %dma_start3A_771, %dma_start3A_772] : memref<16x256x128xf32, #tpu.memory_space<vmem>> -> memref<1x256x128xf32, #tpu.memory_space<vmem>>
        %dma_start3A_774 = tpu.memref_squeeze %dma_start3A_773 : memref<1x256x128xf32, #tpu.memory_space<vmem>> -> memref<256x128xf32, #tpu.memory_space<vmem>>
        %dma_start3A_775 = arith.constant 0 : i32
        %dma_start3A_776 = tpu.memref_slice %arg0[%mul3A_766, %dma_start3A_775] : memref<100000x128xf32, #tpu.memory_space<any>> -> memref<256x128xf32, #tpu.memory_space<any>>
        tpu.enqueue_dma source(%dma_start3A_776 : memref<256x128xf32, #tpu.memory_space<any>>) target(%dma_start3A_774 : memref<256x128xf32, #tpu.memory_space<vmem>>) target_semaphore(%dma_start3A_770 : memref<!tpu.dma_semaphore, #tpu.memory_space<semaphore_mem>>)
      } else {
      }
      %mul3A_291 = arith.constant 16 : i32
      %mul3A_292 = arith.muli %scan3A_189, %mul3A_291 : i32
      %add3A_293 = arith.constant 3 : i32
      %add3A_294 = arith.addi %mul3A_292, %add3A_293 : i32
      %mul3A_295 = arith.constant 256 : i32
      %mul3A_296 = arith.muli %add3A_294, %mul3A_295 : i32
      %dma_wait3A_297 = arith.constant 3 : i32
      %dma_wait3A_298 = arith.constant 3 : i32
      %dma_wait3A_299 = tpu.memref_slice %arg4[%dma_wait3A_298] : memref<16x!tpu.dma_semaphore, #tpu.memory_space<semaphore_mem>> -> memref<1x!tpu.dma_semaphore, #tpu.memory_space<semaphore_mem>>
      %dma_wait3A_300 = tpu.memref_squeeze %dma_wait3A_299 : memref<1x!tpu.dma_semaphore, #tpu.memory_space<semaphore_mem>> -> memref<!tpu.dma_semaphore, #tpu.memory_space<semaphore_mem>>
      %dma_wait3A_301 = arith.constant 0 : i32
      %dma_wait3A_302 = arith.constant 0 : i32
      %dma_wait3A_303 = tpu.memref_slice %arg2[%dma_wait3A_297, %dma_wait3A_301, %dma_wait3A_302] : memref<16x256x128xf32, #tpu.memory_space<vmem>> -> memref<1x256x128xf32, #tpu.memory_space<vmem>>
      %dma_wait3A_304 = tpu.memref_squeeze %dma_wait3A_303 : memref<1x256x128xf32, #tpu.memory_space<vmem>> -> memref<256x128xf32, #tpu.memory_space<vmem>>
      %dma_wait3A_305 = arith.constant 0 : i32
      %dma_wait3A_306 = tpu.memref_slice %arg0[%mul3A_296, %dma_wait3A_305] : memref<100000x128xf32, #tpu.memory_space<any>> -> memref<256x128xf32, #tpu.memory_space<any>>
      tpu.wait_dma2 semaphore(%dma_wait3A_300 : memref<!tpu.dma_semaphore, #tpu.memory_space<semaphore_mem>>) src(%dma_wait3A_306 : memref<256x128xf32, #tpu.memory_space<any>>) dst(%dma_wait3A_304 : memref<256x128xf32, #tpu.memory_space<vmem>>)
      %get3A_307 = arith.constant 0 : index
      %get3A_308 = arith.constant 0 : index
      %get3A_309 = vector.load %arg3[%get3A_307, %get3A_308] : memref<8x128xf32, #tpu.memory_space<vmem>>, vector<8x128xf32>
      %get3A_310 = arith.constant 3 : index
      %get3A_311 = arith.constant 0 : index
      %get3A_312 = arith.constant 0 : index
      %get3A_313 = vector.load %arg2[%get3A_310, %get3A_311, %get3A_312] : memref<16x256x128xf32, #tpu.memory_space<vmem>>, vector<1x256x128xf32>
      %get3A_314 = vector.shape_cast %get3A_313 : vector<1x256x128xf32> to vector<256x128xf32>
      %reshape3A_315 = vector.shape_cast %get3A_314 : vector<256x128xf32> to vector<32x8x128xf32>
      %reduce_sum3A_316 = arith.constant dense<0.000000e+00> : vector<8x128xf32>
      %reduce_sum3A_317 = vector.multi_reduction <add>, %reshape3A_315, %reduce_sum3A_316 [0] : vector<32x8x128xf32> to vector<8x128xf32>
      %add3A_318 = arith.addf %get3A_309, %reduce_sum3A_317 : vector<8x128xf32>
      %swap3A_319 = arith.constant 0 : index
      %swap3A_320 = arith.constant 0 : index
      %swap3A_321 = vector.load %arg3[%swap3A_319, %swap3A_320] : memref<8x128xf32, #tpu.memory_space<vmem>>, vector<8x128xf32>
      tpu.vector_store %arg3[%swap3A_319, %swap3A_320], %add3A_318 {strides = array<i32>} : memref<8x128xf32, #tpu.memory_space<vmem>>, vector<8x128xf32>,
      %lt3A_322 = arith.constant 18 : i32
      %lt3A_323 = arith.cmpi slt, %scan3A_189, %lt3A_322 : i32
      %convert_element_type3A_324 = arith.extui %lt3A_323 : i1 to i32
      %cond3A_325 = arith.constant 0 : i32
      %cond3A_326 = arith.cmpi ne, %convert_element_type3A_324, %cond3A_325 : i32
      scf.if %cond3A_326 {
        %add3A_759 = arith.constant 1 : i32
        %add3A_760 = arith.addi %scan3A_189, %add3A_759 : i32
        %mul3A_761 = arith.constant 16 : i32
        %mul3A_762 = arith.muli %add3A_760, %mul3A_761 : i32
        %add3A_763 = arith.constant 3 : i32
        %add3A_764 = arith.addi %mul3A_762, %add3A_763 : i32
        %mul3A_765 = arith.constant 256 : i32
        %mul3A_766 = arith.muli %add3A_764, %mul3A_765 : i32
        %dma_start3A_767 = arith.constant 3 : i32
        %dma_start3A_768 = arith.constant 3 : i32
        %dma_start3A_769 = tpu.memref_slice %arg4[%dma_start3A_768] : memref<16x!tpu.dma_semaphore, #tpu.memory_space<semaphore_mem>> -> memref<1x!tpu.dma_semaphore, #tpu.memory_space<semaphore_mem>>
        %dma_start3A_770 = tpu.memref_squeeze %dma_start3A_769 : memref<1x!tpu.dma_semaphore, #tpu.memory_space<semaphore_mem>> -> memref<!tpu.dma_semaphore, #tpu.memory_space<semaphore_mem>>
        %dma_start3A_771 = arith.constant 0 : i32
        %dma_start3A_772 = arith.constant 0 : i32
        %dma_start3A_773 = tpu.memref_slice %arg2[%dma_start3A_767, %dma_start3A_771, %dma_start3A_772] : memref<16x256x128xf32, #tpu.memory_space<vmem>> -> memref<1x256x128xf32, #tpu.memory_space<vmem>>
        %dma_start3A_774 = tpu.memref_squeeze %dma_start3A_773 : memref<1x256x128xf32, #tpu.memory_space<vmem>> -> memref<256x128xf32, #tpu.memory_space<vmem>>
        %dma_start3A_775 = arith.constant 0 : i32
        %dma_start3A_776 = tpu.memref_slice %arg0[%mul3A_766, %dma_start3A_775] : memref<100000x128xf32, #tpu.memory_space<any>> -> memref<256x128xf32, #tpu.memory_space<any>>
        tpu.enqueue_dma source(%dma_start3A_776 : memref<256x128xf32, #tpu.memory_space<any>>) target(%dma_start3A_774 : memref<256x128xf32, #tpu.memory_space<vmem>>) target_semaphore(%dma_start3A_770 : memref<!tpu.dma_semaphore, #tpu.memory_space<semaphore_mem>>)
      } else {
      }
      %mul3A_327 = arith.constant 16 : i32
      %mul3A_328 = arith.muli %scan3A_189, %mul3A_327 : i32
      %add3A_329 = arith.constant 4 : i32
      %add3A_330 = arith.addi %mul3A_328, %add3A_329 : i32
      %mul3A_331 = arith.constant 256 : i32
      %mul3A_332 = arith.muli %add3A_330, %mul3A_331 : i32
      %dma_wait3A_333 = arith.constant 4 : i32
      %dma_wait3A_334 = arith.constant 4 : i32
      %dma_wait3A_335 = tpu.memref_slice %arg4[%dma_wait3A_334] : memref<16x!tpu.dma_semaphore, #tpu.memory_space<semaphore_mem>> -> memref<1x!tpu.dma_semaphore, #tpu.memory_space<semaphore_mem>>
      %dma_wait3A_336 = tpu.memref_squeeze %dma_wait3A_335 : memref<1x!tpu.dma_semaphore, #tpu.memory_space<semaphore_mem>> -> memref<!tpu.dma_semaphore, #tpu.memory_space<semaphore_mem>>
      %dma_wait3A_337 = arith.constant 0 : i32
      %dma_wait3A_338 = arith.constant 0 : i32
      %dma_wait3A_339 = tpu.memref_slice %arg2[%dma_wait3A_333, %dma_wait3A_337, %dma_wait3A_338] : memref<16x256x128xf32, #tpu.memory_space<vmem>> -> memref<1x256x128xf32, #tpu.memory_space<vmem>>
      %dma_wait3A_340 = tpu.memref_squeeze %dma_wait3A_339 : memref<1x256x128xf32, #tpu.memory_space<vmem>> -> memref<256x128xf32, #tpu.memory_space<vmem>>
      %dma_wait3A_341 = arith.constant 0 : i32
      %dma_wait3A_342 = tpu.memref_slice %arg0[%mul3A_332, %dma_wait3A_341] : memref<100000x128xf32, #tpu.memory_space<any>> -> memref<256x128xf32, #tpu.memory_space<any>>
      tpu.wait_dma2 semaphore(%dma_wait3A_336 : memref<!tpu.dma_semaphore, #tpu.memory_space<semaphore_mem>>) src(%dma_wait3A_342 : memref<256x128xf32, #tpu.memory_space<any>>) dst(%dma_wait3A_340 : memref<256x128xf32, #tpu.memory_space<vmem>>)
      %get3A_343 = arith.constant 0 : index
      %get3A_344 = arith.constant 0 : index
      %get3A_345 = vector.load %arg3[%get3A_343, %get3A_344] : memref<8x128xf32, #tpu.memory_space<vmem>>, vector<8x128xf32>
      %get3A_346 = arith.constant 4 : index
      %get3A_347 = arith.constant 0 : index
      %get3A_348 = arith.constant 0 : index
      %get3A_349 = vector.load %arg2[%get3A_346, %get3A_347, %get3A_348] : memref<16x256x128xf32, #tpu.memory_space<vmem>>, vector<1x256x128xf32>
      %get3A_350 = vector.shape_cast %get3A_349 : vector<1x256x128xf32> to vector<256x128xf32>
      %reshape3A_351 = vector.shape_cast %get3A_350 : vector<256x128xf32> to vector<32x8x128xf32>
      %reduce_sum3A_352 = arith.constant dense<0.000000e+00> : vector<8x128xf32>
      %reduce_sum3A_353 = vector.multi_reduction <add>, %reshape3A_351, %reduce_sum3A_352 [0] : vector<32x8x128xf32> to vector<8x128xf32>
      %add3A_354 = arith.addf %get3A_345, %reduce_sum3A_353 : vector<8x128xf32>
      %swap3A_355 = arith.constant 0 : index
      %swap3A_356 = arith.constant 0 : index
      %swap3A_357 = vector.load %arg3[%swap3A_355, %swap3A_356] : memref<8x128xf32, #tpu.memory_space<vmem>>, vector<8x128xf32>
      tpu.vector_store %arg3[%swap3A_355, %swap3A_356], %add3A_354 {strides = array<i32>} : memref<8x128xf32, #tpu.memory_space<vmem>>, vector<8x128xf32>,
      %lt3A_358 = arith.constant 18 : i32
      %lt3A_359 = arith.cmpi slt, %scan3A_189, %lt3A_358 : i32
      %convert_element_type3A_360 = arith.extui %lt3A_359 : i1 to i32
      %cond3A_361 = arith.constant 0 : i32
      %cond3A_362 = arith.cmpi ne, %convert_element_type3A_360, %cond3A_361 : i32
      scf.if %cond3A_362 {
        %add3A_759 = arith.constant 1 : i32
        %add3A_760 = arith.addi %scan3A_189, %add3A_759 : i32
        %mul3A_761 = arith.constant 16 : i32
        %mul3A_762 = arith.muli %add3A_760, %mul3A_761 : i32
        %add3A_763 = arith.constant 4 : i32
        %add3A_764 = arith.addi %mul3A_762, %add3A_763 : i32
        %mul3A_765 = arith.constant 256 : i32
        %mul3A_766 = arith.muli %add3A_764, %mul3A_765 : i32
        %dma_start3A_767 = arith.constant 4 : i32
        %dma_start3A_768 = arith.constant 4 : i32
        %dma_start3A_769 = tpu.memref_slice %arg4[%dma_start3A_768] : memref<16x!tpu.dma_semaphore, #tpu.memory_space<semaphore_mem>> -> memref<1x!tpu.dma_semaphore, #tpu.memory_space<semaphore_mem>>
        %dma_start3A_770 = tpu.memref_squeeze %dma_start3A_769 : memref<1x!tpu.dma_semaphore, #tpu.memory_space<semaphore_mem>> -> memref<!tpu.dma_semaphore, #tpu.memory_space<semaphore_mem>>
        %dma_start3A_771 = arith.constant 0 : i32
        %dma_start3A_772 = arith.constant 0 : i32
        %dma_start3A_773 = tpu.memref_slice %arg2[%dma_start3A_767, %dma_start3A_771, %dma_start3A_772] : memref<16x256x128xf32, #tpu.memory_space<vmem>> -> memref<1x256x128xf32, #tpu.memory_space<vmem>>
        %dma_start3A_774 = tpu.memref_squeeze %dma_start3A_773 : memref<1x256x128xf32, #tpu.memory_space<vmem>> -> memref<256x128xf32, #tpu.memory_space<vmem>>
        %dma_start3A_775 = arith.constant 0 : i32
        %dma_start3A_776 = tpu.memref_slice %arg0[%mul3A_766, %dma_start3A_775] : memref<100000x128xf32, #tpu.memory_space<any>> -> memref<256x128xf32, #tpu.memory_space<any>>
        tpu.enqueue_dma source(%dma_start3A_776 : memref<256x128xf32, #tpu.memory_space<any>>) target(%dma_start3A_774 : memref<256x128xf32, #tpu.memory_space<vmem>>) target_semaphore(%dma_start3A_770 : memref<!tpu.dma_semaphore, #tpu.memory_space<semaphore_mem>>)
      } else {
      }
      %mul3A_363 = arith.constant 16 : i32
      %mul3A_364 = arith.muli %scan3A_189, %mul3A_363 : i32
      %add3A_365 = arith.constant 5 : i32
      %add3A_366 = arith.addi %mul3A_364, %add3A_365 : i32
      %mul3A_367 = arith.constant 256 : i32
      %mul3A_368 = arith.muli %add3A_366, %mul3A_367 : i32
      %dma_wait3A_369 = arith.constant 5 : i32
      %dma_wait3A_370 = arith.constant 5 : i32
      %dma_wait3A_371 = tpu.memref_slice %arg4[%dma_wait3A_370] : memref<16x!tpu.dma_semaphore, #tpu.memory_space<semaphore_mem>> -> memref<1x!tpu.dma_semaphore, #tpu.memory_space<semaphore_mem>>
      %dma_wait3A_372 = tpu.memref_squeeze %dma_wait3A_371 : memref<1x!tpu.dma_semaphore, #tpu.memory_space<semaphore_mem>> -> memref<!tpu.dma_semaphore, #tpu.memory_space<semaphore_mem>>
      %dma_wait3A_373 = arith.constant 0 : i32
      %dma_wait3A_374 = arith.constant 0 : i32
      %dma_wait3A_375 = tpu.memref_slice %arg2[%dma_wait3A_369, %dma_wait3A_373, %dma_wait3A_374] : memref<16x256x128xf32, #tpu.memory_space<vmem>> -> memref<1x256x128xf32, #tpu.memory_space<vmem>>
      %dma_wait3A_376 = tpu.memref_squeeze %dma_wait3A_375 : memref<1x256x128xf32, #tpu.memory_space<vmem>> -> memref<256x128xf32, #tpu.memory_space<vmem>>
      %dma_wait3A_377 = arith.constant 0 : i32
      %dma_wait3A_378 = tpu.memref_slice %arg0[%mul3A_368, %dma_wait3A_377] : memref<100000x128xf32, #tpu.memory_space<any>> -> memref<256x128xf32, #tpu.memory_space<any>>
      tpu.wait_dma2 semaphore(%dma_wait3A_372 : memref<!tpu.dma_semaphore, #tpu.memory_space<semaphore_mem>>) src(%dma_wait3A_378 : memref<256x128xf32, #tpu.memory_space<any>>) dst(%dma_wait3A_376 : memref<256x128xf32, #tpu.memory_space<vmem>>)
      %get3A_379 = arith.constant 0 : index
      %get3A_380 = arith.constant 0 : index
      %get3A_381 = vector.load %arg3[%get3A_379, %get3A_380] : memref<8x128xf32, #tpu.memory_space<vmem>>, vector<8x128xf32>
      %get3A_382 = arith.constant 5 : index
      %get3A_383 = arith.constant 0 : index
      %get3A_384 = arith.constant 0 : index
      %get3A_385 = vector.load %arg2[%get3A_382, %get3A_383, %get3A_384] : memref<16x256x128xf32, #tpu.memory_space<vmem>>, vector<1x256x128xf32>
      %get3A_386 = vector.shape_cast %get3A_385 : vector<1x256x128xf32> to vector<256x128xf32>
      %reshape3A_387 = vector.shape_cast %get3A_386 : vector<256x128xf32> to vector<32x8x128xf32>
      %reduce_sum3A_388 = arith.constant dense<0.000000e+00> : vector<8x128xf32>
      %reduce_sum3A_389 = vector.multi_reduction <add>, %reshape3A_387, %reduce_sum3A_388 [0] : vector<32x8x128xf32> to vector<8x128xf32>
      %add3A_390 = arith.addf %get3A_381, %reduce_sum3A_389 : vector<8x128xf32>
      %swap3A_391 = arith.constant 0 : index
      %swap3A_392 = arith.constant 0 : index
      %swap3A_393 = vector.load %arg3[%swap3A_391, %swap3A_392] : memref<8x128xf32, #tpu.memory_space<vmem>>, vector<8x128xf32>
      tpu.vector_store %arg3[%swap3A_391, %swap3A_392], %add3A_390 {strides = array<i32>} : memref<8x128xf32, #tpu.memory_space<vmem>>, vector<8x128xf32>,
      %lt3A_394 = arith.constant 18 : i32
      %lt3A_395 = arith.cmpi slt, %scan3A_189, %lt3A_394 : i32
      %convert_element_type3A_396 = arith.extui %lt3A_395 : i1 to i32
      %cond3A_397 = arith.constant 0 : i32
      %cond3A_398 = arith.cmpi ne, %convert_element_type3A_396, %cond3A_397 : i32
      scf.if %cond3A_398 {
        %add3A_759 = arith.constant 1 : i32
        %add3A_760 = arith.addi %scan3A_189, %add3A_759 : i32
        %mul3A_761 = arith.constant 16 : i32
        %mul3A_762 = arith.muli %add3A_760, %mul3A_761 : i32
        %add3A_763 = arith.constant 5 : i32
        %add3A_764 = arith.addi %mul3A_762, %add3A_763 : i32
        %mul3A_765 = arith.constant 256 : i32
        %mul3A_766 = arith.muli %add3A_764, %mul3A_765 : i32
        %dma_start3A_767 = arith.constant 5 : i32
        %dma_start3A_768 = arith.constant 5 : i32
        %dma_start3A_769 = tpu.memref_slice %arg4[%dma_start3A_768] : memref<16x!tpu.dma_semaphore, #tpu.memory_space<semaphore_mem>> -> memref<1x!tpu.dma_semaphore, #tpu.memory_space<semaphore_mem>>
        %dma_start3A_770 = tpu.memref_squeeze %dma_start3A_769 : memref<1x!tpu.dma_semaphore, #tpu.memory_space<semaphore_mem>> -> memref<!tpu.dma_semaphore, #tpu.memory_space<semaphore_mem>>
        %dma_start3A_771 = arith.constant 0 : i32
        %dma_start3A_772 = arith.constant 0 : i32
        %dma_start3A_773 = tpu.memref_slice %arg2[%dma_start3A_767, %dma_start3A_771, %dma_start3A_772] : memref<16x256x128xf32, #tpu.memory_space<vmem>> -> memref<1x256x128xf32, #tpu.memory_space<vmem>>
        %dma_start3A_774 = tpu.memref_squeeze %dma_start3A_773 : memref<1x256x128xf32, #tpu.memory_space<vmem>> -> memref<256x128xf32, #tpu.memory_space<vmem>>
        %dma_start3A_775 = arith.constant 0 : i32
        %dma_start3A_776 = tpu.memref_slice %arg0[%mul3A_766, %dma_start3A_775] : memref<100000x128xf32, #tpu.memory_space<any>> -> memref<256x128xf32, #tpu.memory_space<any>>
        tpu.enqueue_dma source(%dma_start3A_776 : memref<256x128xf32, #tpu.memory_space<any>>) target(%dma_start3A_774 : memref<256x128xf32, #tpu.memory_space<vmem>>) target_semaphore(%dma_start3A_770 : memref<!tpu.dma_semaphore, #tpu.memory_space<semaphore_mem>>)
      } else {
      }
      %mul3A_399 = arith.constant 16 : i32
      %mul3A_400 = arith.muli %scan3A_189, %mul3A_399 : i32
      %add3A_401 = arith.constant 6 : i32
      %add3A_402 = arith.addi %mul3A_400, %add3A_401 : i32
      %mul3A_403 = arith.constant 256 : i32
      %mul3A_404 = arith.muli %add3A_402, %mul3A_403 : i32
      %dma_wait3A_405 = arith.constant 6 : i32
      %dma_wait3A_406 = arith.constant 6 : i32
      %dma_wait3A_407 = tpu.memref_slice %arg4[%dma_wait3A_406] : memref<16x!tpu.dma_semaphore, #tpu.memory_space<semaphore_mem>> -> memref<1x!tpu.dma_semaphore, #tpu.memory_space<semaphore_mem>>
      %dma_wait3A_408 = tpu.memref_squeeze %dma_wait3A_407 : memref<1x!tpu.dma_semaphore, #tpu.memory_space<semaphore_mem>> -> memref<!tpu.dma_semaphore, #tpu.memory_space<semaphore_mem>>
      %dma_wait3A_409 = arith.constant 0 : i32
      %dma_wait3A_410 = arith.constant 0 : i32
      %dma_wait3A_411 = tpu.memref_slice %arg2[%dma_wait3A_405, %dma_wait3A_409, %dma_wait3A_410] : memref<16x256x128xf32, #tpu.memory_space<vmem>> -> memref<1x256x128xf32, #tpu.memory_space<vmem>>
      %dma_wait3A_412 = tpu.memref_squeeze %dma_wait3A_411 : memref<1x256x128xf32, #tpu.memory_space<vmem>> -> memref<256x128xf32, #tpu.memory_space<vmem>>
      %dma_wait3A_413 = arith.constant 0 : i32
      %dma_wait3A_414 = tpu.memref_slice %arg0[%mul3A_404, %dma_wait3A_413] : memref<100000x128xf32, #tpu.memory_space<any>> -> memref<256x128xf32, #tpu.memory_space<any>>
      tpu.wait_dma2 semaphore(%dma_wait3A_408 : memref<!tpu.dma_semaphore, #tpu.memory_space<semaphore_mem>>) src(%dma_wait3A_414 : memref<256x128xf32, #tpu.memory_space<any>>) dst(%dma_wait3A_412 : memref<256x128xf32, #tpu.memory_space<vmem>>)
      %get3A_415 = arith.constant 0 : index
      %get3A_416 = arith.constant 0 : index
      %get3A_417 = vector.load %arg3[%get3A_415, %get3A_416] : memref<8x128xf32, #tpu.memory_space<vmem>>, vector<8x128xf32>
      %get3A_418 = arith.constant 6 : index
      %get3A_419 = arith.constant 0 : index
      %get3A_420 = arith.constant 0 : index
      %get3A_421 = vector.load %arg2[%get3A_418, %get3A_419, %get3A_420] : memref<16x256x128xf32, #tpu.memory_space<vmem>>, vector<1x256x128xf32>
      %get3A_422 = vector.shape_cast %get3A_421 : vector<1x256x128xf32> to vector<256x128xf32>
      %reshape3A_423 = vector.shape_cast %get3A_422 : vector<256x128xf32> to vector<32x8x128xf32>
      %reduce_sum3A_424 = arith.constant dense<0.000000e+00> : vector<8x128xf32>
      %reduce_sum3A_425 = vector.multi_reduction <add>, %reshape3A_423, %reduce_sum3A_424 [0] : vector<32x8x128xf32> to vector<8x128xf32>
      %add3A_426 = arith.addf %get3A_417, %reduce_sum3A_425 : vector<8x128xf32>
      %swap3A_427 = arith.constant 0 : index
      %swap3A_428 = arith.constant 0 : index
      %swap3A_429 = vector.load %arg3[%swap3A_427, %swap3A_428] : memref<8x128xf32, #tpu.memory_space<vmem>>, vector<8x128xf32>
      tpu.vector_store %arg3[%swap3A_427, %swap3A_428], %add3A_426 {strides = array<i32>} : memref<8x128xf32, #tpu.memory_space<vmem>>, vector<8x128xf32>,
      %lt3A_430 = arith.constant 18 : i32
      %lt3A_431 = arith.cmpi slt, %scan3A_189, %lt3A_430 : i32
      %convert_element_type3A_432 = arith.extui %lt3A_431 : i1 to i32
      %cond3A_433 = arith.constant 0 : i32
      %cond3A_434 = arith.cmpi ne, %convert_element_type3A_432, %cond3A_433 : i32
      scf.if %cond3A_434 {
        %add3A_759 = arith.constant 1 : i32
        %add3A_760 = arith.addi %scan3A_189, %add3A_759 : i32
        %mul3A_761 = arith.constant 16 : i32
        %mul3A_762 = arith.muli %add3A_760, %mul3A_761 : i32
        %add3A_763 = arith.constant 6 : i32
        %add3A_764 = arith.addi %mul3A_762, %add3A_763 : i32
        %mul3A_765 = arith.constant 256 : i32
        %mul3A_766 = arith.muli %add3A_764, %mul3A_765 : i32
        %dma_start3A_767 = arith.constant 6 : i32
        %dma_start3A_768 = arith.constant 6 : i32
        %dma_start3A_769 = tpu.memref_slice %arg4[%dma_start3A_768] : memref<16x!tpu.dma_semaphore, #tpu.memory_space<semaphore_mem>> -> memref<1x!tpu.dma_semaphore, #tpu.memory_space<semaphore_mem>>
        %dma_start3A_770 = tpu.memref_squeeze %dma_start3A_769 : memref<1x!tpu.dma_semaphore, #tpu.memory_space<semaphore_mem>> -> memref<!tpu.dma_semaphore, #tpu.memory_space<semaphore_mem>>
        %dma_start3A_771 = arith.constant 0 : i32
        %dma_start3A_772 = arith.constant 0 : i32
        %dma_start3A_773 = tpu.memref_slice %arg2[%dma_start3A_767, %dma_start3A_771, %dma_start3A_772] : memref<16x256x128xf32, #tpu.memory_space<vmem>> -> memref<1x256x128xf32, #tpu.memory_space<vmem>>
        %dma_start3A_774 = tpu.memref_squeeze %dma_start3A_773 : memref<1x256x128xf32, #tpu.memory_space<vmem>> -> memref<256x128xf32, #tpu.memory_space<vmem>>
        %dma_start3A_775 = arith.constant 0 : i32
        %dma_start3A_776 = tpu.memref_slice %arg0[%mul3A_766, %dma_start3A_775] : memref<100000x128xf32, #tpu.memory_space<any>> -> memref<256x128xf32, #tpu.memory_space<any>>
        tpu.enqueue_dma source(%dma_start3A_776 : memref<256x128xf32, #tpu.memory_space<any>>) target(%dma_start3A_774 : memref<256x128xf32, #tpu.memory_space<vmem>>) target_semaphore(%dma_start3A_770 : memref<!tpu.dma_semaphore, #tpu.memory_space<semaphore_mem>>)
      } else {
      }
      %mul3A_435 = arith.constant 16 : i32
      %mul3A_436 = arith.muli %scan3A_189, %mul3A_435 : i32
      %add3A_437 = arith.constant 7 : i32
      %add3A_438 = arith.addi %mul3A_436, %add3A_437 : i32
      %mul3A_439 = arith.constant 256 : i32
      %mul3A_440 = arith.muli %add3A_438, %mul3A_439 : i32
      %dma_wait3A_441 = arith.constant 7 : i32
      %dma_wait3A_442 = arith.constant 7 : i32
      %dma_wait3A_443 = tpu.memref_slice %arg4[%dma_wait3A_442] : memref<16x!tpu.dma_semaphore, #tpu.memory_space<semaphore_mem>> -> memref<1x!tpu.dma_semaphore, #tpu.memory_space<semaphore_mem>>
      %dma_wait3A_444 = tpu.memref_squeeze %dma_wait3A_443 : memref<1x!tpu.dma_semaphore, #tpu.memory_space<semaphore_mem>> -> memref<!tpu.dma_semaphore, #tpu.memory_space<semaphore_mem>>
      %dma_wait3A_445 = arith.constant 0 : i32
      %dma_wait3A_446 = arith.constant 0 : i32
      %dma_wait3A_447 = tpu.memref_slice %arg2[%dma_wait3A_441, %dma_wait3A_445, %dma_wait3A_446] : memref<16x256x128xf32, #tpu.memory_space<vmem>> -> memref<1x256x128xf32, #tpu.memory_space<vmem>>
      %dma_wait3A_448 = tpu.memref_squeeze %dma_wait3A_447 : memref<1x256x128xf32, #tpu.memory_space<vmem>> -> memref<256x128xf32, #tpu.memory_space<vmem>>
      %dma_wait3A_449 = arith.constant 0 : i32
      %dma_wait3A_450 = tpu.memref_slice %arg0[%mul3A_440, %dma_wait3A_449] : memref<100000x128xf32, #tpu.memory_space<any>> -> memref<256x128xf32, #tpu.memory_space<any>>
      tpu.wait_dma2 semaphore(%dma_wait3A_444 : memref<!tpu.dma_semaphore, #tpu.memory_space<semaphore_mem>>) src(%dma_wait3A_450 : memref<256x128xf32, #tpu.memory_space<any>>) dst(%dma_wait3A_448 : memref<256x128xf32, #tpu.memory_space<vmem>>)
      %get3A_451 = arith.constant 0 : index
      %get3A_452 = arith.constant 0 : index
      %get3A_453 = vector.load %arg3[%get3A_451, %get3A_452] : memref<8x128xf32, #tpu.memory_space<vmem>>, vector<8x128xf32>
      %get3A_454 = arith.constant 7 : index
      %get3A_455 = arith.constant 0 : index
      %get3A_456 = arith.constant 0 : index
      %get3A_457 = vector.load %arg2[%get3A_454, %get3A_455, %get3A_456] : memref<16x256x128xf32, #tpu.memory_space<vmem>>, vector<1x256x128xf32>
      %get3A_458 = vector.shape_cast %get3A_457 : vector<1x256x128xf32> to vector<256x128xf32>
      %reshape3A_459 = vector.shape_cast %get3A_458 : vector<256x128xf32> to vector<32x8x128xf32>
      %reduce_sum3A_460 = arith.constant dense<0.000000e+00> : vector<8x128xf32>
      %reduce_sum3A_461 = vector.multi_reduction <add>, %reshape3A_459, %reduce_sum3A_460 [0] : vector<32x8x128xf32> to vector<8x128xf32>
      %add3A_462 = arith.addf %get3A_453, %reduce_sum3A_461 : vector<8x128xf32>
      %swap3A_463 = arith.constant 0 : index
      %swap3A_464 = arith.constant 0 : index
      %swap3A_465 = vector.load %arg3[%swap3A_463, %swap3A_464] : memref<8x128xf32, #tpu.memory_space<vmem>>, vector<8x128xf32>
      tpu.vector_store %arg3[%swap3A_463, %swap3A_464], %add3A_462 {strides = array<i32>} : memref<8x128xf32, #tpu.memory_space<vmem>>, vector<8x128xf32>,
      %lt3A_466 = arith.constant 18 : i32
      %lt3A_467 = arith.cmpi slt, %scan3A_189, %lt3A_466 : i32
      %convert_element_type3A_468 = arith.extui %lt3A_467 : i1 to i32
      %cond3A_469 = arith.constant 0 : i32
      %cond3A_470 = arith.cmpi ne, %convert_element_type3A_468, %cond3A_469 : i32
      scf.if %cond3A_470 {
        %add3A_759 = arith.constant 1 : i32
        %add3A_760 = arith.addi %scan3A_189, %add3A_759 : i32
        %mul3A_761 = arith.constant 16 : i32
        %mul3A_762 = arith.muli %add3A_760, %mul3A_761 : i32
        %add3A_763 = arith.constant 7 : i32
        %add3A_764 = arith.addi %mul3A_762, %add3A_763 : i32
        %mul3A_765 = arith.constant 256 : i32
        %mul3A_766 = arith.muli %add3A_764, %mul3A_765 : i32
        %dma_start3A_767 = arith.constant 7 : i32
        %dma_start3A_768 = arith.constant 7 : i32
        %dma_start3A_769 = tpu.memref_slice %arg4[%dma_start3A_768] : memref<16x!tpu.dma_semaphore, #tpu.memory_space<semaphore_mem>> -> memref<1x!tpu.dma_semaphore, #tpu.memory_space<semaphore_mem>>
        %dma_start3A_770 = tpu.memref_squeeze %dma_start3A_769 : memref<1x!tpu.dma_semaphore, #tpu.memory_space<semaphore_mem>> -> memref<!tpu.dma_semaphore, #tpu.memory_space<semaphore_mem>>
        %dma_start3A_771 = arith.constant 0 : i32
        %dma_start3A_772 = arith.constant 0 : i32
        %dma_start3A_773 = tpu.memref_slice %arg2[%dma_start3A_767, %dma_start3A_771, %dma_start3A_772] : memref<16x256x128xf32, #tpu.memory_space<vmem>> -> memref<1x256x128xf32, #tpu.memory_space<vmem>>
        %dma_start3A_774 = tpu.memref_squeeze %dma_start3A_773 : memref<1x256x128xf32, #tpu.memory_space<vmem>> -> memref<256x128xf32, #tpu.memory_space<vmem>>
        %dma_start3A_775 = arith.constant 0 : i32
        %dma_start3A_776 = tpu.memref_slice %arg0[%mul3A_766, %dma_start3A_775] : memref<100000x128xf32, #tpu.memory_space<any>> -> memref<256x128xf32, #tpu.memory_space<any>>
        tpu.enqueue_dma source(%dma_start3A_776 : memref<256x128xf32, #tpu.memory_space<any>>) target(%dma_start3A_774 : memref<256x128xf32, #tpu.memory_space<vmem>>) target_semaphore(%dma_start3A_770 : memref<!tpu.dma_semaphore, #tpu.memory_space<semaphore_mem>>)
      } else {
      }
      %mul3A_471 = arith.constant 16 : i32
      %mul3A_472 = arith.muli %scan3A_189, %mul3A_471 : i32
      %add3A_473 = arith.constant 8 : i32
      %add3A_474 = arith.addi %mul3A_472, %add3A_473 : i32
      %mul3A_475 = arith.constant 256 : i32
      %mul3A_476 = arith.muli %add3A_474, %mul3A_475 : i32
      %dma_wait3A_477 = arith.constant 8 : i32
      %dma_wait3A_478 = arith.constant 8 : i32
      %dma_wait3A_479 = tpu.memref_slice %arg4[%dma_wait3A_478] : memref<16x!tpu.dma_semaphore, #tpu.memory_space<semaphore_mem>> -> memref<1x!tpu.dma_semaphore, #tpu.memory_space<semaphore_mem>>
      %dma_wait3A_480 = tpu.memref_squeeze %dma_wait3A_479 : memref<1x!tpu.dma_semaphore, #tpu.memory_space<semaphore_mem>> -> memref<!tpu.dma_semaphore, #tpu.memory_space<semaphore_mem>>
      %dma_wait3A_481 = arith.constant 0 : i32
      %dma_wait3A_482 = arith.constant 0 : i32
      %dma_wait3A_483 = tpu.memref_slice %arg2[%dma_wait3A_477, %dma_wait3A_481, %dma_wait3A_482] : memref<16x256x128xf32, #tpu.memory_space<vmem>> -> memref<1x256x128xf32, #tpu.memory_space<vmem>>
      %dma_wait3A_484 = tpu.memref_squeeze %dma_wait3A_483 : memref<1x256x128xf32, #tpu.memory_space<vmem>> -> memref<256x128xf32, #tpu.memory_space<vmem>>
      %dma_wait3A_485 = arith.constant 0 : i32
      %dma_wait3A_486 = tpu.memref_slice %arg0[%mul3A_476, %dma_wait3A_485] : memref<100000x128xf32, #tpu.memory_space<any>> -> memref<256x128xf32, #tpu.memory_space<any>>
      tpu.wait_dma2 semaphore(%dma_wait3A_480 : memref<!tpu.dma_semaphore, #tpu.memory_space<semaphore_mem>>) src(%dma_wait3A_486 : memref<256x128xf32, #tpu.memory_space<any>>) dst(%dma_wait3A_484 : memref<256x128xf32, #tpu.memory_space<vmem>>)
      %get3A_487 = arith.constant 0 : index
      %get3A_488 = arith.constant 0 : index
      %get3A_489 = vector.load %arg3[%get3A_487, %get3A_488] : memref<8x128xf32, #tpu.memory_space<vmem>>, vector<8x128xf32>
      %get3A_490 = arith.constant 8 : index
      %get3A_491 = arith.constant 0 : index
      %get3A_492 = arith.constant 0 : index
      %get3A_493 = vector.load %arg2[%get3A_490, %get3A_491, %get3A_492] : memref<16x256x128xf32, #tpu.memory_space<vmem>>, vector<1x256x128xf32>
      %get3A_494 = vector.shape_cast %get3A_493 : vector<1x256x128xf32> to vector<256x128xf32>
      %reshape3A_495 = vector.shape_cast %get3A_494 : vector<256x128xf32> to vector<32x8x128xf32>
      %reduce_sum3A_496 = arith.constant dense<0.000000e+00> : vector<8x128xf32>
      %reduce_sum3A_497 = vector.multi_reduction <add>, %reshape3A_495, %reduce_sum3A_496 [0] : vector<32x8x128xf32> to vector<8x128xf32>
      %add3A_498 = arith.addf %get3A_489, %reduce_sum3A_497 : vector<8x128xf32>
      %swap3A_499 = arith.constant 0 : index
      %swap3A_500 = arith.constant 0 : index
      %swap3A_501 = vector.load %arg3[%swap3A_499, %swap3A_500] : memref<8x128xf32, #tpu.memory_space<vmem>>, vector<8x128xf32>
      tpu.vector_store %arg3[%swap3A_499, %swap3A_500], %add3A_498 {strides = array<i32>} : memref<8x128xf32, #tpu.memory_space<vmem>>, vector<8x128xf32>,
      %lt3A_502 = arith.constant 18 : i32
      %lt3A_503 = arith.cmpi slt, %scan3A_189, %lt3A_502 : i32
      %convert_element_type3A_504 = arith.extui %lt3A_503 : i1 to i32
      %cond3A_505 = arith.constant 0 : i32
      %cond3A_506 = arith.cmpi ne, %convert_element_type3A_504, %cond3A_505 : i32
      scf.if %cond3A_506 {
        %add3A_759 = arith.constant 1 : i32
        %add3A_760 = arith.addi %scan3A_189, %add3A_759 : i32
        %mul3A_761 = arith.constant 16 : i32
        %mul3A_762 = arith.muli %add3A_760, %mul3A_761 : i32
        %add3A_763 = arith.constant 8 : i32
        %add3A_764 = arith.addi %mul3A_762, %add3A_763 : i32
        %mul3A_765 = arith.constant 256 : i32
        %mul3A_766 = arith.muli %add3A_764, %mul3A_765 : i32
        %dma_start3A_767 = arith.constant 8 : i32
        %dma_start3A_768 = arith.constant 8 : i32
        %dma_start3A_769 = tpu.memref_slice %arg4[%dma_start3A_768] : memref<16x!tpu.dma_semaphore, #tpu.memory_space<semaphore_mem>> -> memref<1x!tpu.dma_semaphore, #tpu.memory_space<semaphore_mem>>
        %dma_start3A_770 = tpu.memref_squeeze %dma_start3A_769 : memref<1x!tpu.dma_semaphore, #tpu.memory_space<semaphore_mem>> -> memref<!tpu.dma_semaphore, #tpu.memory_space<semaphore_mem>>
        %dma_start3A_771 = arith.constant 0 : i32
        %dma_start3A_772 = arith.constant 0 : i32
        %dma_start3A_773 = tpu.memref_slice %arg2[%dma_start3A_767, %dma_start3A_771, %dma_start3A_772] : memref<16x256x128xf32, #tpu.memory_space<vmem>> -> memref<1x256x128xf32, #tpu.memory_space<vmem>>
        %dma_start3A_774 = tpu.memref_squeeze %dma_start3A_773 : memref<1x256x128xf32, #tpu.memory_space<vmem>> -> memref<256x128xf32, #tpu.memory_space<vmem>>
        %dma_start3A_775 = arith.constant 0 : i32
        %dma_start3A_776 = tpu.memref_slice %arg0[%mul3A_766, %dma_start3A_775] : memref<100000x128xf32, #tpu.memory_space<any>> -> memref<256x128xf32, #tpu.memory_space<any>>
        tpu.enqueue_dma source(%dma_start3A_776 : memref<256x128xf32, #tpu.memory_space<any>>) target(%dma_start3A_774 : memref<256x128xf32, #tpu.memory_space<vmem>>) target_semaphore(%dma_start3A_770 : memref<!tpu.dma_semaphore, #tpu.memory_space<semaphore_mem>>)
      } else {
      }
      %mul3A_507 = arith.constant 16 : i32
      %mul3A_508 = arith.muli %scan3A_189, %mul3A_507 : i32
      %add3A_509 = arith.constant 9 : i32
      %add3A_510 = arith.addi %mul3A_508, %add3A_509 : i32
      %mul3A_511 = arith.constant 256 : i32
      %mul3A_512 = arith.muli %add3A_510, %mul3A_511 : i32
      %dma_wait3A_513 = arith.constant 9 : i32
      %dma_wait3A_514 = arith.constant 9 : i32
      %dma_wait3A_515 = tpu.memref_slice %arg4[%dma_wait3A_514] : memref<16x!tpu.dma_semaphore, #tpu.memory_space<semaphore_mem>> -> memref<1x!tpu.dma_semaphore, #tpu.memory_space<semaphore_mem>>
      %dma_wait3A_516 = tpu.memref_squeeze %dma_wait3A_515 : memref<1x!tpu.dma_semaphore, #tpu.memory_space<semaphore_mem>> -> memref<!tpu.dma_semaphore, #tpu.memory_space<semaphore_mem>>
      %dma_wait3A_517 = arith.constant 0 : i32
      %dma_wait3A_518 = arith.constant 0 : i32
      %dma_wait3A_519 = tpu.memref_slice %arg2[%dma_wait3A_513, %dma_wait3A_517, %dma_wait3A_518] : memref<16x256x128xf32, #tpu.memory_space<vmem>> -> memref<1x256x128xf32, #tpu.memory_space<vmem>>
      %dma_wait3A_520 = tpu.memref_squeeze %dma_wait3A_519 : memref<1x256x128xf32, #tpu.memory_space<vmem>> -> memref<256x128xf32, #tpu.memory_space<vmem>>
      %dma_wait3A_521 = arith.constant 0 : i32
      %dma_wait3A_522 = tpu.memref_slice %arg0[%mul3A_512, %dma_wait3A_521] : memref<100000x128xf32, #tpu.memory_space<any>> -> memref<256x128xf32, #tpu.memory_space<any>>
      tpu.wait_dma2 semaphore(%dma_wait3A_516 : memref<!tpu.dma_semaphore, #tpu.memory_space<semaphore_mem>>) src(%dma_wait3A_522 : memref<256x128xf32, #tpu.memory_space<any>>) dst(%dma_wait3A_520 : memref<256x128xf32, #tpu.memory_space<vmem>>)
      %get3A_523 = arith.constant 0 : index
      %get3A_524 = arith.constant 0 : index
      %get3A_525 = vector.load %arg3[%get3A_523, %get3A_524] : memref<8x128xf32, #tpu.memory_space<vmem>>, vector<8x128xf32>
      %get3A_526 = arith.constant 9 : index
      %get3A_527 = arith.constant 0 : index
      %get3A_528 = arith.constant 0 : index
      %get3A_529 = vector.load %arg2[%get3A_526, %get3A_527, %get3A_528] : memref<16x256x128xf32, #tpu.memory_space<vmem>>, vector<1x256x128xf32>
      %get3A_530 = vector.shape_cast %get3A_529 : vector<1x256x128xf32> to vector<256x128xf32>
      %reshape3A_531 = vector.shape_cast %get3A_530 : vector<256x128xf32> to vector<32x8x128xf32>
      %reduce_sum3A_532 = arith.constant dense<0.000000e+00> : vector<8x128xf32>
      %reduce_sum3A_533 = vector.multi_reduction <add>, %reshape3A_531, %reduce_sum3A_532 [0] : vector<32x8x128xf32> to vector<8x128xf32>
      %add3A_534 = arith.addf %get3A_525, %reduce_sum3A_533 : vector<8x128xf32>
      %swap3A_535 = arith.constant 0 : index
      %swap3A_536 = arith.constant 0 : index
      %swap3A_537 = vector.load %arg3[%swap3A_535, %swap3A_536] : memref<8x128xf32, #tpu.memory_space<vmem>>, vector<8x128xf32>
      tpu.vector_store %arg3[%swap3A_535, %swap3A_536], %add3A_534 {strides = array<i32>} : memref<8x128xf32, #tpu.memory_space<vmem>>, vector<8x128xf32>,
      %lt3A_538 = arith.constant 18 : i32
      %lt3A_539 = arith.cmpi slt, %scan3A_189, %lt3A_538 : i32
      %convert_element_type3A_540 = arith.extui %lt3A_539 : i1 to i32
      %cond3A_541 = arith.constant 0 : i32
      %cond3A_542 = arith.cmpi ne, %convert_element_type3A_540, %cond3A_541 : i32
      scf.if %cond3A_542 {
        %add3A_759 = arith.constant 1 : i32
        %add3A_760 = arith.addi %scan3A_189, %add3A_759 : i32
        %mul3A_761 = arith.constant 16 : i32
        %mul3A_762 = arith.muli %add3A_760, %mul3A_761 : i32
        %add3A_763 = arith.constant 9 : i32
        %add3A_764 = arith.addi %mul3A_762, %add3A_763 : i32
        %mul3A_765 = arith.constant 256 : i32
        %mul3A_766 = arith.muli %add3A_764, %mul3A_765 : i32
        %dma_start3A_767 = arith.constant 9 : i32
        %dma_start3A_768 = arith.constant 9 : i32
        %dma_start3A_769 = tpu.memref_slice %arg4[%dma_start3A_768] : memref<16x!tpu.dma_semaphore, #tpu.memory_space<semaphore_mem>> -> memref<1x!tpu.dma_semaphore, #tpu.memory_space<semaphore_mem>>
        %dma_start3A_770 = tpu.memref_squeeze %dma_start3A_769 : memref<1x!tpu.dma_semaphore, #tpu.memory_space<semaphore_mem>> -> memref<!tpu.dma_semaphore, #tpu.memory_space<semaphore_mem>>
        %dma_start3A_771 = arith.constant 0 : i32
        %dma_start3A_772 = arith.constant 0 : i32
        %dma_start3A_773 = tpu.memref_slice %arg2[%dma_start3A_767, %dma_start3A_771, %dma_start3A_772] : memref<16x256x128xf32, #tpu.memory_space<vmem>> -> memref<1x256x128xf32, #tpu.memory_space<vmem>>
        %dma_start3A_774 = tpu.memref_squeeze %dma_start3A_773 : memref<1x256x128xf32, #tpu.memory_space<vmem>> -> memref<256x128xf32, #tpu.memory_space<vmem>>
        %dma_start3A_775 = arith.constant 0 : i32
        %dma_start3A_776 = tpu.memref_slice %arg0[%mul3A_766, %dma_start3A_775] : memref<100000x128xf32, #tpu.memory_space<any>> -> memref<256x128xf32, #tpu.memory_space<any>>
        tpu.enqueue_dma source(%dma_start3A_776 : memref<256x128xf32, #tpu.memory_space<any>>) target(%dma_start3A_774 : memref<256x128xf32, #tpu.memory_space<vmem>>) target_semaphore(%dma_start3A_770 : memref<!tpu.dma_semaphore, #tpu.memory_space<semaphore_mem>>)
      } else {
      }
      %mul3A_543 = arith.constant 16 : i32
      %mul3A_544 = arith.muli %scan3A_189, %mul3A_543 : i32
      %add3A_545 = arith.constant 10 : i32
      %add3A_546 = arith.addi %mul3A_544, %add3A_545 : i32
      %mul3A_547 = arith.constant 256 : i32
      %mul3A_548 = arith.muli %add3A_546, %mul3A_547 : i32
      %dma_wait3A_549 = arith.constant 10 : i32
      %dma_wait3A_550 = arith.constant 10 : i32
      %dma_wait3A_551 = tpu.memref_slice %arg4[%dma_wait3A_550] : memref<16x!tpu.dma_semaphore, #tpu.memory_space<semaphore_mem>> -> memref<1x!tpu.dma_semaphore, #tpu.memory_space<semaphore_mem>>
      %dma_wait3A_552 = tpu.memref_squeeze %dma_wait3A_551 : memref<1x!tpu.dma_semaphore, #tpu.memory_space<semaphore_mem>> -> memref<!tpu.dma_semaphore, #tpu.memory_space<semaphore_mem>>
      %dma_wait3A_553 = arith.constant 0 : i32
      %dma_wait3A_554 = arith.constant 0 : i32
      %dma_wait3A_555 = tpu.memref_slice %arg2[%dma_wait3A_549, %dma_wait3A_553, %dma_wait3A_554] : memref<16x256x128xf32, #tpu.memory_space<vmem>> -> memref<1x256x128xf32, #tpu.memory_space<vmem>>
      %dma_wait3A_556 = tpu.memref_squeeze %dma_wait3A_555 : memref<1x256x128xf32, #tpu.memory_space<vmem>> -> memref<256x128xf32, #tpu.memory_space<vmem>>
      %dma_wait3A_557 = arith.constant 0 : i32
      %dma_wait3A_558 = tpu.memref_slice %arg0[%mul3A_548, %dma_wait3A_557] : memref<100000x128xf32, #tpu.memory_space<any>> -> memref<256x128xf32, #tpu.memory_space<any>>
      tpu.wait_dma2 semaphore(%dma_wait3A_552 : memref<!tpu.dma_semaphore, #tpu.memory_space<semaphore_mem>>) src(%dma_wait3A_558 : memref<256x128xf32, #tpu.memory_space<any>>) dst(%dma_wait3A_556 : memref<256x128xf32, #tpu.memory_space<vmem>>)
      %get3A_559 = arith.constant 0 : index
      %get3A_560 = arith.constant 0 : index
      %get3A_561 = vector.load %arg3[%get3A_559, %get3A_560] : memref<8x128xf32, #tpu.memory_space<vmem>>, vector<8x128xf32>
      %get3A_562 = arith.constant 10 : index
      %get3A_563 = arith.constant 0 : index
      %get3A_564 = arith.constant 0 : index
      %get3A_565 = vector.load %arg2[%get3A_562, %get3A_563, %get3A_564] : memref<16x256x128xf32, #tpu.memory_space<vmem>>, vector<1x256x128xf32>
      %get3A_566 = vector.shape_cast %get3A_565 : vector<1x256x128xf32> to vector<256x128xf32>
      %reshape3A_567 = vector.shape_cast %get3A_566 : vector<256x128xf32> to vector<32x8x128xf32>
      %reduce_sum3A_568 = arith.constant dense<0.000000e+00> : vector<8x128xf32>
      %reduce_sum3A_569 = vector.multi_reduction <add>, %reshape3A_567, %reduce_sum3A_568 [0] : vector<32x8x128xf32> to vector<8x128xf32>
      %add3A_570 = arith.addf %get3A_561, %reduce_sum3A_569 : vector<8x128xf32>
      %swap3A_571 = arith.constant 0 : index
      %swap3A_572 = arith.constant 0 : index
      %swap3A_573 = vector.load %arg3[%swap3A_571, %swap3A_572] : memref<8x128xf32, #tpu.memory_space<vmem>>, vector<8x128xf32>
      tpu.vector_store %arg3[%swap3A_571, %swap3A_572], %add3A_570 {strides = array<i32>} : memref<8x128xf32, #tpu.memory_space<vmem>>, vector<8x128xf32>,
      %lt3A_574 = arith.constant 18 : i32
      %lt3A_575 = arith.cmpi slt, %scan3A_189, %lt3A_574 : i32
      %convert_element_type3A_576 = arith.extui %lt3A_575 : i1 to i32
      %cond3A_577 = arith.constant 0 : i32
      %cond3A_578 = arith.cmpi ne, %convert_element_type3A_576, %cond3A_577 : i32
      scf.if %cond3A_578 {
        %add3A_759 = arith.constant 1 : i32
        %add3A_760 = arith.addi %scan3A_189, %add3A_759 : i32
        %mul3A_761 = arith.constant 16 : i32
        %mul3A_762 = arith.muli %add3A_760, %mul3A_761 : i32
        %add3A_763 = arith.constant 10 : i32
        %add3A_764 = arith.addi %mul3A_762, %add3A_763 : i32
        %mul3A_765 = arith.constant 256 : i32
        %mul3A_766 = arith.muli %add3A_764, %mul3A_765 : i32
        %dma_start3A_767 = arith.constant 10 : i32
        %dma_start3A_768 = arith.constant 10 : i32
        %dma_start3A_769 = tpu.memref_slice %arg4[%dma_start3A_768] : memref<16x!tpu.dma_semaphore, #tpu.memory_space<semaphore_mem>> -> memref<1x!tpu.dma_semaphore, #tpu.memory_space<semaphore_mem>>
        %dma_start3A_770 = tpu.memref_squeeze %dma_start3A_769 : memref<1x!tpu.dma_semaphore, #tpu.memory_space<semaphore_mem>> -> memref<!tpu.dma_semaphore, #tpu.memory_space<semaphore_mem>>
        %dma_start3A_771 = arith.constant 0 : i32
        %dma_start3A_772 = arith.constant 0 : i32
        %dma_start3A_773 = tpu.memref_slice %arg2[%dma_start3A_767, %dma_start3A_771, %dma_start3A_772] : memref<16x256x128xf32, #tpu.memory_space<vmem>> -> memref<1x256x128xf32, #tpu.memory_space<vmem>>
        %dma_start3A_774 = tpu.memref_squeeze %dma_start3A_773 : memref<1x256x128xf32, #tpu.memory_space<vmem>> -> memref<256x128xf32, #tpu.memory_space<vmem>>
        %dma_start3A_775 = arith.constant 0 : i32
        %dma_start3A_776 = tpu.memref_slice %arg0[%mul3A_766, %dma_start3A_775] : memref<100000x128xf32, #tpu.memory_space<any>> -> memref<256x128xf32, #tpu.memory_space<any>>
        tpu.enqueue_dma source(%dma_start3A_776 : memref<256x128xf32, #tpu.memory_space<any>>) target(%dma_start3A_774 : memref<256x128xf32, #tpu.memory_space<vmem>>) target_semaphore(%dma_start3A_770 : memref<!tpu.dma_semaphore, #tpu.memory_space<semaphore_mem>>)
      } else {
      }
      %mul3A_579 = arith.constant 16 : i32
      %mul3A_580 = arith.muli %scan3A_189, %mul3A_579 : i32
      %add3A_581 = arith.constant 11 : i32
      %add3A_582 = arith.addi %mul3A_580, %add3A_581 : i32
      %mul3A_583 = arith.constant 256 : i32
      %mul3A_584 = arith.muli %add3A_582, %mul3A_583 : i32
      %dma_wait3A_585 = arith.constant 11 : i32
      %dma_wait3A_586 = arith.constant 11 : i32
      %dma_wait3A_587 = tpu.memref_slice %arg4[%dma_wait3A_586] : memref<16x!tpu.dma_semaphore, #tpu.memory_space<semaphore_mem>> -> memref<1x!tpu.dma_semaphore, #tpu.memory_space<semaphore_mem>>
      %dma_wait3A_588 = tpu.memref_squeeze %dma_wait3A_587 : memref<1x!tpu.dma_semaphore, #tpu.memory_space<semaphore_mem>> -> memref<!tpu.dma_semaphore, #tpu.memory_space<semaphore_mem>>
      %dma_wait3A_589 = arith.constant 0 : i32
      %dma_wait3A_590 = arith.constant 0 : i32
      %dma_wait3A_591 = tpu.memref_slice %arg2[%dma_wait3A_585, %dma_wait3A_589, %dma_wait3A_590] : memref<16x256x128xf32, #tpu.memory_space<vmem>> -> memref<1x256x128xf32, #tpu.memory_space<vmem>>
      %dma_wait3A_592 = tpu.memref_squeeze %dma_wait3A_591 : memref<1x256x128xf32, #tpu.memory_space<vmem>> -> memref<256x128xf32, #tpu.memory_space<vmem>>
      %dma_wait3A_593 = arith.constant 0 : i32
      %dma_wait3A_594 = tpu.memref_slice %arg0[%mul3A_584, %dma_wait3A_593] : memref<100000x128xf32, #tpu.memory_space<any>> -> memref<256x128xf32, #tpu.memory_space<any>>
      tpu.wait_dma2 semaphore(%dma_wait3A_588 : memref<!tpu.dma_semaphore, #tpu.memory_space<semaphore_mem>>) src(%dma_wait3A_594 : memref<256x128xf32, #tpu.memory_space<any>>) dst(%dma_wait3A_592 : memref<256x128xf32, #tpu.memory_space<vmem>>)
      %get3A_595 = arith.constant 0 : index
      %get3A_596 = arith.constant 0 : index
      %get3A_597 = vector.load %arg3[%get3A_595, %get3A_596] : memref<8x128xf32, #tpu.memory_space<vmem>>, vector<8x128xf32>
      %get3A_598 = arith.constant 11 : index
      %get3A_599 = arith.constant 0 : index
      %get3A_600 = arith.constant 0 : index
      %get3A_601 = vector.load %arg2[%get3A_598, %get3A_599, %get3A_600] : memref<16x256x128xf32, #tpu.memory_space<vmem>>, vector<1x256x128xf32>
      %get3A_602 = vector.shape_cast %get3A_601 : vector<1x256x128xf32> to vector<256x128xf32>
      %reshape3A_603 = vector.shape_cast %get3A_602 : vector<256x128xf32> to vector<32x8x128xf32>
      %reduce_sum3A_604 = arith.constant dense<0.000000e+00> : vector<8x128xf32>
      %reduce_sum3A_605 = vector.multi_reduction <add>, %reshape3A_603, %reduce_sum3A_604 [0] : vector<32x8x128xf32> to vector<8x128xf32>
      %add3A_606 = arith.addf %get3A_597, %reduce_sum3A_605 : vector<8x128xf32>
      %swap3A_607 = arith.constant 0 : index
      %swap3A_608 = arith.constant 0 : index
      %swap3A_609 = vector.load %arg3[%swap3A_607, %swap3A_608] : memref<8x128xf32, #tpu.memory_space<vmem>>, vector<8x128xf32>
      tpu.vector_store %arg3[%swap3A_607, %swap3A_608], %add3A_606 {strides = array<i32>} : memref<8x128xf32, #tpu.memory_space<vmem>>, vector<8x128xf32>,
      %lt3A_610 = arith.constant 18 : i32
      %lt3A_611 = arith.cmpi slt, %scan3A_189, %lt3A_610 : i32
      %convert_element_type3A_612 = arith.extui %lt3A_611 : i1 to i32
      %cond3A_613 = arith.constant 0 : i32
      %cond3A_614 = arith.cmpi ne, %convert_element_type3A_612, %cond3A_613 : i32
      scf.if %cond3A_614 {
        %add3A_759 = arith.constant 1 : i32
        %add3A_760 = arith.addi %scan3A_189, %add3A_759 : i32
        %mul3A_761 = arith.constant 16 : i32
        %mul3A_762 = arith.muli %add3A_760, %mul3A_761 : i32
        %add3A_763 = arith.constant 11 : i32
        %add3A_764 = arith.addi %mul3A_762, %add3A_763 : i32
        %mul3A_765 = arith.constant 256 : i32
        %mul3A_766 = arith.muli %add3A_764, %mul3A_765 : i32
        %dma_start3A_767 = arith.constant 11 : i32
        %dma_start3A_768 = arith.constant 11 : i32
        %dma_start3A_769 = tpu.memref_slice %arg4[%dma_start3A_768] : memref<16x!tpu.dma_semaphore, #tpu.memory_space<semaphore_mem>> -> memref<1x!tpu.dma_semaphore, #tpu.memory_space<semaphore_mem>>
        %dma_start3A_770 = tpu.memref_squeeze %dma_start3A_769 : memref<1x!tpu.dma_semaphore, #tpu.memory_space<semaphore_mem>> -> memref<!tpu.dma_semaphore, #tpu.memory_space<semaphore_mem>>
        %dma_start3A_771 = arith.constant 0 : i32
        %dma_start3A_772 = arith.constant 0 : i32
        %dma_start3A_773 = tpu.memref_slice %arg2[%dma_start3A_767, %dma_start3A_771, %dma_start3A_772] : memref<16x256x128xf32, #tpu.memory_space<vmem>> -> memref<1x256x128xf32, #tpu.memory_space<vmem>>
        %dma_start3A_774 = tpu.memref_squeeze %dma_start3A_773 : memref<1x256x128xf32, #tpu.memory_space<vmem>> -> memref<256x128xf32, #tpu.memory_space<vmem>>
        %dma_start3A_775 = arith.constant 0 : i32
        %dma_start3A_776 = tpu.memref_slice %arg0[%mul3A_766, %dma_start3A_775] : memref<100000x128xf32, #tpu.memory_space<any>> -> memref<256x128xf32, #tpu.memory_space<any>>
        tpu.enqueue_dma source(%dma_start3A_776 : memref<256x128xf32, #tpu.memory_space<any>>) target(%dma_start3A_774 : memref<256x128xf32, #tpu.memory_space<vmem>>) target_semaphore(%dma_start3A_770 : memref<!tpu.dma_semaphore, #tpu.memory_space<semaphore_mem>>)
      } else {
      }
      %mul3A_615 = arith.constant 16 : i32
      %mul3A_616 = arith.muli %scan3A_189, %mul3A_615 : i32
      %add3A_617 = arith.constant 12 : i32
      %add3A_618 = arith.addi %mul3A_616, %add3A_617 : i32
      %mul3A_619 = arith.constant 256 : i32
      %mul3A_620 = arith.muli %add3A_618, %mul3A_619 : i32
      %dma_wait3A_621 = arith.constant 12 : i32
      %dma_wait3A_622 = arith.constant 12 : i32
      %dma_wait3A_623 = tpu.memref_slice %arg4[%dma_wait3A_622] : memref<16x!tpu.dma_semaphore, #tpu.memory_space<semaphore_mem>> -> memref<1x!tpu.dma_semaphore, #tpu.memory_space<semaphore_mem>>
      %dma_wait3A_624 = tpu.memref_squeeze %dma_wait3A_623 : memref<1x!tpu.dma_semaphore, #tpu.memory_space<semaphore_mem>> -> memref<!tpu.dma_semaphore, #tpu.memory_space<semaphore_mem>>
      %dma_wait3A_625 = arith.constant 0 : i32
      %dma_wait3A_626 = arith.constant 0 : i32
      %dma_wait3A_627 = tpu.memref_slice %arg2[%dma_wait3A_621, %dma_wait3A_625, %dma_wait3A_626] : memref<16x256x128xf32, #tpu.memory_space<vmem>> -> memref<1x256x128xf32, #tpu.memory_space<vmem>>
      %dma_wait3A_628 = tpu.memref_squeeze %dma_wait3A_627 : memref<1x256x128xf32, #tpu.memory_space<vmem>> -> memref<256x128xf32, #tpu.memory_space<vmem>>
      %dma_wait3A_629 = arith.constant 0 : i32
      %dma_wait3A_630 = tpu.memref_slice %arg0[%mul3A_620, %dma_wait3A_629] : memref<100000x128xf32, #tpu.memory_space<any>> -> memref<256x128xf32, #tpu.memory_space<any>>
      tpu.wait_dma2 semaphore(%dma_wait3A_624 : memref<!tpu.dma_semaphore, #tpu.memory_space<semaphore_mem>>) src(%dma_wait3A_630 : memref<256x128xf32, #tpu.memory_space<any>>) dst(%dma_wait3A_628 : memref<256x128xf32, #tpu.memory_space<vmem>>)
      %get3A_631 = arith.constant 0 : index
      %get3A_632 = arith.constant 0 : index
      %get3A_633 = vector.load %arg3[%get3A_631, %get3A_632] : memref<8x128xf32, #tpu.memory_space<vmem>>, vector<8x128xf32>
      %get3A_634 = arith.constant 12 : index
      %get3A_635 = arith.constant 0 : index
      %get3A_636 = arith.constant 0 : index
      %get3A_637 = vector.load %arg2[%get3A_634, %get3A_635, %get3A_636] : memref<16x256x128xf32, #tpu.memory_space<vmem>>, vector<1x256x128xf32>
      %get3A_638 = vector.shape_cast %get3A_637 : vector<1x256x128xf32> to vector<256x128xf32>
      %reshape3A_639 = vector.shape_cast %get3A_638 : vector<256x128xf32> to vector<32x8x128xf32>
      %reduce_sum3A_640 = arith.constant dense<0.000000e+00> : vector<8x128xf32>
      %reduce_sum3A_641 = vector.multi_reduction <add>, %reshape3A_639, %reduce_sum3A_640 [0] : vector<32x8x128xf32> to vector<8x128xf32>
      %add3A_642 = arith.addf %get3A_633, %reduce_sum3A_641 : vector<8x128xf32>
      %swap3A_643 = arith.constant 0 : index
      %swap3A_644 = arith.constant 0 : index
      %swap3A_645 = vector.load %arg3[%swap3A_643, %swap3A_644] : memref<8x128xf32, #tpu.memory_space<vmem>>, vector<8x128xf32>
      tpu.vector_store %arg3[%swap3A_643, %swap3A_644], %add3A_642 {strides = array<i32>} : memref<8x128xf32, #tpu.memory_space<vmem>>, vector<8x128xf32>,
      %lt3A_646 = arith.constant 18 : i32
      %lt3A_647 = arith.cmpi slt, %scan3A_189, %lt3A_646 : i32
      %convert_element_type3A_648 = arith.extui %lt3A_647 : i1 to i32
      %cond3A_649 = arith.constant 0 : i32
      %cond3A_650 = arith.cmpi ne, %convert_element_type3A_648, %cond3A_649 : i32
      scf.if %cond3A_650 {
        %add3A_759 = arith.constant 1 : i32
        %add3A_760 = arith.addi %scan3A_189, %add3A_759 : i32
        %mul3A_761 = arith.constant 16 : i32
        %mul3A_762 = arith.muli %add3A_760, %mul3A_761 : i32
        %add3A_763 = arith.constant 12 : i32
        %add3A_764 = arith.addi %mul3A_762, %add3A_763 : i32
        %mul3A_765 = arith.constant 256 : i32
        %mul3A_766 = arith.muli %add3A_764, %mul3A_765 : i32
        %dma_start3A_767 = arith.constant 12 : i32
        %dma_start3A_768 = arith.constant 12 : i32
        %dma_start3A_769 = tpu.memref_slice %arg4[%dma_start3A_768] : memref<16x!tpu.dma_semaphore, #tpu.memory_space<semaphore_mem>> -> memref<1x!tpu.dma_semaphore, #tpu.memory_space<semaphore_mem>>
        %dma_start3A_770 = tpu.memref_squeeze %dma_start3A_769 : memref<1x!tpu.dma_semaphore, #tpu.memory_space<semaphore_mem>> -> memref<!tpu.dma_semaphore, #tpu.memory_space<semaphore_mem>>
        %dma_start3A_771 = arith.constant 0 : i32
        %dma_start3A_772 = arith.constant 0 : i32
        %dma_start3A_773 = tpu.memref_slice %arg2[%dma_start3A_767, %dma_start3A_771, %dma_start3A_772] : memref<16x256x128xf32, #tpu.memory_space<vmem>> -> memref<1x256x128xf32, #tpu.memory_space<vmem>>
        %dma_start3A_774 = tpu.memref_squeeze %dma_start3A_773 : memref<1x256x128xf32, #tpu.memory_space<vmem>> -> memref<256x128xf32, #tpu.memory_space<vmem>>
        %dma_start3A_775 = arith.constant 0 : i32
        %dma_start3A_776 = tpu.memref_slice %arg0[%mul3A_766, %dma_start3A_775] : memref<100000x128xf32, #tpu.memory_space<any>> -> memref<256x128xf32, #tpu.memory_space<any>>
        tpu.enqueue_dma source(%dma_start3A_776 : memref<256x128xf32, #tpu.memory_space<any>>) target(%dma_start3A_774 : memref<256x128xf32, #tpu.memory_space<vmem>>) target_semaphore(%dma_start3A_770 : memref<!tpu.dma_semaphore, #tpu.memory_space<semaphore_mem>>)
      } else {
      }
      %mul3A_651 = arith.constant 16 : i32
      %mul3A_652 = arith.muli %scan3A_189, %mul3A_651 : i32
      %add3A_653 = arith.constant 13 : i32
      %add3A_654 = arith.addi %mul3A_652, %add3A_653 : i32
      %mul3A_655 = arith.constant 256 : i32
      %mul3A_656 = arith.muli %add3A_654, %mul3A_655 : i32
      %dma_wait3A_657 = arith.constant 13 : i32
      %dma_wait3A_658 = arith.constant 13 : i32
      %dma_wait3A_659 = tpu.memref_slice %arg4[%dma_wait3A_658] : memref<16x!tpu.dma_semaphore, #tpu.memory_space<semaphore_mem>> -> memref<1x!tpu.dma_semaphore, #tpu.memory_space<semaphore_mem>>
      %dma_wait3A_660 = tpu.memref_squeeze %dma_wait3A_659 : memref<1x!tpu.dma_semaphore, #tpu.memory_space<semaphore_mem>> -> memref<!tpu.dma_semaphore, #tpu.memory_space<semaphore_mem>>
      %dma_wait3A_661 = arith.constant 0 : i32
      %dma_wait3A_662 = arith.constant 0 : i32
      %dma_wait3A_663 = tpu.memref_slice %arg2[%dma_wait3A_657, %dma_wait3A_661, %dma_wait3A_662] : memref<16x256x128xf32, #tpu.memory_space<vmem>> -> memref<1x256x128xf32, #tpu.memory_space<vmem>>
      %dma_wait3A_664 = tpu.memref_squeeze %dma_wait3A_663 : memref<1x256x128xf32, #tpu.memory_space<vmem>> -> memref<256x128xf32, #tpu.memory_space<vmem>>
      %dma_wait3A_665 = arith.constant 0 : i32
      %dma_wait3A_666 = tpu.memref_slice %arg0[%mul3A_656, %dma_wait3A_665] : memref<100000x128xf32, #tpu.memory_space<any>> -> memref<256x128xf32, #tpu.memory_space<any>>
      tpu.wait_dma2 semaphore(%dma_wait3A_660 : memref<!tpu.dma_semaphore, #tpu.memory_space<semaphore_mem>>) src(%dma_wait3A_666 : memref<256x128xf32, #tpu.memory_space<any>>) dst(%dma_wait3A_664 : memref<256x128xf32, #tpu.memory_space<vmem>>)
      %get3A_667 = arith.constant 0 : index
      %get3A_668 = arith.constant 0 : index
      %get3A_669 = vector.load %arg3[%get3A_667, %get3A_668] : memref<8x128xf32, #tpu.memory_space<vmem>>, vector<8x128xf32>
      %get3A_670 = arith.constant 13 : index
      %get3A_671 = arith.constant 0 : index
      %get3A_672 = arith.constant 0 : index
      %get3A_673 = vector.load %arg2[%get3A_670, %get3A_671, %get3A_672] : memref<16x256x128xf32, #tpu.memory_space<vmem>>, vector<1x256x128xf32>
      %get3A_674 = vector.shape_cast %get3A_673 : vector<1x256x128xf32> to vector<256x128xf32>
      %reshape3A_675 = vector.shape_cast %get3A_674 : vector<256x128xf32> to vector<32x8x128xf32>
      %reduce_sum3A_676 = arith.constant dense<0.000000e+00> : vector<8x128xf32>
      %reduce_sum3A_677 = vector.multi_reduction <add>, %reshape3A_675, %reduce_sum3A_676 [0] : vector<32x8x128xf32> to vector<8x128xf32>
      %add3A_678 = arith.addf %get3A_669, %reduce_sum3A_677 : vector<8x128xf32>
      %swap3A_679 = arith.constant 0 : index
      %swap3A_680 = arith.constant 0 : index
      %swap3A_681 = vector.load %arg3[%swap3A_679, %swap3A_680] : memref<8x128xf32, #tpu.memory_space<vmem>>, vector<8x128xf32>
      tpu.vector_store %arg3[%swap3A_679, %swap3A_680], %add3A_678 {strides = array<i32>} : memref<8x128xf32, #tpu.memory_space<vmem>>, vector<8x128xf32>,
      %lt3A_682 = arith.constant 18 : i32
      %lt3A_683 = arith.cmpi slt, %scan3A_189, %lt3A_682 : i32
      %convert_element_type3A_684 = arith.extui %lt3A_683 : i1 to i32
      %cond3A_685 = arith.constant 0 : i32
      %cond3A_686 = arith.cmpi ne, %convert_element_type3A_684, %cond3A_685 : i32
      scf.if %cond3A_686 {
        %add3A_759 = arith.constant 1 : i32
        %add3A_760 = arith.addi %scan3A_189, %add3A_759 : i32
        %mul3A_761 = arith.constant 16 : i32
        %mul3A_762 = arith.muli %add3A_760, %mul3A_761 : i32
        %add3A_763 = arith.constant 13 : i32
        %add3A_764 = arith.addi %mul3A_762, %add3A_763 : i32
        %mul3A_765 = arith.constant 256 : i32
        %mul3A_766 = arith.muli %add3A_764, %mul3A_765 : i32
        %dma_start3A_767 = arith.constant 13 : i32
        %dma_start3A_768 = arith.constant 13 : i32
        %dma_start3A_769 = tpu.memref_slice %arg4[%dma_start3A_768] : memref<16x!tpu.dma_semaphore, #tpu.memory_space<semaphore_mem>> -> memref<1x!tpu.dma_semaphore, #tpu.memory_space<semaphore_mem>>
        %dma_start3A_770 = tpu.memref_squeeze %dma_start3A_769 : memref<1x!tpu.dma_semaphore, #tpu.memory_space<semaphore_mem>> -> memref<!tpu.dma_semaphore, #tpu.memory_space<semaphore_mem>>
        %dma_start3A_771 = arith.constant 0 : i32
        %dma_start3A_772 = arith.constant 0 : i32
        %dma_start3A_773 = tpu.memref_slice %arg2[%dma_start3A_767, %dma_start3A_771, %dma_start3A_772] : memref<16x256x128xf32, #tpu.memory_space<vmem>> -> memref<1x256x128xf32, #tpu.memory_space<vmem>>
        %dma_start3A_774 = tpu.memref_squeeze %dma_start3A_773 : memref<1x256x128xf32, #tpu.memory_space<vmem>> -> memref<256x128xf32, #tpu.memory_space<vmem>>
        %dma_start3A_775 = arith.constant 0 : i32
        %dma_start3A_776 = tpu.memref_slice %arg0[%mul3A_766, %dma_start3A_775] : memref<100000x128xf32, #tpu.memory_space<any>> -> memref<256x128xf32, #tpu.memory_space<any>>
        tpu.enqueue_dma source(%dma_start3A_776 : memref<256x128xf32, #tpu.memory_space<any>>) target(%dma_start3A_774 : memref<256x128xf32, #tpu.memory_space<vmem>>) target_semaphore(%dma_start3A_770 : memref<!tpu.dma_semaphore, #tpu.memory_space<semaphore_mem>>)
      } else {
      }
      %mul3A_687 = arith.constant 16 : i32
      %mul3A_688 = arith.muli %scan3A_189, %mul3A_687 : i32
      %add3A_689 = arith.constant 14 : i32
      %add3A_690 = arith.addi %mul3A_688, %add3A_689 : i32
      %mul3A_691 = arith.constant 256 : i32
      %mul3A_692 = arith.muli %add3A_690, %mul3A_691 : i32
      %dma_wait3A_693 = arith.constant 14 : i32
      %dma_wait3A_694 = arith.constant 14 : i32
      %dma_wait3A_695 = tpu.memref_slice %arg4[%dma_wait3A_694] : memref<16x!tpu.dma_semaphore, #tpu.memory_space<semaphore_mem>> -> memref<1x!tpu.dma_semaphore, #tpu.memory_space<semaphore_mem>>
      %dma_wait3A_696 = tpu.memref_squeeze %dma_wait3A_695 : memref<1x!tpu.dma_semaphore, #tpu.memory_space<semaphore_mem>> -> memref<!tpu.dma_semaphore, #tpu.memory_space<semaphore_mem>>
      %dma_wait3A_697 = arith.constant 0 : i32
      %dma_wait3A_698 = arith.constant 0 : i32
      %dma_wait3A_699 = tpu.memref_slice %arg2[%dma_wait3A_693, %dma_wait3A_697, %dma_wait3A_698] : memref<16x256x128xf32, #tpu.memory_space<vmem>> -> memref<1x256x128xf32, #tpu.memory_space<vmem>>
      %dma_wait3A_700 = tpu.memref_squeeze %dma_wait3A_699 : memref<1x256x128xf32, #tpu.memory_space<vmem>> -> memref<256x128xf32, #tpu.memory_space<vmem>>
      %dma_wait3A_701 = arith.constant 0 : i32
      %dma_wait3A_702 = tpu.memref_slice %arg0[%mul3A_692, %dma_wait3A_701] : memref<100000x128xf32, #tpu.memory_space<any>> -> memref<256x128xf32, #tpu.memory_space<any>>
      tpu.wait_dma2 semaphore(%dma_wait3A_696 : memref<!tpu.dma_semaphore, #tpu.memory_space<semaphore_mem>>) src(%dma_wait3A_702 : memref<256x128xf32, #tpu.memory_space<any>>) dst(%dma_wait3A_700 : memref<256x128xf32, #tpu.memory_space<vmem>>)
      %get3A_703 = arith.constant 0 : index
      %get3A_704 = arith.constant 0 : index
      %get3A_705 = vector.load %arg3[%get3A_703, %get3A_704] : memref<8x128xf32, #tpu.memory_space<vmem>>, vector<8x128xf32>
      %get3A_706 = arith.constant 14 : index
      %get3A_707 = arith.constant 0 : index
      %get3A_708 = arith.constant 0 : index
      %get3A_709 = vector.load %arg2[%get3A_706, %get3A_707, %get3A_708] : memref<16x256x128xf32, #tpu.memory_space<vmem>>, vector<1x256x128xf32>
      %get3A_710 = vector.shape_cast %get3A_709 : vector<1x256x128xf32> to vector<256x128xf32>
      %reshape3A_711 = vector.shape_cast %get3A_710 : vector<256x128xf32> to vector<32x8x128xf32>
      %reduce_sum3A_712 = arith.constant dense<0.000000e+00> : vector<8x128xf32>
      %reduce_sum3A_713 = vector.multi_reduction <add>, %reshape3A_711, %reduce_sum3A_712 [0] : vector<32x8x128xf32> to vector<8x128xf32>
      %add3A_714 = arith.addf %get3A_705, %reduce_sum3A_713 : vector<8x128xf32>
      %swap3A_715 = arith.constant 0 : index
      %swap3A_716 = arith.constant 0 : index
      %swap3A_717 = vector.load %arg3[%swap3A_715, %swap3A_716] : memref<8x128xf32, #tpu.memory_space<vmem>>, vector<8x128xf32>
      tpu.vector_store %arg3[%swap3A_715, %swap3A_716], %add3A_714 {strides = array<i32>} : memref<8x128xf32, #tpu.memory_space<vmem>>, vector<8x128xf32>,
      %lt3A_718 = arith.constant 18 : i32
      %lt3A_719 = arith.cmpi slt, %scan3A_189, %lt3A_718 : i32
      %convert_element_type3A_720 = arith.extui %lt3A_719 : i1 to i32
      %cond3A_721 = arith.constant 0 : i32
      %cond3A_722 = arith.cmpi ne, %convert_element_type3A_720, %cond3A_721 : i32
      scf.if %cond3A_722 {
        %add3A_759 = arith.constant 1 : i32
        %add3A_760 = arith.addi %scan3A_189, %add3A_759 : i32
        %mul3A_761 = arith.constant 16 : i32
        %mul3A_762 = arith.muli %add3A_760, %mul3A_761 : i32
        %add3A_763 = arith.constant 14 : i32
        %add3A_764 = arith.addi %mul3A_762, %add3A_763 : i32
        %mul3A_765 = arith.constant 256 : i32
        %mul3A_766 = arith.muli %add3A_764, %mul3A_765 : i32
        %dma_start3A_767 = arith.constant 14 : i32
        %dma_start3A_768 = arith.constant 14 : i32
        %dma_start3A_769 = tpu.memref_slice %arg4[%dma_start3A_768] : memref<16x!tpu.dma_semaphore, #tpu.memory_space<semaphore_mem>> -> memref<1x!tpu.dma_semaphore, #tpu.memory_space<semaphore_mem>>
        %dma_start3A_770 = tpu.memref_squeeze %dma_start3A_769 : memref<1x!tpu.dma_semaphore, #tpu.memory_space<semaphore_mem>> -> memref<!tpu.dma_semaphore, #tpu.memory_space<semaphore_mem>>
        %dma_start3A_771 = arith.constant 0 : i32
        %dma_start3A_772 = arith.constant 0 : i32
        %dma_start3A_773 = tpu.memref_slice %arg2[%dma_start3A_767, %dma_start3A_771, %dma_start3A_772] : memref<16x256x128xf32, #tpu.memory_space<vmem>> -> memref<1x256x128xf32, #tpu.memory_space<vmem>>
        %dma_start3A_774 = tpu.memref_squeeze %dma_start3A_773 : memref<1x256x128xf32, #tpu.memory_space<vmem>> -> memref<256x128xf32, #tpu.memory_space<vmem>>
        %dma_start3A_775 = arith.constant 0 : i32
        %dma_start3A_776 = tpu.memref_slice %arg0[%mul3A_766, %dma_start3A_775] : memref<100000x128xf32, #tpu.memory_space<any>> -> memref<256x128xf32, #tpu.memory_space<any>>
        tpu.enqueue_dma source(%dma_start3A_776 : memref<256x128xf32, #tpu.memory_space<any>>) target(%dma_start3A_774 : memref<256x128xf32, #tpu.memory_space<vmem>>) target_semaphore(%dma_start3A_770 : memref<!tpu.dma_semaphore, #tpu.memory_space<semaphore_mem>>)
      } else {
      }
      %mul3A_723 = arith.constant 16 : i32
      %mul3A_724 = arith.muli %scan3A_189, %mul3A_723 : i32
      %add3A_725 = arith.constant 15 : i32
      %add3A_726 = arith.addi %mul3A_724, %add3A_725 : i32
      %mul3A_727 = arith.constant 256 : i32
      %mul3A_728 = arith.muli %add3A_726, %mul3A_727 : i32
      %dma_wait3A_729 = arith.constant 15 : i32
      %dma_wait3A_730 = arith.constant 15 : i32
      %dma_wait3A_731 = tpu.memref_slice %arg4[%dma_wait3A_730] : memref<16x!tpu.dma_semaphore, #tpu.memory_space<semaphore_mem>> -> memref<1x!tpu.dma_semaphore, #tpu.memory_space<semaphore_mem>>
      %dma_wait3A_732 = tpu.memref_squeeze %dma_wait3A_731 : memref<1x!tpu.dma_semaphore, #tpu.memory_space<semaphore_mem>> -> memref<!tpu.dma_semaphore, #tpu.memory_space<semaphore_mem>>
      %dma_wait3A_733 = arith.constant 0 : i32
      %dma_wait3A_734 = arith.constant 0 : i32
      %dma_wait3A_735 = tpu.memref_slice %arg2[%dma_wait3A_729, %dma_wait3A_733, %dma_wait3A_734] : memref<16x256x128xf32, #tpu.memory_space<vmem>> -> memref<1x256x128xf32, #tpu.memory_space<vmem>>
      %dma_wait3A_736 = tpu.memref_squeeze %dma_wait3A_735 : memref<1x256x128xf32, #tpu.memory_space<vmem>> -> memref<256x128xf32, #tpu.memory_space<vmem>>
      %dma_wait3A_737 = arith.constant 0 : i32
      %dma_wait3A_738 = tpu.memref_slice %arg0[%mul3A_728, %dma_wait3A_737] : memref<100000x128xf32, #tpu.memory_space<any>> -> memref<256x128xf32, #tpu.memory_space<any>>
      tpu.wait_dma2 semaphore(%dma_wait3A_732 : memref<!tpu.dma_semaphore, #tpu.memory_space<semaphore_mem>>) src(%dma_wait3A_738 : memref<256x128xf32, #tpu.memory_space<any>>) dst(%dma_wait3A_736 : memref<256x128xf32, #tpu.memory_space<vmem>>)
      %get3A_739 = arith.constant 0 : index
      %get3A_740 = arith.constant 0 : index
      %get3A_741 = vector.load %arg3[%get3A_739, %get3A_740] : memref<8x128xf32, #tpu.memory_space<vmem>>, vector<8x128xf32>
      %get3A_742 = arith.constant 15 : index
      %get3A_743 = arith.constant 0 : index
      %get3A_744 = arith.constant 0 : index
      %get3A_745 = vector.load %arg2[%get3A_742, %get3A_743, %get3A_744] : memref<16x256x128xf32, #tpu.memory_space<vmem>>, vector<1x256x128xf32>
      %get3A_746 = vector.shape_cast %get3A_745 : vector<1x256x128xf32> to vector<256x128xf32>
      %reshape3A_747 = vector.shape_cast %get3A_746 : vector<256x128xf32> to vector<32x8x128xf32>
      %reduce_sum3A_748 = arith.constant dense<0.000000e+00> : vector<8x128xf32>
      %reduce_sum3A_749 = vector.multi_reduction <add>, %reshape3A_747, %reduce_sum3A_748 [0] : vector<32x8x128xf32> to vector<8x128xf32>
      %add3A_750 = arith.addf %get3A_741, %reduce_sum3A_749 : vector<8x128xf32>
      %swap3A_751 = arith.constant 0 : index
      %swap3A_752 = arith.constant 0 : index
      %swap3A_753 = vector.load %arg3[%swap3A_751, %swap3A_752] : memref<8x128xf32, #tpu.memory_space<vmem>>, vector<8x128xf32>
      tpu.vector_store %arg3[%swap3A_751, %swap3A_752], %add3A_750 {strides = array<i32>} : memref<8x128xf32, #tpu.memory_space<vmem>>, vector<8x128xf32>,
      %lt3A_754 = arith.constant 18 : i32
      %lt3A_755 = arith.cmpi slt, %scan3A_189, %lt3A_754 : i32
      %convert_element_type3A_756 = arith.extui %lt3A_755 : i1 to i32
      %cond3A_757 = arith.constant 0 : i32
      %cond3A_758 = arith.cmpi ne, %convert_element_type3A_756, %cond3A_757 : i32
      scf.if %cond3A_758 {
        %add3A_759 = arith.constant 1 : i32
        %add3A_760 = arith.addi %scan3A_189, %add3A_759 : i32
        %mul3A_761 = arith.constant 16 : i32
        %mul3A_762 = arith.muli %add3A_760, %mul3A_761 : i32
        %add3A_763 = arith.constant 15 : i32
        %add3A_764 = arith.addi %mul3A_762, %add3A_763 : i32
        %mul3A_765 = arith.constant 256 : i32
        %mul3A_766 = arith.muli %add3A_764, %mul3A_765 : i32
        %dma_start3A_767 = arith.constant 15 : i32
        %dma_start3A_768 = arith.constant 15 : i32
        %dma_start3A_769 = tpu.memref_slice %arg4[%dma_start3A_768] : memref<16x!tpu.dma_semaphore, #tpu.memory_space<semaphore_mem>> -> memref<1x!tpu.dma_semaphore, #tpu.memory_space<semaphore_mem>>
        %dma_start3A_770 = tpu.memref_squeeze %dma_start3A_769 : memref<1x!tpu.dma_semaphore, #tpu.memory_space<semaphore_mem>> -> memref<!tpu.dma_semaphore, #tpu.memory_space<semaphore_mem>>
        %dma_start3A_771 = arith.constant 0 : i32
        %dma_start3A_772 = arith.constant 0 : i32
        %dma_start3A_773 = tpu.memref_slice %arg2[%dma_start3A_767, %dma_start3A_771, %dma_start3A_772] : memref<16x256x128xf32, #tpu.memory_space<vmem>> -> memref<1x256x128xf32, #tpu.memory_space<vmem>>
        %dma_start3A_774 = tpu.memref_squeeze %dma_start3A_773 : memref<1x256x128xf32, #tpu.memory_space<vmem>> -> memref<256x128xf32, #tpu.memory_space<vmem>>
        %dma_start3A_775 = arith.constant 0 : i32
        %dma_start3A_776 = tpu.memref_slice %arg0[%mul3A_766, %dma_start3A_775] : memref<100000x128xf32, #tpu.memory_space<any>> -> memref<256x128xf32, #tpu.memory_space<any>>
        tpu.enqueue_dma source(%dma_start3A_776 : memref<256x128xf32, #tpu.memory_space<any>>) target(%dma_start3A_774 : memref<256x128xf32, #tpu.memory_space<vmem>>) target_semaphore(%dma_start3A_770 : memref<!tpu.dma_semaphore, #tpu.memory_space<semaphore_mem>>)
      } else {
      }
    }
    %scan3A_181 = arith.constant 19 : i32
    %get3A = arith.constant 0 : index
    %get3A_182 = arith.constant 0 : index
    %get3A_183 = vector.load %arg3[%get3A, %get3A_182] : memref<8x128xf32, #tpu.memory_space<vmem>>, vector<8x128xf32>
    %reduce_sum3A = arith.constant dense<0.000000e+00> : vector<128xf32>
    %reduce_sum3A_184 = vector.multi_reduction <add>, %get3A_183, %reduce_sum3A [0] : vector<8x128xf32> to vector<128xf32>
    %broadcast_in_dim3A_185 = vector.shape_cast %reduce_sum3A_184 : vector<128xf32> to vector<1x128xf32>
    %swap3A_186 = arith.constant 0 : index
    %swap3A_187 = arith.constant 0 : index
    %swap3A_188 = vector.load %arg1[%swap3A_186, %swap3A_187] : memref<1x128xf32, #tpu.memory_space<vmem>>, vector<1x128xf32>
    tpu.vector_store %arg1[%swap3A_186, %swap3A_187], %broadcast_in_dim3A_185 {strides = array<i32>} : memref<1x128xf32, #tpu.memory_space<vmem>>, vector<1x128xf32>,
    return
  }
}

</mosaic_0001>

<sc_bundles>
// kernel: kernel.4.cloned.1.call-start
scs
__scs_entry_jumppad:
0x0: {  	(pc) =	sbr.rel $0x88, $3  }
0x1: {  	(tag) =	ssettag $0x0;
	lr =	simm.s32 $0x1  }
0x2: {  	[smem:$0x3FA0] =	sst lr;
	_ =	strace $0xD0000000  }
0x3: {  	_ = 	snop  }
0x4: {  	_ = 	snop  }
0x5: {  	_ = 	snop  }
0x6: {  	_ = 	snop  }
0x7: {  	_ = 	snop  }
__scs_overlays_trampoline_lowered:
0x8: {  	[smem:$0x3FAF] =	sst s0  }
0x9: {  	[smem:$0x3FB0] =	sst s1  }
0xa: {  	[smem:$0x3FB1] =	sst s2  }
0xb: {  	[smem:$0x3FB2] =	sst s3  }
0xc: {  	[smem:$0x3FB3] =	sst s4  }
0xd: {  	[smem:$0x3FB4] =	sst s5  }
0xe: {  	[smem:$0x3FB5] =	sst s6  }
0xf: {  	[smem:$0x3FB6] =	sst s7  }
0x10: {  	[smem:$0x3FB7] =	sst s8  }
0x11: {  	[smem:$0x3FB8] =	sst s9;
	s0 =	simm.s32 @!p0 $0x0  }
0x12: {  	s1 =	sld [smem:$0x3F9E];
	s0 =	simm.s32 @p0 $0x1  }
0x13: {  	[smem:$0x3FB9] =	sst s0;
	s0 =	simm.s32 @!p1 $0x0  }
0x14: {  	s2 =	sld [smem:$0x3F9D];
	s0 =	simm.s32 @p1 $0x1  }
0x15: {  	[smem:$0x3FBA] =	sst s0;
	s0 =	simm.s32 @!p2 $0x0  }
0x16: {  	s3 =	sld [smem:$0x3FDB];
	s0 =	simm.s32 @p2 $0x1  }
0x17: {  	s4 =	simm.s32 $0x1BF5;
	[smem:$0x3FBC] =	sst s0  }
0x18: {  	s0 =	sld [smem:$0x3F9F];
	_ =	swait.ge [sflag:s4], $0x0  }
0x19: {  	s7 =	sld [smem:$0x3FA0]  }
0x1a: {  	s8 =	sadd.s32 $0xFFFFE003, lr  }
0x1b: {  	s9 =	sadd.s32 $0xFFFFFEF7, lr;
	s5 =	simm.s32 $0xFFFFFFFF;
	p2 =	slt.u32 s8, $0xFFFFF086  }
0x1c: {  	p1 =	slt.u32 s9, $0xF7A;
	s5 =	simm.s32 @!p2 $0x0  }
0x1d: {  	s5 =	simm.s32 @p1 $0x1;
	p0 =	seq.s32 s7, s2  }
0x1e: {  	s7 =	smul.u32 @!p0 $0xF7A, s2;
	p2 =	seq.s32 @!p0 s5, $0x0  }
0x1f: {  	s9 =	smul.u32 $0xF7A, s1;
	s8 =	simm.s32 @!p0 $0x1BF5;
	p2 =	por !p2, p0  }
0x20: {  	[sflag:s8] =	ssyncset.s32 @!p0 $0xFFFFF086;
	s6 =	sadd.s32 @!p0 s3, s7;
	s7 =	simm.s32 @!p0 $0x108  }
0x21: {  	s3 =	sadd.s32 s3, s9;
	s6 =	sadd.s32 @!p0 $0x88, s6;
	s7 =	simm.s32 @p2 $0x1082  }
0x22: {  	[simem:s7], [sflag:s8] =	dma.local @!p0 [hbm:s6], $0xF7A  }
0x23: {  	s9 =	sor.u32 $0xD0000000, s2;
	s6 =	simm.s32 $0x108;
	_ =	swait.ge @!p0 [sflag:s8], $0x0  }
0x24: {  	s3 =	sadd.s32 $0x88, s3;
	s6 =	simm.s32 @!p1 $0x1082;
	[sflag:s4] =	ssyncset.s32 $0xFFFFF086  }
0x25: {  	[simem:s6], [sflag:s4] =	dma.local [hbm:s3], $0xF7A  }
0x26: {  	[smem:$0x3FA0] =	sst s1;
	(tag) =	ssettag s2;
	_ =	strace s9  }
0x27: {  	s1 =	sld [smem:$0x3FB0]  }
0x28: {  	s2 =	sld [smem:$0x3FB1]  }
0x29: {  	s4 =	sld [smem:$0x3FB3]  }
0x2a: {  	p0 =	seq.s32 s5, $0x0;
	s5 =	sld [smem:$0x3FB4]  }
0x2b: {  	s6 =	sld [smem:$0x3FB5]  }
0x2c: {  	s7 =	sld [smem:$0x3FB6]  }
0x2d: {  	s3 =	simm.s32 $0x108;
	s8 =	sld [smem:$0x3FB7]  }
0x2e: {  	s3 =	simm.s32 @!p0 $0x1082;
	s9 =	sld [smem:$0x3FB8]  }
0x2f: {  	lr =	sadd.s32 s0, s3;
	s0 =	sld [smem:$0x3FAF]  }
0x30: {  	s3 =	sld [smem:$0x3FB2]  }
0x31: {  	[smem:$0x3FBB] =	sst s10  }
0x32: {  	s10 =	sld [smem:$0x3FB9];
	_ =	sdelay $0x3  }
0x33: {  	p0 =	seq.s32 s10, $0x1;
	s10 =	sld [smem:$0x3FBB];
	_ =	sdelay $0x3  }
0x34: {  	[smem:$0x3FBB] =	sst s10  }
0x35: {  	s10 =	sld [smem:$0x3FBA];
	_ =	sdelay $0x3  }
0x36: {  	p1 =	seq.s32 s10, $0x1;
	s10 =	sld [smem:$0x3FBB];
	_ =	sdelay $0x3  }
0x37: {  	[smem:$0x3FBB] =	sst s10  }
0x38: {  	s10 =	sld [smem:$0x3FBC]  }
0x39: {  	_ = 	snop;
	(pc) =	sbr.ind lr, $3  }
0x3a: {  	_ = 	snop  }
0x3b: {  	_ = 	snop  }
0x3c: {  	p2 =	seq.s32 s10, $0x1;
	s10 =	sld [smem:$0x3FBB]  }
0x3d: {  	_ =	shalt  }
0x3e: {  	_ =	shalt  }
0x3f: {  	_ =	shalt  }
0x40: {  	_ =	shalt  }
0x41: {  	_ =	shalt  }
0x42: {  	_ =	shalt  }
0x43: {  	_ =	shalt  }
0x44: {  	_ =	shalt  }
0x45: {  	_ =	shalt  }
0x46: {  	_ =	shalt  }
0x47: {  	_ =	shalt  }
0x48: {  	_ =	shalt  }
0x49: {  	_ =	shalt  }
0x4a: {  	_ =	shalt  }
0x4b: {  	_ =	shalt  }
0x4c: {  	_ =	shalt  }
0x4d: {  	_ =	shalt  }
0x4e: {  	_ =	shalt  }
0x4f: {  	_ =	shalt  }
0x50: {  	_ =	shalt  }
0x51: {  	_ =	shalt  }
0x52: {  	_ =	shalt  }
0x53: {  	_ =	shalt  }
0x54: {  	_ =	shalt  }
0x55: {  	_ =	shalt  }
0x56: {  	_ =	shalt  }
0x57: {  	_ =	shalt  }
0x58: {  	_ =	shalt  }
0x59: {  	_ =	shalt  }
0x5a: {  	_ =	shalt  }
0x5b: {  	_ =	shalt  }
0x5c: {  	_ =	shalt  }
0x5d: {  	_ =	shalt  }
0x5e: {  	_ =	shalt  }
0x5f: {  	_ =	shalt  }
0x60: {  	_ =	shalt  }
0x61: {  	_ =	shalt  }
0x62: {  	_ =	shalt  }
0x63: {  	_ =	shalt  }
0x64: {  	_ =	shalt  }
0x65: {  	_ =	shalt  }
0x66: {  	_ =	shalt  }
0x67: {  	_ =	shalt  }
0x68: {  	_ =	shalt  }
0x69: {  	_ =	shalt  }
0x6a: {  	_ =	shalt  }
0x6b: {  	_ =	shalt  }
0x6c: {  	_ =	shalt  }
0x6d: {  	_ =	shalt  }
0x6e: {  	_ =	shalt  }
0x6f: {  	_ =	shalt  }
0x70: {  	_ =	shalt  }
0x71: {  	_ =	shalt  }
0x72: {  	_ =	shalt  }
0x73: {  	_ =	shalt  }
0x74: {  	_ =	shalt  }
0x75: {  	_ =	shalt  }
0x76: {  	_ =	shalt  }
0x77: {  	_ =	shalt  }
0x78: {  	_ =	shalt  }
0x79: {  	_ =	shalt  }
0x7a: {  	_ =	shalt  }
0x7b: {  	_ =	shalt  }
0x7c: {  	_ =	shalt  }
0x7d: {  	_ =	shalt  }
0x7e: {  	_ =	shalt  }
0x7f: {  	_ =	shalt  }
0x80: {  	_ =	shalt  }
0x81: {  	_ =	shalt  }
0x82: {  	_ =	shalt  }
0x83: {  	_ =	shalt  }
0x84: {  	_ =	shalt  }
0x85: {  	_ =	shalt  }
0x86: {  	_ =	shalt  }
0x87: {  	_ =	shalt  }
.Lfunc_end0:
.L_simem_size_0:
called_computation_lowered:
.L_overlay_start_0:
0x88: {  	s2 =	sld [smem:$0x3FD9]  }
0x89: {  	s3 =	sld [smem:$0x3FFE];
	_ =	sdelay $0x1  }
0x8a: {  	s1 =	srdreg.scid  }
0x8b: {  	s0 =	sand.u32 $0x1, s1  }
0x8c: {  	s17 =	sshll.u32 s0, $0xA;
	s2 =	sadd.s32 s3, s2  }
0x8d: {  	s2 =	sadd.s32 s2, s17  }
0x8e: {  	[smem:$0x3FC7] =	sst s2  }
0x8f: {  	_ = 	snop  }
0x90: {  	s2 =	sld [smem:$0x3FC9];
	(tm) =	ssettm $0x1  }
0x91: {  	s18 =	sld [smem:$0x3FFB];
	_ =	sdelay $0x3  }
0x92: {  	_ =	strace s18  }
0x93: {  	s3 =	sld [smem:$0x3FFC];
	_ =	sdelay $0x3  }
0x94: {  	_ =	strace s3  }
0x95: {  	s3 =	sld [smem:$0x3FFD];
	_ =	sdelay $0x3  }
0x96: {  	_ =	strace s3  }
0x97: {  	_ =	strace $0x8FFFFFFF  }
0x98: {  	s19 =	sld [smem:$0x3FDB];
	_ =	sdelay $0x1  }
0x99: {  	s4 =	simm.s32 $_scs_section_size  }
0x9a: {  	s5 =	simm.s32 $_size__tile_overlayer_lowered;
	s6 =	simm.s32 $_tile_overlayer_lowered  }
0x9b: {  	s22 =	simm.s32 $0x1BFF;
	s21 =	sshll.u32 s6, $0x1;
	s3 =	sadd.s32 s4, s19  }
0x9c: {  	s7 =	simm.s32 $0x0;
	s20 =	sshll.u32 s5, $0x1;
	s5 =	sadd.s32 s21, s3  }
0x9d: {  	[timem:s7], [sflag:s22] =	dma.local [hbm:s5], s20  }
0x9e: {  	_ =	swait.ge [sflag:s22], s20  }
0x9f: {  	s4 =	ssub.s32 $0x0, s20;
	[sflag:s22] =	ssyncset.done $0x0  }
0xa0: {  	[sflag:s22] =	ssyncadd.s32 s4;
	_ =	sdelay $0x1  }
0xa1: {  	s23 =	simm.s32 $0x1B8B  }
0xa2: {  	_ =	swait.ge [sflag:s23], $0x1  }
0xa3: {  	[sflag:s23] =	ssyncset.done $0x0  }
0xa4: {  	s25 =	simm.s32 $0x1B8E;
	s24 =	sld [smem:$0x3FFE];
	[sflag:s23] =	ssyncadd.s32 $0xFFFFFFFF  }
0xa5: {  	s26 =	simm.s32 $execute0_lowered;
	[smem:$0x3FD2] =	sst s25  }
0xa6: {  	s5 =	sshll.u32 s26, $0x1;
	_ =	strace $0x80000046;
	[dreg:$0x1] =	wrdreg $0xFFFFFFFF  }
0xa7: {  	s28 =	simm.s32 $_size_execute0_lowered;
	s3 =	sadd.s32 s3, s5;
	[dreg:$0x0] =	wrdreg $0x0  }
0xa8: {  	s5 =	sshll.u32 s28, $0x1;
	[dreg:$0x2] =	wrdreg s3  }
0xa9: {  	[dreg:$0x3] =	wrdreg s5  }
0xaa: {  	[dreg:$0x4] =	wrdreg $0xC0  }
0xab: {  	_ =	task [dreg:s7], $0x5FFFF  }
0xac: {  	[dreg:$0x1] =	wrdreg $0xFFFFFFFF  }
0xad: {  	[dreg:$0x0] =	wrdreg $0x60  }
0xae: {  	[dreg:$0x2] =	wrdreg s2  }
0xaf: {  	[dreg:$0x3] =	wrdreg s24  }
0xb0: {  	[dreg:$0x4] =	wrdreg $0xCE800  }
0xb1: {  	[dreg:$0x5] =	wrdreg $0x9  }
0xb2: {  	_ =	task.clear_ibuf [dreg:s7], $0x6FFFF;
	_ =	strace $0x90000046  }
0xb3: {  	s29 =	simm.s32 $0x9;
	_ =	strace $0x80000048  }
0xb4: {  	_ =	swait.ge [sflag:s29], $0x1  }
0xb5: {  	[sflag:s29] =	ssyncadd.s32 $0xFFFFFFFF  }
0xb6: {  	_ =	strace $0x90000048  }
0xb7: {  	_ =	sfence  }
0xb8: {  	s30 =	sld [smem:$0x0];
	_ =	sdelay $0x2  }
0xb9: {  	s31 =	sshll.u32 s1, $0xD;
	s1 =	sshrl.u32 s1, $0x2  }
0xba: {  	s3 =	sand.u32 $0x4000, s31;
	s1 =	sadd.s32 s1, s30  }
0xbb: {  	s0 =	sor.u32 s3, s0;
	s1 =	sshll.u32 s1, $0x11  }
0xbc: {  	s0 =	sor.u32 s1, s0  }
0xbd: {  	s0 =	sadd.s32 $0x8F2B, s0  }
0xbe: {  	[sflag:s0] =	ssyncadd.remote.s32 $0x1  }
0xbf: {  	_ =	sfence.sel $0xFFFF  }
0xc0: {  	[dreg:$0x0] =	wrdreg $0xFFFFFFFF;
	(pc) =	sbr.abs _section_cstart, $3  }
0xc1: {  	[dreg:$0x1] =	wrdreg $0xFFFFFFFF  }
0xc2: {  	_ =	task.clear_ibuf [dreg:s7], $0x2FFFF;
	_ =	strace $0x9FFFFFFF  }
0xc3: {  	(tm) =	ssettm $0x7FFFFFFF  }
tec
execute0_lowered:
.L_overlay_start_1:
0x0: {  	(tag) =	ssettag $0x1  }
0x1: {  	s3 =	rddreg [dreg:$0x0]  }
0x2: {  	s0 =	srdreg.scid;
	s6 =	rddreg [dreg:$0x1]  }
0x3: {  	s20 =	stileid.u32;
	s1 =	rddreg [dreg:$0x2]  }
0x4: {  	s2 =	simm.s32 $0x0;
	s13 =	simm.s32 $0x3180;
	s14 =	simm.s32 $0x6300  }
0x5: {  	s15 =	simm.s32 $0x9480;
	s16 =	simm.s32 $0x1;
	s17 =	simm.s32 $0x2  }
0x6: {  	s18 =	simm.s32 $0x3;
	s19 =	simm.s32 $0x4;
	s21 =	simm.s32 $0x5  }
0x7: {  	s22 =	simm.s32 $0xC600;
	s4 =	sand.u32 $0x1, s0;
	s7 =	smul.u32 $0x63, s20  }
0x8: {  	s23 =	simm.s32 $0x0;
	s0 =	rddreg [dreg:$0x3];
	s5 =	smul.u32 $0x2B50, s4  }
0x9: {  	[smem:$0x7FF] =	sst s2;
	s10 =	sshll.u32 s20, $0x7;
	p0 =	sne.s32 s20, $0x0  }
0xa: {  	s20 =	simm.s32 $0xCE00;
	_ =	strace $0x80000047;
	s5 =	sadd.s32 s7, s5  }
0xb: {  	s29 =	sshll.u32 s4, $0x4;
	s30 =	ssub.s32 $0x2, s4;
	s5 =	sshll.u32 s5, $0x4  }
.Ltmp0:
0xc: {  	s11 =	sadd.s32 s29, s6;
	s9 =	sadd.s32 s3, s5;
	(pc) =	sbr.rel .LBB2_1-.Ltmp0, $4  }
0xd: {  	s10 =	sadd.s32 s10, s1;
	s11 =	sadd.s32 $0x400, s11;
	s3 =	sadd.s32 $0x130000, s9  }
0xe: {  	s31 =	sshrl.u32 s30, $0x1;
	s4 =	sadd.s32 $0x136300, s9;
	s5 =	sadd.s32 $0x13C600, s9  }
0xf: {  	s12 =	ssub.s32 s30, s31;
	s6 =	sadd.s32 $0x142900, s9;
	s7 =	sadd.s32 $0x148C00, s9  }
0x10: {  	s12 =	smax.u32 s12, $0x1;
	s8 =	sadd.s32 $0x14EF00, s9;
	s9 =	sadd.s32 $0x155200, s9  }
.LBB2_18:
0x11: {  	v14 =	vld [tilespmem:s24+$0xC600]  }
0x12: {  	v15 =	vld [tilespmem:s24+$0xC610]  }
0x13: {  	v16 =	vld [tilespmem:s24+$0xC620]  }
0x14: {  	v17 =	vld [tilespmem:s24+$0xC630]  }
0x15: {  	v18 =	vld [tilespmem:s24+$0xC640]  }
0x16: {  	v1 =	vadd.f32 v11, v1;
	v59 =	vld [tilespmem:s24+$0xC650];
	v5 =	vadd.f32 v14, v5  }
0x17: {  	v6 =	vadd.f32 v10, v6;
	v60 =	vld [tilespmem:s24+$0xC660];
	v3 =	vadd.f32 v15, v3  }
0x18: {  	v13 =	vld [tilespmem:s24+$0xC670];
	v7 =	vadd.f32 v7, v8;
	v1 =	vadd.f32 v16, v1;
	[tilespmem:$0xCE00] =	vst v5  }
0x19: {  	v4 =	vadd.f32 v9, v4;
	v61 =	vadd.f32 v17, v6;
	[tilespmem:$0xCE10] =	vst v3  }
0x1a: {  	v2 =	vadd.f32 v12, v2;
	v62 =	vadd.f32 v18, v7;
	[tilespmem:$0xCE20] =	vst v1  }
0x1b: {  	v63 =	vadd.f32 v59, v4;
	[tilespmem:$0xCE30] =	vst v61  }
0x1c: {  	v2 =	vadd.f32 v60, v2;
	[tilespmem:$0xCE40] =	vst v62  }
0x1d: {  	v0 =	vadd.f32 v13, v0;
	[tilespmem:$0xCE50] =	vst v63  }
0x1e: {  	[tilespmem:$0xCE60] =	vst v2  }
0x1f: {  	[tilespmem:$0xCE70] =	vst v0  }
0x20: {  	[hbm4b:s11+s2] =	stream.linear.scatter [tilespmem:s20], [sflag:$0x5], $0x80, $0x38;
	[tilespmem:$0xCF00] =	vst v63  }
0x21: {  	_ =	swait.ge [sflag:s21], $0x80  }
0x22: {  	[sflag:s21] =	ssyncset.done $0x0  }
0x23: {  	[sflag:s21] =	ssyncadd.s32 $0xFFFFFF80  }
.LBB2_19:
0x24: {  	s23 =	sadd.s32 $0x1, s23  }
0x25: {  	p1 =	sne.s32 s23, s12  }
.Ltmp1:
0x26: {  	_ = 	snop;
	(pc) =	sbr.rel @!p1 .LBB2_20-.Ltmp1, $1  }
0x27: {  	_ =	sdelay $0x3  }
.LBB2_1:
0x28: {  	[tilespmem:s2], [sflag:$0x1] =	stream.linear.gather [hbm4b:s3+s2], $0x3180, $0x38;
	[tilespmem:$0xCF00] =	vst v63  }
0x29: {  	_ = 	snop  }
0x2a: {  	[tilespmem:s13], [sflag:$0x2] =	stream.linear.gather [hbm4b:s4+s2], $0x3180, $0x38;
	[tilespmem:$0xCF00] =	vst v63  }
0x2b: {  	_ = 	snop  }
0x2c: {  	[tilespmem:s14], [sflag:$0x3] =	stream.linear.gather [hbm4b:s5+s2], $0x3180, $0x38;
	[tilespmem:$0xCF00] =	vst v63  }
0x2d: {  	_ = 	snop  }
0x2e: {  	[tilespmem:s15], [sflag:$0x4] =	stream.linear.gather [hbm4b:s6+s2], $0x3180, $0x38;
	[tilespmem:$0xCF00] =	vst v63  }
0x2f: {  	_ =	swait.ge [sflag:s16], $0x3180  }
0x30: {  	[sflag:s16] =	ssyncset.done $0x0  }
0x31: {  	s26 =	simm.s32 $0x0;
	[sflag:s16] =	ssyncadd.s32 $0xFFFFCE80  }
0x32: {  	v0 =	vld [tilespmem:s26+$0x70]  }
0x33: {  	v2 =	vld [tilespmem:s26+$0x0]  }
0x34: {  	v4 =	vld [tilespmem:s26+$0x10]  }
0x35: {  	v5 =	vld [tilespmem:s26+$0x20]  }
0x36: {  	v8 =	vld [tilespmem:s26+$0x30]  }
0x37: {  	v3 =	vimm.f32 $0.0e+00;
	v9 =	vimm.f32 $0.0e+00;
	v6 =	vld [tilespmem:s26+$0x40]  }
0x38: {  	v10 =	vimm.f32 $0.0e+00;
	v7 =	vimm.f32 $0.0e+00;
	v11 =	vld [tilespmem:s26+$0x50];
	v1 =	vadd.f32 v0, v3  }
0x39: {  	s24 =	simm.s32 $0x80;
	s25 =	simm.s32 $0x400;
	v12 =	vld [tilespmem:s26+$0x60];
	v0 =	vadd.f32 v2, v3;
	v2 =	vadd.f32 v4, v3;
	v4 =	vimm.f32 $0.0e+00  }
.LBB2_2:
0x3a: {  	p1 =	sne.s32 s25, $0xC400;
	v13 =	vld [tilespmem:s24+$0x70];
	v3 =	vadd.f32 v5, v3  }
0x3b: {  	v14 =	vld [tilespmem:s24+$0x0];
	v4 =	vadd.f32 v8, v4  }
0x3c: {  	v15 =	vld [tilespmem:s24+$0x10];
	v9 =	vadd.f32 v6, v9  }
.Ltmp2:
0x3d: {  	v5 =	vld [tilespmem:s24+$0x20];
	v10 =	vadd.f32 v11, v10;
	(pc) =	sbr.rel @p1 .LBB2_2-.Ltmp2, $4  }
0x3e: {  	v8 =	vld [tilespmem:s24+$0x30];
	v7 =	vadd.f32 v12, v7  }
0x3f: {  	v6 =	vld [tilespmem:s24+$0x40];
	v1 =	vadd.f32 v13, v1  }
0x40: {  	v0 =	vadd.f32 v14, v0;
	v11 =	vld [tilespmem:s24+$0x50]  }
0x41: {  	v2 =	vadd.f32 v15, v2;
	v12 =	vld [tilespmem:s24+$0x60];
	s24 =	sshra.s32 s25, $0x2;
	s25 =	sadd.s32 $0x200, s25  }
0x42: {  	v13 =	vld [tilespmem:s24+$0x70]  }
0x43: {  	v14 =	vld [tilespmem:s24+$0x0]  }
0x44: {  	v15 =	vld [tilespmem:s24+$0x10]  }
0x45: {  	v16 =	vld [tilespmem:s24+$0x20]  }
0x46: {  	v17 =	vld [tilespmem:s24+$0x30]  }
0x47: {  	v18 =	vld [tilespmem:s24+$0x40]  }
0x48: {  	v19 =	vld [tilespmem:s24+$0x50];
	s31 =	simm.s32 $0x0  }
0x49: {  	v20 =	vld [tilespmem:s24+$0x60];
	[tilespmem:s31], [sflag:$0x1] =	stream.linear.gather [hbm4b:s7+s31], $0x3180, $0x38  }
0x4a: {  	_ =	swait.ge [sflag:s17], $0x3180  }
0x4b: {  	[sflag:s17] =	ssyncset.done $0x0  }
0x4c: {  	s26 =	simm.s32 $0x0;
	[sflag:s17] =	ssyncadd.s32 $0xFFFFCE80  }
0x4d: {  	v3 =	vadd.f32 v5, v3;
	v4 =	vadd.f32 v8, v4;
	v5 =	vld [tilespmem:s26+$0x31F0]  }
0x4e: {  	v6 =	vadd.f32 v6, v9;
	v10 =	vadd.f32 v11, v10;
	v21 =	vld [tilespmem:s26+$0x3180]  }
0x4f: {  	v7 =	vadd.f32 v12, v7;
	v11 =	vadd.f32 v13, v1;
	v12 =	vld [tilespmem:s26+$0x3190]  }
0x50: {  	v13 =	vadd.f32 v14, v0;
	v14 =	vadd.f32 v15, v2;
	v8 =	vld [tilespmem:s26+$0x31A0]  }
0x51: {  	v0 =	vadd.f32 v16, v3;
	v1 =	vadd.f32 v17, v4;
	v9 =	vld [tilespmem:s26+$0x31B0]  }
0x52: {  	v2 =	vadd.f32 v18, v6;
	v3 =	vadd.f32 v19, v10;
	v10 =	vld [tilespmem:s26+$0x31C0]  }
0x53: {  	v4 =	vadd.f32 v20, v7;
	v5 =	vadd.f32 v5, v11;
	v11 =	vld [tilespmem:s26+$0x31D0]  }
0x54: {  	s24 =	simm.s32 $0x80;
	s25 =	simm.s32 $0x400;
	v6 =	vadd.f32 v21, v13;
	v7 =	vadd.f32 v12, v14;
	v12 =	vld [tilespmem:s26+$0x31E0]  }
.LBB2_4:
0x55: {  	p1 =	sne.s32 s25, $0xC400;
	v13 =	vld [tilespmem:s24+$0x31F0];
	v0 =	vadd.f32 v8, v0  }
0x56: {  	v14 =	vld [tilespmem:s24+$0x3180];
	v1 =	vadd.f32 v9, v1  }
0x57: {  	v15 =	vld [tilespmem:s24+$0x3190];
	v2 =	vadd.f32 v10, v2  }
.Ltmp3:
0x58: {  	v8 =	vld [tilespmem:s24+$0x31A0];
	v3 =	vadd.f32 v11, v3;
	(pc) =	sbr.rel @p1 .LBB2_4-.Ltmp3, $4  }
0x59: {  	v9 =	vld [tilespmem:s24+$0x31B0];
	v4 =	vadd.f32 v12, v4  }
0x5a: {  	v10 =	vld [tilespmem:s24+$0x31C0];
	v5 =	vadd.f32 v13, v5  }
0x5b: {  	v6 =	vadd.f32 v14, v6;
	v11 =	vld [tilespmem:s24+$0x31D0]  }
0x5c: {  	v7 =	vadd.f32 v15, v7;
	v12 =	vld [tilespmem:s24+$0x31E0];
	s24 =	sshra.s32 s25, $0x2;
	s25 =	sadd.s32 $0x200, s25  }
0x5d: {  	v13 =	vld [tilespmem:s24+$0x31F0]  }
0x5e: {  	v14 =	vld [tilespmem:s24+$0x3180]  }
0x5f: {  	v15 =	vld [tilespmem:s24+$0x3190]  }
0x60: {  	v16 =	vld [tilespmem:s24+$0x31A0]  }
0x61: {  	v17 =	vld [tilespmem:s24+$0x31B0]  }
0x62: {  	v18 =	vld [tilespmem:s24+$0x31C0]  }
0x63: {  	v19 =	vld [tilespmem:s24+$0x31D0];
	s31 =	simm.s32 $0x0  }
0x64: {  	v20 =	vld [tilespmem:s24+$0x31E0];
	[tilespmem:s13], [sflag:$0x2] =	stream.linear.gather [hbm4b:s8+s31], $0x3180, $0x38  }
0x65: {  	_ =	swait.ge [sflag:s18], $0x3180  }
0x66: {  	[sflag:s18] =	ssyncset.done $0x0  }
0x67: {  	s26 =	simm.s32 $0x0;
	[sflag:s18] =	ssyncadd.s32 $0xFFFFCE80  }
0x68: {  	v0 =	vadd.f32 v8, v0;
	v1 =	vadd.f32 v9, v1;
	v21 =	vld [tilespmem:s26+$0x6370]  }
0x69: {  	v2 =	vadd.f32 v10, v2;
	v3 =	vadd.f32 v11, v3;
	v22 =	vld [tilespmem:s26+$0x6300]  }
0x6a: {  	v4 =	vadd.f32 v12, v4;
	v5 =	vadd.f32 v13, v5;
	v12 =	vld [tilespmem:s26+$0x6310]  }
0x6b: {  	v6 =	vadd.f32 v14, v6;
	v7 =	vadd.f32 v15, v7;
	v8 =	vld [tilespmem:s26+$0x6320]  }
0x6c: {  	v0 =	vadd.f32 v16, v0;
	v1 =	vadd.f32 v17, v1;
	v9 =	vld [tilespmem:s26+$0x6330]  }
0x6d: {  	v2 =	vadd.f32 v18, v2;
	v3 =	vadd.f32 v19, v3;
	v10 =	vld [tilespmem:s26+$0x6340]  }
0x6e: {  	v11 =	vld [tilespmem:s26+$0x6350];
	v4 =	vadd.f32 v20, v4;
	v5 =	vadd.f32 v21, v5  }
0x6f: {  	s24 =	simm.s32 $0x80;
	s25 =	simm.s32 $0x400;
	v6 =	vadd.f32 v22, v6;
	v7 =	vadd.f32 v12, v7;
	v12 =	vld [tilespmem:s26+$0x6360]  }
.LBB2_6:
0x70: {  	p1 =	sne.s32 s25, $0xC400;
	v13 =	vld [tilespmem:s24+$0x6370];
	v0 =	vadd.f32 v8, v0  }
0x71: {  	v14 =	vld [tilespmem:s24+$0x6300];
	v1 =	vadd.f32 v9, v1  }
0x72: {  	v15 =	vld [tilespmem:s24+$0x6310];
	v2 =	vadd.f32 v10, v2  }
.Ltmp4:
0x73: {  	v8 =	vld [tilespmem:s24+$0x6320];
	v3 =	vadd.f32 v11, v3;
	(pc) =	sbr.rel @p1 .LBB2_6-.Ltmp4, $4  }
0x74: {  	v9 =	vld [tilespmem:s24+$0x6330];
	v4 =	vadd.f32 v12, v4  }
0x75: {  	v10 =	vld [tilespmem:s24+$0x6340];
	v5 =	vadd.f32 v13, v5  }
0x76: {  	v6 =	vadd.f32 v14, v6;
	v11 =	vld [tilespmem:s24+$0x6350]  }
0x77: {  	v7 =	vadd.f32 v15, v7;
	v12 =	vld [tilespmem:s24+$0x6360];
	s24 =	sshra.s32 s25, $0x2;
	s25 =	sadd.s32 $0x200, s25  }
0x78: {  	v13 =	vld [tilespmem:s24+$0x6370]  }
0x79: {  	v14 =	vld [tilespmem:s24+$0x6300]  }
0x7a: {  	v15 =	vld [tilespmem:s24+$0x6310]  }
0x7b: {  	v16 =	vld [tilespmem:s24+$0x6320]  }
0x7c: {  	v17 =	vld [tilespmem:s24+$0x6330]  }
0x7d: {  	v18 =	vld [tilespmem:s24+$0x6340]  }
0x7e: {  	v19 =	vld [tilespmem:s24+$0x6350];
	s31 =	simm.s32 $0x0  }
0x7f: {  	v20 =	vld [tilespmem:s24+$0x6360];
	[tilespmem:s14], [sflag:$0x3] =	stream.linear.gather [hbm4b:s9+s31], $0x3180, $0x38  }
0x80: {  	_ =	swait.ge [sflag:s19], $0x3180  }
0x81: {  	[sflag:s19] =	ssyncset.done $0x0  }
0x82: {  	s26 =	simm.s32 $0x0;
	[sflag:s19] =	ssyncadd.s32 $0xFFFFCE80  }
0x83: {  	v0 =	vadd.f32 v8, v0;
	v1 =	vadd.f32 v9, v1;
	v21 =	vld [tilespmem:s26+$0x94F0]  }
0x84: {  	v2 =	vadd.f32 v10, v2;
	v3 =	vadd.f32 v11, v3;
	v22 =	vld [tilespmem:s26+$0x9480]  }
0x85: {  	v4 =	vadd.f32 v12, v4;
	v5 =	vadd.f32 v13, v5;
	v12 =	vld [tilespmem:s26+$0x9490]  }
0x86: {  	v6 =	vadd.f32 v14, v6;
	v7 =	vadd.f32 v15, v7;
	v8 =	vld [tilespmem:s26+$0x94A0]  }
0x87: {  	v0 =	vadd.f32 v16, v0;
	v1 =	vadd.f32 v17, v1;
	v9 =	vld [tilespmem:s26+$0x94B0]  }
0x88: {  	v2 =	vadd.f32 v18, v2;
	v3 =	vadd.f32 v19, v3;
	v10 =	vld [tilespmem:s26+$0x94C0]  }
0x89: {  	v11 =	vld [tilespmem:s26+$0x94D0];
	v4 =	vadd.f32 v20, v4;
	v5 =	vadd.f32 v21, v5  }
0x8a: {  	s24 =	simm.s32 $0x80;
	s25 =	simm.s32 $0x400;
	v6 =	vadd.f32 v22, v6;
	v7 =	vadd.f32 v12, v7;
	v12 =	vld [tilespmem:s26+$0x94E0]  }
.LBB2_8:
0x8b: {  	p1 =	sne.s32 s25, $0xC400;
	v13 =	vld [tilespmem:s24+$0x94F0];
	v0 =	vadd.f32 v8, v0  }
0x8c: {  	v14 =	vld [tilespmem:s24+$0x9480];
	v1 =	vadd.f32 v9, v1  }
0x8d: {  	v15 =	vld [tilespmem:s24+$0x9490];
	v2 =	vadd.f32 v10, v2  }
.Ltmp5:
0x8e: {  	v8 =	vld [tilespmem:s24+$0x94A0];
	v3 =	vadd.f32 v11, v3;
	(pc) =	sbr.rel @p1 .LBB2_8-.Ltmp5, $4  }
0x8f: {  	v9 =	vld [tilespmem:s24+$0x94B0];
	v4 =	vadd.f32 v12, v4  }
0x90: {  	v10 =	vld [tilespmem:s24+$0x94C0];
	v5 =	vadd.f32 v13, v5  }
0x91: {  	v6 =	vadd.f32 v14, v6;
	v11 =	vld [tilespmem:s24+$0x94D0]  }
0x92: {  	v7 =	vadd.f32 v15, v7;
	v12 =	vld [tilespmem:s24+$0x94E0];
	s24 =	sshra.s32 s25, $0x2;
	s25 =	sadd.s32 $0x200, s25  }
0x93: {  	v13 =	vld [tilespmem:s24+$0x94F0]  }
0x94: {  	v14 =	vld [tilespmem:s24+$0x9480]  }
0x95: {  	v15 =	vld [tilespmem:s24+$0x9490]  }
0x96: {  	v16 =	vld [tilespmem:s24+$0x94A0]  }
0x97: {  	v17 =	vld [tilespmem:s24+$0x94B0]  }
0x98: {  	v18 =	vld [tilespmem:s24+$0x94C0]  }
0x99: {  	v19 =	vld [tilespmem:s24+$0x94D0]  }
0x9a: {  	v20 =	vld [tilespmem:s24+$0x94E0];
	_ =	swait.ge [sflag:s16], $0x3180  }
0x9b: {  	[sflag:s16] =	ssyncset.done $0x0  }
0x9c: {  	s26 =	simm.s32 $0x0;
	[sflag:s16] =	ssyncadd.s32 $0xFFFFCE80  }
0x9d: {  	v0 =	vadd.f32 v8, v0;
	v1 =	vadd.f32 v9, v1;
	v21 =	vld [tilespmem:s26+$0x70]  }
0x9e: {  	v2 =	vadd.f32 v10, v2;
	v3 =	vadd.f32 v11, v3;
	v22 =	vld [tilespmem:s26+$0x0]  }
0x9f: {  	v4 =	vadd.f32 v12, v4;
	v12 =	vld [tilespmem:s26+$0x10];
	v5 =	vadd.f32 v13, v5  }
0xa0: {  	v8 =	vld [tilespmem:s26+$0x20];
	v6 =	vadd.f32 v14, v6;
	v7 =	vadd.f32 v15, v7  }
0xa1: {  	v9 =	vld [tilespmem:s26+$0x30];
	v0 =	vadd.f32 v16, v0;
	v1 =	vadd.f32 v17, v1  }
0xa2: {  	v10 =	vld [tilespmem:s26+$0x40];
	v2 =	vadd.f32 v18, v2;
	v3 =	vadd.f32 v19, v3  }
0xa3: {  	v11 =	vld [tilespmem:s26+$0x50];
	v4 =	vadd.f32 v20, v4;
	v5 =	vadd.f32 v21, v5  }
0xa4: {  	s24 =	simm.s32 $0x80;
	s25 =	simm.s32 $0x400;
	v6 =	vadd.f32 v22, v6;
	v7 =	vadd.f32 v12, v7;
	v12 =	vld [tilespmem:s26+$0x60]  }
.LBB2_10:
0xa5: {  	p1 =	sne.s32 s25, $0xC400;
	v13 =	vld [tilespmem:s24+$0x70];
	v0 =	vadd.f32 v8, v0  }
0xa6: {  	v14 =	vld [tilespmem:s24+$0x0];
	v1 =	vadd.f32 v9, v1  }
0xa7: {  	v15 =	vld [tilespmem:s24+$0x10];
	v2 =	vadd.f32 v10, v2  }
.Ltmp6:
0xa8: {  	v8 =	vld [tilespmem:s24+$0x20];
	v3 =	vadd.f32 v11, v3;
	(pc) =	sbr.rel @p1 .LBB2_10-.Ltmp6, $4  }
0xa9: {  	v9 =	vld [tilespmem:s24+$0x30];
	v4 =	vadd.f32 v12, v4  }
0xaa: {  	v10 =	vld [tilespmem:s24+$0x40];
	v5 =	vadd.f32 v13, v5  }
0xab: {  	v6 =	vadd.f32 v14, v6;
	v11 =	vld [tilespmem:s24+$0x50]  }
0xac: {  	v7 =	vadd.f32 v15, v7;
	v12 =	vld [tilespmem:s24+$0x60];
	s24 =	sshra.s32 s25, $0x2;
	s25 =	sadd.s32 $0x200, s25  }
0xad: {  	v13 =	vld [tilespmem:s24+$0x70]  }
0xae: {  	v14 =	vld [tilespmem:s24+$0x0]  }
0xaf: {  	v15 =	vld [tilespmem:s24+$0x10]  }
0xb0: {  	v16 =	vld [tilespmem:s24+$0x20]  }
0xb1: {  	v17 =	vld [tilespmem:s24+$0x30]  }
0xb2: {  	v18 =	vld [tilespmem:s24+$0x40]  }
0xb3: {  	v19 =	vld [tilespmem:s24+$0x50]  }
0xb4: {  	v20 =	vld [tilespmem:s24+$0x60];
	_ =	swait.ge [sflag:s17], $0x3180  }
0xb5: {  	[sflag:s17] =	ssyncset.done $0x0  }
0xb6: {  	s26 =	simm.s32 $0x0;
	[sflag:s17] =	ssyncadd.s32 $0xFFFFCE80  }
0xb7: {  	v0 =	vadd.f32 v8, v0;
	v1 =	vadd.f32 v9, v1;
	v21 =	vld [tilespmem:s26+$0x31F0]  }
0xb8: {  	v2 =	vadd.f32 v10, v2;
	v3 =	vadd.f32 v11, v3;
	v22 =	vld [tilespmem:s26+$0x3180]  }
0xb9: {  	v4 =	vadd.f32 v12, v4;
	v12 =	vld [tilespmem:s26+$0x3190];
	v5 =	vadd.f32 v13, v5  }
0xba: {  	v8 =	vld [tilespmem:s26+$0x31A0];
	v6 =	vadd.f32 v14, v6;
	v7 =	vadd.f32 v15, v7  }
0xbb: {  	v9 =	vld [tilespmem:s26+$0x31B0];
	v0 =	vadd.f32 v16, v0;
	v1 =	vadd.f32 v17, v1  }
0xbc: {  	v10 =	vld [tilespmem:s26+$0x31C0];
	v2 =	vadd.f32 v18, v2;
	v3 =	vadd.f32 v19, v3  }
0xbd: {  	v11 =	vld [tilespmem:s26+$0x31D0];
	v4 =	vadd.f32 v20, v4;
	v5 =	vadd.f32 v21, v5  }
0xbe: {  	s24 =	simm.s32 $0x80;
	s25 =	simm.s32 $0x400;
	v6 =	vadd.f32 v22, v6;
	v7 =	vadd.f32 v12, v7;
	v12 =	vld [tilespmem:s26+$0x31E0]  }
.LBB2_12:
0xbf: {  	p1 =	sne.s32 s25, $0xC400;
	v13 =	vld [tilespmem:s24+$0x31F0];
	v0 =	vadd.f32 v8, v0  }
0xc0: {  	v14 =	vld [tilespmem:s24+$0x3180];
	v1 =	vadd.f32 v9, v1  }
0xc1: {  	v15 =	vld [tilespmem:s24+$0x3190];
	v2 =	vadd.f32 v10, v2  }
.Ltmp7:
0xc2: {  	v8 =	vld [tilespmem:s24+$0x31A0];
	v3 =	vadd.f32 v11, v3;
	(pc) =	sbr.rel @p1 .LBB2_12-.Ltmp7, $4  }
0xc3: {  	v9 =	vld [tilespmem:s24+$0x31B0];
	v4 =	vadd.f32 v12, v4  }
0xc4: {  	v10 =	vld [tilespmem:s24+$0x31C0];
	v5 =	vadd.f32 v13, v5  }
0xc5: {  	v6 =	vadd.f32 v14, v6;
	v11 =	vld [tilespmem:s24+$0x31D0]  }
0xc6: {  	v7 =	vadd.f32 v15, v7;
	v12 =	vld [tilespmem:s24+$0x31E0];
	s24 =	sshra.s32 s25, $0x2;
	s25 =	sadd.s32 $0x200, s25  }
0xc7: {  	v13 =	vld [tilespmem:s24+$0x31F0]  }
0xc8: {  	v14 =	vld [tilespmem:s24+$0x3180]  }
0xc9: {  	v15 =	vld [tilespmem:s24+$0x3190]  }
0xca: {  	v16 =	vld [tilespmem:s24+$0x31A0]  }
0xcb: {  	v17 =	vld [tilespmem:s24+$0x31B0]  }
0xcc: {  	v18 =	vld [tilespmem:s24+$0x31C0]  }
0xcd: {  	v19 =	vld [tilespmem:s24+$0x31D0]  }
0xce: {  	v20 =	vld [tilespmem:s24+$0x31E0];
	_ =	swait.ge [sflag:s18], $0x3180  }
0xcf: {  	[sflag:s18] =	ssyncset.done $0x0  }
0xd0: {  	s26 =	simm.s32 $0x0;
	[sflag:s18] =	ssyncadd.s32 $0xFFFFCE80  }
0xd1: {  	v0 =	vadd.f32 v8, v0;
	v1 =	vadd.f32 v9, v1;
	v9 =	vld [tilespmem:s26+$0x6370]  }
0xd2: {  	v2 =	vadd.f32 v10, v2;
	v8 =	vadd.f32 v11, v3;
	v10 =	vld [tilespmem:s26+$0x6300]  }
0xd3: {  	v11 =	vadd.f32 v12, v4;
	v12 =	vadd.f32 v13, v5;
	v13 =	vld [tilespmem:s26+$0x6310]  }
0xd4: {  	v14 =	vadd.f32 v14, v6;
	v15 =	vadd.f32 v15, v7;
	v6 =	vld [tilespmem:s26+$0x6320]  }
0xd5: {  	v5 =	vadd.f32 v16, v0;
	v4 =	vadd.f32 v17, v1;
	v7 =	vld [tilespmem:s26+$0x6330]  }
0xd6: {  	v3 =	vadd.f32 v18, v2;
	v2 =	vadd.f32 v19, v8;
	v8 =	vld [tilespmem:s26+$0x6340]  }
0xd7: {  	v1 =	vadd.f32 v20, v11;
	v0 =	vadd.f32 v9, v12;
	v9 =	vld [tilespmem:s26+$0x6350]  }
0xd8: {  	s24 =	simm.s32 $0x80;
	s25 =	simm.s32 $0x400;
	v10 =	vadd.f32 v10, v14;
	v12 =	vld [tilespmem:s26+$0x6360];
	v11 =	vadd.f32 v13, v15  }
.LBB2_14:
0xd9: {  	p1 =	sne.s32 s25, $0xC400;
	v13 =	vld [tilespmem:s24+$0x6370];
	v5 =	vadd.f32 v6, v5  }
0xda: {  	v14 =	vld [tilespmem:s24+$0x6300];
	v4 =	vadd.f32 v7, v4  }
0xdb: {  	v15 =	vld [tilespmem:s24+$0x6310];
	v3 =	vadd.f32 v8, v3  }
.Ltmp8:
0xdc: {  	v6 =	vld [tilespmem:s24+$0x6320];
	v2 =	vadd.f32 v9, v2;
	(pc) =	sbr.rel @p1 .LBB2_14-.Ltmp8, $4  }
0xdd: {  	v7 =	vld [tilespmem:s24+$0x6330];
	v1 =	vadd.f32 v12, v1  }
0xde: {  	v8 =	vld [tilespmem:s24+$0x6340];
	v0 =	vadd.f32 v13, v0  }
0xdf: {  	v10 =	vadd.f32 v14, v10;
	v9 =	vld [tilespmem:s24+$0x6350]  }
0xe0: {  	v11 =	vadd.f32 v15, v11;
	v12 =	vld [tilespmem:s24+$0x6360];
	s24 =	sshra.s32 s25, $0x2;
	s25 =	sadd.s32 $0x200, s25  }
0xe1: {  	v14 =	vld [tilespmem:s24+$0x6300]  }
0xe2: {  	v15 =	vld [tilespmem:s24+$0x6310]  }
0xe3: {  	v16 =	vld [tilespmem:s24+$0x6320]  }
0xe4: {  	v17 =	vld [tilespmem:s24+$0x6330]  }
0xe5: {  	v18 =	vld [tilespmem:s24+$0x6340]  }
0xe6: {  	v5 =	vadd.f32 v6, v5;
	v61 =	vld [tilespmem:s24+$0x6350];
	v60 =	vadd.f32 v14, v10  }
0xe7: {  	v13 =	vld [tilespmem:s24+$0x6370];
	v4 =	vadd.f32 v7, v4;
	v62 =	vadd.f32 v15, v11  }
0xe8: {  	v63 =	vld [tilespmem:s24+$0x6360];
	v3 =	vadd.f32 v8, v3;
	v5 =	vadd.f32 v16, v5;
	[tilespmem:$0xCE00] =	vst v60  }
0xe9: {  	v2 =	vadd.f32 v9, v2;
	v4 =	vadd.f32 v17, v4;
	[tilespmem:$0xCE10] =	vst v62  }
0xea: {  	v3 =	vadd.f32 v18, v3;
	[tilespmem:$0xCE20] =	vst v5  }
0xeb: {  	v1 =	vadd.f32 v12, v1;
	v2 =	vadd.f32 v61, v2;
	[tilespmem:$0xCE30] =	vst v4  }
0xec: {  	v0 =	vadd.f32 v13, v0;
	[tilespmem:$0xCE40] =	vst v3  }
0xed: {  	v1 =	vadd.f32 v63, v1;
	[tilespmem:$0xCE50] =	vst v2  }
0xee: {  	[tilespmem:$0xCE70] =	vst v0  }
0xef: {  	[tilespmem:$0xCE60] =	vst v1  }
0xf0: {  	[spmem:s10] =	stream.linear.scatter [tilespmem:s20], [sflag:$0x5], $0x80, $0x38;
	[tilespmem:$0xCF00] =	vst v63  }
.Ltmp9:
0xf1: {  	_ =	swait.ge [sflag:s21], $0x80;
	(pc) =	sbr.rel @p0 .LBB2_19-.Ltmp9, $3  }
0xf2: {  	[sflag:s21] =	ssyncset.done $0x0  }
0xf3: {  	[sflag:s21] =	ssyncadd.s32 $0xFFFFFF80  }
0xf4: {  	[bflag:$0x0] =	sbarrier.arrive $0xFFFF;
	_ =	sdelay $0x1  }
0xf5: {  	[tilespmem:s22], [sflag:$0x5] =	stream.linear.gather [spmem:s1], $0x800, $0x38;
	[tilespmem:$0xCF00] =	vst v63  }
0xf6: {  	_ =	swait.ge [sflag:s21], $0x800  }
0xf7: {  	[sflag:s21] =	ssyncset.done $0x0  }
0xf8: {  	s26 =	simm.s32 $0x0;
	[sflag:s21] =	ssyncadd.s32 $0xFFFFF800  }
0xf9: {  	v0 =	vld [tilespmem:s26+$0xC670]  }
0xfa: {  	v2 =	vld [tilespmem:s26+$0xC600]  }
0xfb: {  	v3 =	vld [tilespmem:s26+$0xC610]  }
0xfc: {  	v11 =	vld [tilespmem:s26+$0xC620]  }
0xfd: {  	v10 =	vld [tilespmem:s26+$0xC630]  }
0xfe: {  	v1 =	vimm.f32 $0.0e+00;
	v6 =	vimm.f32 $0.0e+00;
	v7 =	vld [tilespmem:s26+$0xC640]  }
0xff: {  	v8 =	vimm.f32 $0.0e+00;
	v4 =	vimm.f32 $0.0e+00;
	v9 =	vld [tilespmem:s26+$0xC650];
	v0 =	vadd.f32 v0, v1  }
0x100: {  	s24 =	simm.s32 $0x80;
	s25 =	simm.s32 $0x400;
	v12 =	vld [tilespmem:s26+$0xC660];
	v5 =	vadd.f32 v2, v1;
	v3 =	vadd.f32 v3, v1;
	v2 =	vimm.f32 $0.0e+00  }
.LBB2_17:
0x101: {  	p1 =	sne.s32 s25, $0x1E00;
	v13 =	vld [tilespmem:s24+$0xC670];
	v1 =	vadd.f32 v11, v1  }
0x102: {  	v6 =	vadd.f32 v10, v6;
	v14 =	vld [tilespmem:s24+$0xC600]  }
0x103: {  	v8 =	vadd.f32 v7, v8;
	v15 =	vld [tilespmem:s24+$0xC610]  }
.Ltmp10:
0x104: {  	v4 =	vadd.f32 v9, v4;
	v11 =	vld [tilespmem:s24+$0xC620];
	(pc) =	sbr.rel @p1 .LBB2_17-.Ltmp10, $4  }
0x105: {  	v2 =	vadd.f32 v12, v2;
	v10 =	vld [tilespmem:s24+$0xC630]  }
0x106: {  	v7 =	vld [tilespmem:s24+$0xC640];
	v0 =	vadd.f32 v13, v0  }
0x107: {  	v5 =	vadd.f32 v14, v5;
	v9 =	vld [tilespmem:s24+$0xC650]  }
0x108: {  	v3 =	vadd.f32 v15, v3;
	v12 =	vld [tilespmem:s24+$0xC660];
	s24 =	sshra.s32 s25, $0x2;
	s25 =	sadd.s32 $0x200, s25  }
.Ltmp11:
0x109: {  	_ = 	snop;
	(pc) =	sbr.rel .LBB2_18-.Ltmp11, $1  }
0x10a: {  	_ =	sdelay $0x3  }
.LBB2_20:
0x10b: {  	_ =	sfence.sel $0x180000  }
0x10c: {  	[bflag:$0x0] =	sbarrier.arrive $0xFFFF  }
0x10d: {  	_ =	strace $0x90000047  }
0x10e: {  	s0 =	sadd.s32 @!p0 $0x100000, s0;
	[bflag:$0x2] =	sbarrier.arrive $0xFFFF  }
0x10f: {  	[sflag:s0] =	ssyncadd.tile.s32 @!p0 $0x1;
	_ =	shalt  }
.Lfunc_end2:
_tile_overlayer_lowered:
.L_overlay_start_2:
0x110: {  	(tag) =	ssettag $0x2  }
0x111: {  	s0 =	rddreg [dreg:$0x0];
	s2 =	stileid.u32  }
0x112: {  	s1 =	rddreg [dreg:$0x1];
	p0 =	sne.s32 s2, $0x0  }
0x113: {  	s3 =	rddreg [dreg:$0x2];
	[bflag:$0x3] =	sbarrier.arrive $0xFFFF;
	s2 =	simm.s32 @!p0 $0x1C05  }
0x114: {  	[timem:s3], [sflag:s2] =	dma.local @!p0 [hbm:s0], s1  }
0x115: {  	s0 =	simm.s32 @!p0 $0x5  }
0x116: {  	_ =	swait.ge @!p0 [sflag:s0], s1  }
0x117: {  	s1 =	ssub.s32 @!p0 $0x0, s1;
	[sflag:s0] =	ssyncset.done @!p0 $0x0  }
0x118: {  	[sflag:s0] =	ssyncadd.s32 @!p0 s1  }
0x119: {  	[bflag:$0x3] =	sbarrier.arrive $0xFFFF  }
0x11a: {  	_ =	shalt  }

</sc_bundles>
